<compile_context>
chip_gen: v7x
topology: tpu7x:2x2x1
jax: 0.10.2.dev20260603
libtpu: 0.0.44.dev20260713+nightly
codegen_flags: <defaults>
</compile_context>

<pallas_src>
import functools

import jax
import jax.numpy as jnp
from jax import lax
from jax.experimental import pallas as pl
from jax.experimental.pallas import tpu as pltpu
from jax.experimental.pallas import tpu_sc as plsc

NC = 2
NS = 16
NW = NC * NS
L = 16

ECH = 128
EC = 128
NB = 2
N_PAD = 10240


def _hist_body(nchunk, ei_hbm, cnt_hbm, row_v, ones_v, z_v, hist_sh, sem):
    del sem
    cid = lax.axis_index("c")
    sid = lax.axis_index("s")
    wid = cid * NS + sid
    rows_per_tile = N_PAD // NS

    pltpu.sync_copy(ei_hbm.at[0].at[pl.ds(wid * nchunk * ECH, nchunk * ECH)],
                    row_v)

    def fill_ones(i, c):
        ones_v[pl.ds(i * L, L)] = jnp.full((L,), 1.0, jnp.float32)
        return c

    lax.fori_loop(0, ECH // L + 1, fill_ones, 0)

    def fill_zeros(i, c):
        z_v[pl.ds(i * L, L)] = jnp.zeros((L,), jnp.float32)
        return c

    lax.fori_loop(0, rows_per_tile // L, fill_zeros, 0)
    pltpu.sync_copy(z_v, hist_sh.at[pl.ds(sid * rows_per_tile, rows_per_tile)])
    plsc.subcore_barrier()

    def step(j, c):
        pltpu.sync_copy(ones_v.at[pl.ds(0, ECH)],
                        hist_sh.at[row_v.at[pl.ds(j * ECH, ECH)]], add=True)
        return c

    lax.fori_loop(0, nchunk, step, 0)
    plsc.subcore_barrier()
    pltpu.sync_copy(
        hist_sh.at[pl.ds(sid * rows_per_tile, rows_per_tile)],
        cnt_hbm.at[cid].at[pl.ds(sid * rows_per_tile, rows_per_tile)],
    )


def _degree_histogram(edge_index):
    e = edge_index.shape[1]
    nchunk = e // (NW * ECH)
    mesh = plsc.VectorSubcoreMesh(core_axis_name="c", subcore_axis_name="s")
    return pl.kernel(
        functools.partial(_hist_body, nchunk),
        out_type=jax.ShapeDtypeStruct((NC, N_PAD), jnp.float32),
        mesh=mesh,
        scratch_types=[
            pltpu.VMEM((nchunk * ECH,), jnp.int32),
            pltpu.VMEM(((ECH // L + 1) * L,), jnp.float32),
            pltpu.VMEM((N_PAD // NS,), jnp.float32),
            pltpu.VMEM_SHARED((N_PAD,), jnp.float32),
            pltpu.SemaphoreType.DMA,
        ],
    )(edge_index)


def _matmul_body(x_ref, w_ref, h_ref):
    h_ref[...] = jnp.dot(x_ref[...], w_ref[...],
                         preferred_element_type=jnp.float32)


def _matmul(x, W):
    n, d = x.shape
    blk = 1000
    return pl.pallas_call(
        _matmul_body,
        grid=(n // blk,),
        in_specs=[
            pl.BlockSpec((blk, d), lambda i: (i, 0)),
            pl.BlockSpec((d, d), lambda i: (0, 0)),
        ],
        out_specs=pl.BlockSpec((blk, d), lambda i: (i, 0)),
        out_shape=jax.ShapeDtypeStruct((n, d), jnp.float32),
    )(x, W)


def _prep_body(h_ref, cnt_ref, hs_ref, dis_ref):
    cnt = cnt_ref[...]
    deg = cnt[:, 0:1] + cnt[:, 1:2] + 1.0
    dis = lax.rsqrt(deg)
    hs_ref[...] = h_ref[...] * dis
    dis_ref[...] = dis


def _prep(h, cnt_t):
    n, d = h.shape
    blk = 1000
    grid = n // blk
    return pl.pallas_call(
        _prep_body,
        grid=(grid,),
        in_specs=[
            pl.BlockSpec((blk, d), lambda i: (i, 0)),
            pl.BlockSpec((blk, 2), lambda i: (i, 0)),
        ],
        out_specs=[
            pl.BlockSpec((blk, d), lambda i: (i, 0)),
            pl.BlockSpec((blk, 1), lambda i: (i, 0)),
        ],
        out_shape=[
            jax.ShapeDtypeStruct((n, d), jnp.float32),
            jax.ShapeDtypeStruct((n, 1), jnp.float32),
        ],
    )(h, cnt_t)


NI = 2 * NB


def _scatter_body(nchunk, hs_hbm, ei_hbm, part_hbm,
                  ri, ci, bufs, acc_sh, *sems):
    isr = sems[:NI]
    isc = sems[NI:2 * NI]
    gsem = sems[2 * NI:2 * NI + NB]
    ssem = sems[2 * NI + NB:]
    cid = lax.axis_index("c")
    sid = lax.axis_index("s")
    wid = cid * NS + sid
    rows_per_tile = N_PAD // NS
    zb = 128

    base = wid * nchunk * EC
    row_flat = ei_hbm.at[0]
    col_flat = ei_hbm.at[1]

    def rsrc_at(j):
        return row_flat.at[pl.ds(base + j * EC, EC)]

    def csrc_at(j):
        return col_flat.at[pl.ds(base + j * EC, EC)]

    def zero_row(i, c):
        for k in range(bufs.shape[1] // L):
            bufs[i, pl.ds(k * L, L)] = jnp.zeros((L,), jnp.float32)
        return c

    lax.fori_loop(0, zb, zero_row, 0)
    for k in range(rows_per_tile // zb):
        pltpu.sync_copy(bufs.at[pl.ds(0, zb)],
                        acc_sh.at[pl.ds(sid * rows_per_tile + k * zb, zb)])
    plsc.subcore_barrier()

    def buf(s):
        return bufs.at[pl.ds(s * EC, EC)]

    def idx_load(j, m):
        pltpu.async_copy(rsrc_at(j), ri.at[m], isr[m])
        pltpu.async_copy(csrc_at(j), ci.at[m], isc[m])

    def idx_wait_r(j, m):
        pltpu.make_async_copy(rsrc_at(j), ri.at[m], isr[m]).wait()

    def idx_wait_c(j, m):
        pltpu.make_async_copy(csrc_at(j), ci.at[m], isc[m]).wait()

    def gather(m, s):
        pltpu.async_copy(hs_hbm.at[ri.at[m]], buf(s), gsem[s])

    def gather_wait(m, s):
        pltpu.make_async_copy(hs_hbm.at[ri.at[m]], buf(s), gsem[s]).wait()

    def scatter(m, s):
        pltpu.async_copy(buf(s), acc_sh.at[ci.at[m]], ssem[s], add=True)

    def scatter_wait(m, s):
        pltpu.make_async_copy(buf(s), acc_sh.at[ci.at[m]], ssem[s]).wait()

    def step(j, m, s, first, has_next, load_ok):
        mn = (m + 1) % NI
        if has_next:
            idx_wait_r(j + 1, mn)
        if not first:
            scatter_wait((m + NI - 1) % NI, (s + NB - 1) % NB)
        if has_next:
            gather(mn, (s + 1) % NB)
        gather_wait(m, s)
        idx_wait_c(j, m)
        scatter(m, s)
        if load_ok:
            idx_load(j + NI - 1, (m + NI - 1) % NI)

    for t in range(NI - 1):
        idx_load(t, t)
    idx_wait_r(0, 0)
    gather(0, 0)
    step(0, 0, 0, True, True, True)

    nfull = (nchunk - NI) // NI

    def body(k, c):
        for t in range(NI):
            j = 1 + NI * k + t
            step(j, (1 + t) % NI, (1 + t) % NB, False, True, True)
        return c

    lax.fori_loop(0, nfull, body, 0)
    for j in range(1 + NI * nfull, nchunk):
        step(j, j % NI, j % NB, False, j + 1 < nchunk, j + NI - 1 < nchunk)
    scatter_wait((nchunk - 1) % NI, (nchunk - 1) % NB)

    plsc.subcore_barrier()
    pltpu.sync_copy(
        acc_sh.at[pl.ds(sid * rows_per_tile, rows_per_tile)],
        part_hbm.at[cid].at[pl.ds(sid * rows_per_tile, rows_per_tile)],
    )


def _edge_scatter(hs, edge_index):
    d = hs.shape[1]
    e = edge_index.shape[1]
    nchunk = e // (NW * EC)
    mesh = plsc.VectorSubcoreMesh(core_axis_name="c", subcore_axis_name="s")
    return pl.kernel(
        functools.partial(_scatter_body, nchunk),
        out_type=jax.ShapeDtypeStruct((NC, N_PAD, d), jnp.float32),
        mesh=mesh,
        scratch_types=[
            pltpu.VMEM((NI, EC), jnp.int32),
            pltpu.VMEM((NI, EC), jnp.int32),
            pltpu.VMEM((NB * EC, d), jnp.float32),
            pltpu.VMEM_SHARED((N_PAD, d), jnp.float32),
        ] + [pltpu.SemaphoreType.DMA] * (2 * NI + 2 * NB),
    )(hs, edge_index)


def _final_body(p_ref, hs_ref, dis_ref, b_ref, o_ref):
    p = p_ref[0] + p_ref[1]
    o_ref[...] = (p + hs_ref[...]) * dis_ref[...] + b_ref[...]


def _final(parts, hs, dis, b2):
    n, d = hs.shape
    blk = 1000
    grid = n // blk
    row_spec = pl.BlockSpec((blk, d), lambda i: (i, 0))
    return pl.pallas_call(
        _final_body,
        grid=(grid,),
        in_specs=[
            pl.BlockSpec((NC, blk, d), lambda i: (0, i, 0)),
            row_spec,
            pl.BlockSpec((blk, 1), lambda i: (i, 0)),
            pl.BlockSpec((1, d), lambda i: (0, 0)),
        ],
        out_specs=row_spec,
        out_shape=jax.ShapeDtypeStruct((n, d), jnp.float32),
    )(parts, hs, dis, b2)


@jax.jit
def kernel(x, edge_index, W, b):
    n, d = x.shape
    e = edge_index.shape[1]
    assert n <= N_PAD

    e_pad = -(-e // (NW * EC)) * (NW * EC)
    padl = e_pad - e
    pad_n = jnp.full((padl,), n, jnp.int32)
    row_hist = jnp.concatenate([edge_index[0], pad_n])[None, :]
    ei_pad = jnp.concatenate(
        [edge_index,
         jnp.stack([jnp.zeros((padl,), jnp.int32), pad_n])], axis=1)

    h = _matmul(x, W)
    cnt = _degree_histogram(row_hist)
    cnt_t = cnt[:, :n].T
    hs, dis = _prep(h, cnt_t)
    parts = _edge_scatter(hs, ei_pad)
    return _final(parts, hs, dis, b.reshape(1, d))

# --- scband reference (transcript-rebuilt; emitter-appended) ---
"""Pipeline reference for scband-gcnconv-88424786690100 (READ-ONLY COPY).

The authoritative reference and input builder live on the scoring server;
editing this copy changes nothing except your own understanding.
"""

import jax, jax.numpy as jnp
import numpy as np

N_NODES = 10000
N_EDGES = 320000
D_IN = 128
D_OUT = 128


def setup_inputs(seed: int = 0) -> dict:
    key = jax.random.key(seed)
    k1, k2, k3, k4 = jax.random.split(key, 4)
    x = jax.random.normal(k1, (N_NODES, D_IN), dtype=jnp.float32)
    edge_index = jax.random.randint(k2, (2, N_EDGES), 0, N_NODES, dtype=jnp.int32)
    # flax nnx.Linear kernel: shape (in_features, out_features), lecun_normal-ish init
    W = jax.random.normal(k3, (D_IN, D_OUT), dtype=jnp.float32) / np.sqrt(D_IN)
    b = jnp.zeros((D_OUT,), dtype=jnp.float32)
    return {"x": x, "edge_index": edge_index, "W": W, "b": b}


def reference(x, edge_index, W, b):
    num_nodes = x.shape[0]
    self_loops = jnp.arange(num_nodes, dtype=edge_index.dtype)
    self_loop_edges = jnp.stack([self_loops, self_loops], axis=0)
    edge_index_with_loops = jnp.hstack([edge_index, self_loop_edges])
    row, col = edge_index_with_loops[0], edge_index_with_loops[1]
    deg = jax.ops.segment_sum(jnp.ones_like(row, dtype=jnp.float32), row, num_segments=num_nodes)
    deg_inv_sqrt = jnp.power(deg, -0.5)
    deg_inv_sqrt = jnp.where(jnp.isinf(deg_inv_sqrt), 0.0, deg_inv_sqrt)
    edge_weight = deg_inv_sqrt[row] * deg_inv_sqrt[col]
    h = x @ W
    messages = h[row] * edge_weight[:, None]
    out = jax.ops.segment_sum(messages, col, num_segments=num_nodes)
    return out + b

if __name__ == "__main__":
    import jax
    _d = setup_inputs()
    print(jax.jit(kernel)(*tuple(_d.values())))

</pallas_src>

<mosaic_0001>
#map = affine_map<(d0, d1) -> (0, 0)>
module attributes {stable_mosaic.version = 14 : i64} {
  func.func @_hist_body(%arg0: i32, %arg1: i32, %arg2: memref<1x323584xi32, #tpu.memory_space<hbm>>, %arg3: memref<2x10240xf32, #tpu.memory_space<hbm>>, %arg4: memref<10112xi32, #tpu.memory_space<vmem>>, %arg5: memref<144xf32, #tpu.memory_space<vmem>>, %arg6: memref<640xf32, #tpu.memory_space<vmem>>, %arg7: memref<10240xf32, #tpu.memory_space<vmem_shared>>, %arg8: memref<!tpu.dma_semaphore, #tpu.memory_space<semaphore_mem>>) attributes {dimension_semantics = [#tpu.dimension_semantics<core_parallel>, #tpu.dimension_semantics<subcore_parallel>], iteration_bounds = array<i64: 2, 16>, scalar_prefetch = 0 : i64, scratch_operands = 5 : i64, tpu.core_type = #tpu.core_type<sc_vector_subcore>, window_params = [{transform_indices = #map}, {transform_indices = #map}]} {
    %mul3A = arith.constant 16 : i32
    %mul3A_0 = arith.muli %arg0, %mul3A : i32
    %add3A = arith.addi %mul3A_0, %arg1 : i32
    %mul3A_1 = arith.constant 79 : i32
    %mul3A_2 = arith.muli %add3A, %mul3A_1 : i32
    %mul3A_3 = arith.constant 128 : i32
    %mul3A_4 = arith.muli %mul3A_2, %mul3A_3 : i32
    %run_scoped3A = arith.constant 0 : i32
    "tpu.region"() ({
      %run_scoped3A_29 = tpu.sem_alloc : memref<!tpu.dma_semaphore, #tpu.memory_space<semaphore_mem>>
      %dma_start3A = arith.constant 0 : i32
      %dma_start3A_30 = tpu.memref_slice %arg2[%run_scoped3A, %dma_start3A] : memref<1x323584xi32, #tpu.memory_space<hbm>> -> memref<1x323584xi32, #tpu.memory_space<hbm>>
      %dma_start3A_31 = tpu.memref_squeeze %dma_start3A_30 : memref<1x323584xi32, #tpu.memory_space<hbm>> -> memref<323584xi32, #tpu.memory_space<hbm>>
      %dma_start3A_32 = tpu.memref_slice %dma_start3A_31[%mul3A_4] : memref<323584xi32, #tpu.memory_space<hbm>> -> memref<10112xi32, #tpu.memory_space<hbm>>
      %dma_start3A_33 = arith.constant 0 : i32
      %dma_start3A_34 = tpu.memref_slice %arg2[%run_scoped3A, %dma_start3A_33] : memref<1x323584xi32, #tpu.memory_space<hbm>> -> memref<1x323584xi32, #tpu.memory_space<hbm>>
      %dma_start3A_35 = tpu.memref_squeeze %dma_start3A_34 : memref<1x323584xi32, #tpu.memory_space<hbm>> -> memref<323584xi32, #tpu.memory_space<hbm>>
      %dma_start3A_36 = tpu.memref_slice %dma_start3A_35[%mul3A_4] : memref<323584xi32, #tpu.memory_space<hbm>> -> memref<10112xi32, #tpu.memory_space<hbm>>
      tpu.enqueue_dma source(%dma_start3A_36 : memref<10112xi32, #tpu.memory_space<hbm>>) target(%arg4 : memref<10112xi32, #tpu.memory_space<vmem>>) target_semaphore(%run_scoped3A_29 : memref<!tpu.dma_semaphore, #tpu.memory_space<semaphore_mem>>)
      %dma_wait3A = arith.constant 0 : i32
      %dma_wait3A_37 = tpu.memref_slice %arg2[%run_scoped3A, %dma_wait3A] : memref<1x323584xi32, #tpu.memory_space<hbm>> -> memref<1x323584xi32, #tpu.memory_space<hbm>>
      %dma_wait3A_38 = tpu.memref_squeeze %dma_wait3A_37 : memref<1x323584xi32, #tpu.memory_space<hbm>> -> memref<323584xi32, #tpu.memory_space<hbm>>
      %dma_wait3A_39 = tpu.memref_slice %dma_wait3A_38[%mul3A_4] : memref<323584xi32, #tpu.memory_space<hbm>> -> memref<10112xi32, #tpu.memory_space<hbm>>
      %dma_wait3A_40 = arith.constant 0 : i32
      %dma_wait3A_41 = tpu.memref_slice %arg2[%run_scoped3A, %dma_wait3A_40] : memref<1x323584xi32, #tpu.memory_space<hbm>> -> memref<1x323584xi32, #tpu.memory_space<hbm>>
      %dma_wait3A_42 = tpu.memref_squeeze %dma_wait3A_41 : memref<1x323584xi32, #tpu.memory_space<hbm>> -> memref<323584xi32, #tpu.memory_space<hbm>>
      %dma_wait3A_43 = tpu.memref_slice %dma_wait3A_42[%mul3A_4] : memref<323584xi32, #tpu.memory_space<hbm>> -> memref<10112xi32, #tpu.memory_space<hbm>>
      tpu.wait_dma2 semaphore(%run_scoped3A_29 : memref<!tpu.dma_semaphore, #tpu.memory_space<semaphore_mem>>) src(%dma_wait3A_43 : memref<10112xi32, #tpu.memory_space<hbm>>) dst(%arg4 : memref<10112xi32, #tpu.memory_space<vmem>>)
      tpu.yield
    }) : () -> ()
    %scan3A = arith.constant 0 : i32
    %scan3A_5 = arith.constant 0 : i32
    %scan3A_6 = arith.constant 9 : i32
    %scan3A_7 = arith.addi %scan3A_5, %scan3A_6 : i32
    %scan3A_8 = arith.constant 1 : i32
    scf.for %scan3A_29 = %scan3A_5 to %scan3A_7 step %scan3A_8  : i32 {
      %broadcast_in_dim3A = arith.constant 1.000000e+00 : f32
      %broadcast_in_dim3A_30 = vector.broadcast %broadcast_in_dim3A : f32 to vector<16xf32>
      %mul3A_31 = arith.constant 16 : i32
      %mul3A_32 = arith.muli %scan3A_29, %mul3A_31 : i32
      %swap3A = arith.index_cast %mul3A_32 : i32 to index
      %swap3A_33 = tpu.vector_load %arg5[%swap3A] {strides = array<i32>} : memref<144xf32, #tpu.memory_space<vmem>>, vector<16xf32>,
      %swap3A_34 = vector.shape_cast %swap3A_33 : vector<16xf32> to vector<16xf32>
      %swap3A_35 = vector.shape_cast %broadcast_in_dim3A_30 : vector<16xf32> to vector<16xf32>
      tpu.vector_store %arg5[%swap3A], %swap3A_35 {strides = array<i32>} : memref<144xf32, #tpu.memory_space<vmem>>, vector<16xf32>,
    }
    %scan3A_9 = arith.constant 9 : i32
    %scan3A_10 = arith.constant 0 : i32
    %scan3A_11 = arith.constant 0 : i32
    %scan3A_12 = arith.constant 40 : i32
    %scan3A_13 = arith.addi %scan3A_11, %scan3A_12 : i32
    %scan3A_14 = arith.constant 1 : i32
    scf.for %scan3A_29 = %scan3A_11 to %scan3A_13 step %scan3A_14  : i32 {
      %broadcast_in_dim3A = arith.constant 0.000000e+00 : f32
      %broadcast_in_dim3A_30 = vector.broadcast %broadcast_in_dim3A : f32 to vector<16xf32>
      %mul3A_31 = arith.constant 16 : i32
      %mul3A_32 = arith.muli %scan3A_29, %mul3A_31 : i32
      %swap3A = arith.index_cast %mul3A_32 : i32 to index
      %swap3A_33 = tpu.vector_load %arg6[%swap3A] {strides = array<i32>} : memref<640xf32, #tpu.memory_space<vmem>>, vector<16xf32>,
      %swap3A_34 = vector.shape_cast %swap3A_33 : vector<16xf32> to vector<16xf32>
      %swap3A_35 = vector.shape_cast %broadcast_in_dim3A_30 : vector<16xf32> to vector<16xf32>
      tpu.vector_store %arg6[%swap3A], %swap3A_35 {strides = array<i32>} : memref<640xf32, #tpu.memory_space<vmem>>, vector<16xf32>,
    }
    %scan3A_15 = arith.constant 40 : i32
    %mul3A_16 = arith.constant 640 : i32
    %mul3A_17 = arith.muli %arg1, %mul3A_16 : i32
    "tpu.region"() ({
      %run_scoped3A_29 = tpu.sem_alloc : memref<!tpu.dma_semaphore, #tpu.memory_space<semaphore_mem>>
      %dma_start3A = tpu.memref_slice %arg7[%mul3A_17] : memref<10240xf32, #tpu.memory_space<vmem_shared>> -> memref<640xf32, #tpu.memory_space<vmem_shared>>
      %dma_start3A_30 = tpu.memref_slice %arg7[%mul3A_17] : memref<10240xf32, #tpu.memory_space<vmem_shared>> -> memref<640xf32, #tpu.memory_space<vmem_shared>>
      tpu.enqueue_dma source(%arg6 : memref<640xf32, #tpu.memory_space<vmem>>) target(%dma_start3A_30 : memref<640xf32, #tpu.memory_space<vmem_shared>>) target_semaphore(%run_scoped3A_29 : memref<!tpu.dma_semaphore, #tpu.memory_space<semaphore_mem>>)
      %dma_wait3A = tpu.memref_slice %arg7[%mul3A_17] : memref<10240xf32, #tpu.memory_space<vmem_shared>> -> memref<640xf32, #tpu.memory_space<vmem_shared>>
      %dma_wait3A_31 = tpu.memref_slice %arg7[%mul3A_17] : memref<10240xf32, #tpu.memory_space<vmem_shared>> -> memref<640xf32, #tpu.memory_space<vmem_shared>>
      tpu.wait_dma2 semaphore(%run_scoped3A_29 : memref<!tpu.dma_semaphore, #tpu.memory_space<semaphore_mem>>) src(%arg6 : memref<640xf32, #tpu.memory_space<vmem>>) dst(%dma_wait3A_31 : memref<640xf32, #tpu.memory_space<vmem_shared>>)
      tpu.yield
    }) : () -> ()
    %barrier3A = arith.constant 0 : index
    tpu.barrier barrier_id(%barrier3A)
    %scan3A_18 = arith.constant 0 : i32
    %scan3A_19 = arith.constant 0 : i32
    %scan3A_20 = arith.constant 79 : i32
    %scan3A_21 = arith.addi %scan3A_19, %scan3A_20 : i32
    %scan3A_22 = arith.constant 1 : i32
    scf.for %scan3A_29 = %scan3A_19 to %scan3A_21 step %scan3A_22  : i32 {
      %mul3A_30 = arith.constant 128 : i32
      %mul3A_31 = arith.muli %scan3A_29, %mul3A_30 : i32
      "tpu.region"() ({
        %run_scoped3A_32 = tpu.sem_alloc : memref<!tpu.dma_semaphore, #tpu.memory_space<semaphore_mem>>
        %dma_start3A = arith.constant 0 : i32
        %dma_start3A_33 = tpu.memref_slice %arg5[%dma_start3A] : memref<144xf32, #tpu.memory_space<vmem>> -> memref<128xf32, #tpu.memory_space<vmem>>
        %dma_start3A_34 = tpu.memref_slice %arg4[%mul3A_31] : memref<10112xi32, #tpu.memory_space<vmem>> -> memref<128xi32, #tpu.memory_space<vmem>>
        %dma_start3A_35 = arith.constant 0 : i32
        %dma_start3A_36 = tpu.memref_slice %arg7[%dma_start3A_35] : memref<10240xf32, #tpu.memory_space<vmem_shared>> -> memref<10240xf32, #tpu.memory_space<vmem_shared>>
        tpu.enqueue_indirect_dma source(%dma_start3A_33 : memref<128xf32, #tpu.memory_space<vmem>>) target(%dma_start3A_36 : memref<10240xf32, #tpu.memory_space<vmem_shared>>) offsets(%dma_start3A_34 : memref<128xi32, #tpu.memory_space<vmem>>) semaphore(%run_scoped3A_32 : memref<!tpu.dma_semaphore, #tpu.memory_space<semaphore_mem>>) {add = true}
        %dma_wait3A = arith.constant 0 : i32
        %dma_wait3A_37 = tpu.memref_slice %arg5[%dma_wait3A] : memref<144xf32, #tpu.memory_space<vmem>> -> memref<128xf32, #tpu.memory_space<vmem>>
        %dma_wait3A_38 = tpu.memref_slice %arg4[%mul3A_31] : memref<10112xi32, #tpu.memory_space<vmem>> -> memref<128xi32, #tpu.memory_space<vmem>>
        %dma_wait3A_39 = arith.constant 0 : i32
        %dma_wait3A_40 = tpu.memref_slice %arg7[%dma_wait3A_39] : memref<10240xf32, #tpu.memory_space<vmem_shared>> -> memref<10240xf32, #tpu.memory_space<vmem_shared>>
        tpu.wait_indirect_dma semaphore(%run_scoped3A_32 : memref<!tpu.dma_semaphore, #tpu.memory_space<semaphore_mem>>) src(%dma_wait3A_37 : memref<128xf32, #tpu.memory_space<vmem>>) dst(%dma_wait3A_40 : memref<10240xf32, #tpu.memory_space<vmem_shared>>)
        tpu.yield
      }) : () -> ()
    }
    %scan3A_23 = arith.constant 79 : i32
    %barrier3A_24 = arith.constant 0 : index
    tpu.barrier barrier_id(%barrier3A_24)
    %mul3A_25 = arith.constant 640 : i32
    %mul3A_26 = arith.muli %arg1, %mul3A_25 : i32
    %mul3A_27 = arith.constant 640 : i32
    %mul3A_28 = arith.muli %arg1, %mul3A_27 : i32
    "tpu.region"() ({
      %run_scoped3A_29 = tpu.sem_alloc : memref<!tpu.dma_semaphore, #tpu.memory_space<semaphore_mem>>
      %dma_start3A = arith.constant 0 : i32
      %dma_start3A_30 = tpu.memref_slice %arg3[%arg0, %dma_start3A] : memref<2x10240xf32, #tpu.memory_space<hbm>> -> memref<1x10240xf32, #tpu.memory_space<hbm>>
      %dma_start3A_31 = tpu.memref_squeeze %dma_start3A_30 : memref<1x10240xf32, #tpu.memory_space<hbm>> -> memref<10240xf32, #tpu.memory_space<hbm>>
      %dma_start3A_32 = tpu.memref_slice %dma_start3A_31[%mul3A_28] : memref<10240xf32, #tpu.memory_space<hbm>> -> memref<640xf32, #tpu.memory_space<hbm>>
      %dma_start3A_33 = tpu.memref_slice %arg7[%mul3A_26] : memref<10240xf32, #tpu.memory_space<vmem_shared>> -> memref<640xf32, #tpu.memory_space<vmem_shared>>
      tpu.enqueue_dma source(%dma_start3A_33 : memref<640xf32, #tpu.memory_space<vmem_shared>>) target(%dma_start3A_32 : memref<640xf32, #tpu.memory_space<hbm>>) target_semaphore(%run_scoped3A_29 : memref<!tpu.dma_semaphore, #tpu.memory_space<semaphore_mem>>)
      %dma_wait3A = arith.constant 0 : i32
      %dma_wait3A_34 = tpu.memref_slice %arg3[%arg0, %dma_wait3A] : memref<2x10240xf32, #tpu.memory_space<hbm>> -> memref<1x10240xf32, #tpu.memory_space<hbm>>
      %dma_wait3A_35 = tpu.memref_squeeze %dma_wait3A_34 : memref<1x10240xf32, #tpu.memory_space<hbm>> -> memref<10240xf32, #tpu.memory_space<hbm>>
      %dma_wait3A_36 = tpu.memref_slice %dma_wait3A_35[%mul3A_28] : memref<10240xf32, #tpu.memory_space<hbm>> -> memref<640xf32, #tpu.memory_space<hbm>>
      %dma_wait3A_37 = tpu.memref_slice %arg7[%mul3A_26] : memref<10240xf32, #tpu.memory_space<vmem_shared>> -> memref<640xf32, #tpu.memory_space<vmem_shared>>
      tpu.wait_dma2 semaphore(%run_scoped3A_29 : memref<!tpu.dma_semaphore, #tpu.memory_space<semaphore_mem>>) src(%dma_wait3A_37 : memref<640xf32, #tpu.memory_space<vmem_shared>>) dst(%dma_wait3A_36 : memref<640xf32, #tpu.memory_space<hbm>>)
      tpu.yield
    }) : () -> ()
    return
  }
}

#map = affine_map<(d0, d1) -> (0, 0)>
#map1 = affine_map<(d0, d1) -> (0, 0, 0)>
module attributes {stable_mosaic.version = 14 : i64} {
  func.func @_scatter_body(%arg0: i32, %arg1: i32, %arg2: memref<10000x128xf32, #tpu.memory_space<hbm>>, %arg3: memref<2x323584xi32, #tpu.memory_space<hbm>>, %arg4: memref<2x10240x128xf32, #tpu.memory_space<hbm>>, %arg5: memref<4x128xi32, #tpu.memory_space<vmem>>, %arg6: memref<4x128xi32, #tpu.memory_space<vmem>>, %arg7: memref<256x128xf32, #tpu.memory_space<vmem>>, %arg8: memref<10240x128xf32, #tpu.memory_space<vmem_shared>>, %arg9: memref<!tpu.dma_semaphore, #tpu.memory_space<semaphore_mem>>, %arg10: memref<!tpu.dma_semaphore, #tpu.memory_space<semaphore_mem>>, %arg11: memref<!tpu.dma_semaphore, #tpu.memory_space<semaphore_mem>>, %arg12: memref<!tpu.dma_semaphore, #tpu.memory_space<semaphore_mem>>, %arg13: memref<!tpu.dma_semaphore, #tpu.memory_space<semaphore_mem>>, %arg14: memref<!tpu.dma_semaphore, #tpu.memory_space<semaphore_mem>>, %arg15: memref<!tpu.dma_semaphore, #tpu.memory_space<semaphore_mem>>, %arg16: memref<!tpu.dma_semaphore, #tpu.memory_space<semaphore_mem>>, %arg17: memref<!tpu.dma_semaphore, #tpu.memory_space<semaphore_mem>>, %arg18: memref<!tpu.dma_semaphore, #tpu.memory_space<semaphore_mem>>, %arg19: memref<!tpu.dma_semaphore, #tpu.memory_space<semaphore_mem>>, %arg20: memref<!tpu.dma_semaphore, #tpu.memory_space<semaphore_mem>>) attributes {dimension_semantics = [#tpu.dimension_semantics<core_parallel>, #tpu.dimension_semantics<subcore_parallel>], iteration_bounds = array<i64: 2, 16>, scalar_prefetch = 0 : i64, scratch_operands = 16 : i64, tpu.core_type = #tpu.core_type<sc_vector_subcore>, window_params = [{transform_indices = #map}, {transform_indices = #map}, {transform_indices = #map1}]} {
    %mul3A = arith.constant 16 : i32
    %mul3A_0 = arith.muli %arg0, %mul3A : i32
    %add3A = arith.addi %mul3A_0, %arg1 : i32
    %mul3A_1 = arith.constant 79 : i32
    %mul3A_2 = arith.muli %add3A, %mul3A_1 : i32
    %mul3A_3 = arith.constant 128 : i32
    %mul3A_4 = arith.muli %mul3A_2, %mul3A_3 : i32
    %scan3A = arith.constant 0 : i32
    %scan3A_5 = arith.constant 0 : i32
    %scan3A_6 = arith.constant 128 : i32
    %scan3A_7 = arith.addi %scan3A_5, %scan3A_6 : i32
    %scan3A_8 = arith.constant 1 : i32
    scf.for %scan3A_825 = %scan3A_5 to %scan3A_7 step %scan3A_8  : i32 {
      %broadcast_in_dim3A = arith.constant 0.000000e+00 : f32
      %broadcast_in_dim3A_826 = vector.broadcast %broadcast_in_dim3A : f32 to vector<16xf32>
      %swap3A = arith.index_cast %scan3A_825 : i32 to index
      %swap3A_827 = arith.constant 0 : index
      %swap3A_828 = tpu.vector_load %arg7[%swap3A, %swap3A_827] {strides = array<i32>} : memref<256x128xf32, #tpu.memory_space<vmem>>, vector<1x16xf32>,
      %swap3A_829 = vector.shape_cast %swap3A_828 : vector<1x16xf32> to vector<16xf32>
      %swap3A_830 = vector.shape_cast %broadcast_in_dim3A_826 : vector<16xf32> to vector<1x16xf32>
      tpu.vector_store %arg7[%swap3A, %swap3A_827], %swap3A_830 {strides = array<i32>} : memref<256x128xf32, #tpu.memory_space<vmem>>, vector<1x16xf32>,
      %broadcast_in_dim3A_831 = arith.constant 0.000000e+00 : f32
      %broadcast_in_dim3A_832 = vector.broadcast %broadcast_in_dim3A_831 : f32 to vector<16xf32>
      %swap3A_833 = arith.index_cast %scan3A_825 : i32 to index
      %swap3A_834 = arith.constant 16 : index
      %swap3A_835 = tpu.vector_load %arg7[%swap3A_833, %swap3A_834] {strides = array<i32>} : memref<256x128xf32, #tpu.memory_space<vmem>>, vector<1x16xf32>,
      %swap3A_836 = vector.shape_cast %swap3A_835 : vector<1x16xf32> to vector<16xf32>
      %swap3A_837 = vector.shape_cast %broadcast_in_dim3A_832 : vector<16xf32> to vector<1x16xf32>
      tpu.vector_store %arg7[%swap3A_833, %swap3A_834], %swap3A_837 {strides = array<i32>} : memref<256x128xf32, #tpu.memory_space<vmem>>, vector<1x16xf32>,
      %broadcast_in_dim3A_838 = arith.constant 0.000000e+00 : f32
      %broadcast_in_dim3A_839 = vector.broadcast %broadcast_in_dim3A_838 : f32 to vector<16xf32>
      %swap3A_840 = arith.index_cast %scan3A_825 : i32 to index
      %swap3A_841 = arith.constant 32 : index
      %swap3A_842 = tpu.vector_load %arg7[%swap3A_840, %swap3A_841] {strides = array<i32>} : memref<256x128xf32, #tpu.memory_space<vmem>>, vector<1x16xf32>,
      %swap3A_843 = vector.shape_cast %swap3A_842 : vector<1x16xf32> to vector<16xf32>
      %swap3A_844 = vector.shape_cast %broadcast_in_dim3A_839 : vector<16xf32> to vector<1x16xf32>
      tpu.vector_store %arg7[%swap3A_840, %swap3A_841], %swap3A_844 {strides = array<i32>} : memref<256x128xf32, #tpu.memory_space<vmem>>, vector<1x16xf32>,
      %broadcast_in_dim3A_845 = arith.constant 0.000000e+00 : f32
      %broadcast_in_dim3A_846 = vector.broadcast %broadcast_in_dim3A_845 : f32 to vector<16xf32>
      %swap3A_847 = arith.index_cast %scan3A_825 : i32 to index
      %swap3A_848 = arith.constant 48 : index
      %swap3A_849 = tpu.vector_load %arg7[%swap3A_847, %swap3A_848] {strides = array<i32>} : memref<256x128xf32, #tpu.memory_space<vmem>>, vector<1x16xf32>,
      %swap3A_850 = vector.shape_cast %swap3A_849 : vector<1x16xf32> to vector<16xf32>
      %swap3A_851 = vector.shape_cast %broadcast_in_dim3A_846 : vector<16xf32> to vector<1x16xf32>
      tpu.vector_store %arg7[%swap3A_847, %swap3A_848], %swap3A_851 {strides = array<i32>} : memref<256x128xf32, #tpu.memory_space<vmem>>, vector<1x16xf32>,
      %broadcast_in_dim3A_852 = arith.constant 0.000000e+00 : f32
      %broadcast_in_dim3A_853 = vector.broadcast %broadcast_in_dim3A_852 : f32 to vector<16xf32>
      %swap3A_854 = arith.index_cast %scan3A_825 : i32 to index
      %swap3A_855 = arith.constant 64 : index
      %swap3A_856 = tpu.vector_load %arg7[%swap3A_854, %swap3A_855] {strides = array<i32>} : memref<256x128xf32, #tpu.memory_space<vmem>>, vector<1x16xf32>,
      %swap3A_857 = vector.shape_cast %swap3A_856 : vector<1x16xf32> to vector<16xf32>
      %swap3A_858 = vector.shape_cast %broadcast_in_dim3A_853 : vector<16xf32> to vector<1x16xf32>
      tpu.vector_store %arg7[%swap3A_854, %swap3A_855], %swap3A_858 {strides = array<i32>} : memref<256x128xf32, #tpu.memory_space<vmem>>, vector<1x16xf32>,
      %broadcast_in_dim3A_859 = arith.constant 0.000000e+00 : f32
      %broadcast_in_dim3A_860 = vector.broadcast %broadcast_in_dim3A_859 : f32 to vector<16xf32>
      %swap3A_861 = arith.index_cast %scan3A_825 : i32 to index
      %swap3A_862 = arith.constant 80 : index
      %swap3A_863 = tpu.vector_load %arg7[%swap3A_861, %swap3A_862] {strides = array<i32>} : memref<256x128xf32, #tpu.memory_space<vmem>>, vector<1x16xf32>,
      %swap3A_864 = vector.shape_cast %swap3A_863 : vector<1x16xf32> to vector<16xf32>
      %swap3A_865 = vector.shape_cast %broadcast_in_dim3A_860 : vector<16xf32> to vector<1x16xf32>
      tpu.vector_store %arg7[%swap3A_861, %swap3A_862], %swap3A_865 {strides = array<i32>} : memref<256x128xf32, #tpu.memory_space<vmem>>, vector<1x16xf32>,
      %broadcast_in_dim3A_866 = arith.constant 0.000000e+00 : f32
      %broadcast_in_dim3A_867 = vector.broadcast %broadcast_in_dim3A_866 : f32 to vector<16xf32>
      %swap3A_868 = arith.index_cast %scan3A_825 : i32 to index
      %swap3A_869 = arith.constant 96 : index
      %swap3A_870 = tpu.vector_load %arg7[%swap3A_868, %swap3A_869] {strides = array<i32>} : memref<256x128xf32, #tpu.memory_space<vmem>>, vector<1x16xf32>,
      %swap3A_871 = vector.shape_cast %swap3A_870 : vector<1x16xf32> to vector<16xf32>
      %swap3A_872 = vector.shape_cast %broadcast_in_dim3A_867 : vector<16xf32> to vector<1x16xf32>
      tpu.vector_store %arg7[%swap3A_868, %swap3A_869], %swap3A_872 {strides = array<i32>} : memref<256x128xf32, #tpu.memory_space<vmem>>, vector<1x16xf32>,
      %broadcast_in_dim3A_873 = arith.constant 0.000000e+00 : f32
      %broadcast_in_dim3A_874 = vector.broadcast %broadcast_in_dim3A_873 : f32 to vector<16xf32>
      %swap3A_875 = arith.index_cast %scan3A_825 : i32 to index
      %swap3A_876 = arith.constant 112 : index
      %swap3A_877 = tpu.vector_load %arg7[%swap3A_875, %swap3A_876] {strides = array<i32>} : memref<256x128xf32, #tpu.memory_space<vmem>>, vector<1x16xf32>,
      %swap3A_878 = vector.shape_cast %swap3A_877 : vector<1x16xf32> to vector<16xf32>
      %swap3A_879 = vector.shape_cast %broadcast_in_dim3A_874 : vector<16xf32> to vector<1x16xf32>
      tpu.vector_store %arg7[%swap3A_875, %swap3A_876], %swap3A_879 {strides = array<i32>} : memref<256x128xf32, #tpu.memory_space<vmem>>, vector<1x16xf32>,
    }
    %scan3A_9 = arith.constant 128 : i32
    %mul3A_10 = arith.constant 640 : i32
    %mul3A_11 = arith.muli %arg1, %mul3A_10 : i32
    %add3A_12 = arith.constant 0 : i32
    %add3A_13 = arith.addi %mul3A_11, %add3A_12 : i32
    "tpu.region"() ({
      %run_scoped3A = tpu.sem_alloc : memref<!tpu.dma_semaphore, #tpu.memory_space<semaphore_mem>>
      %dma_start3A_825 = arith.constant 0 : i32
      %dma_start3A_826 = arith.constant 0 : i32
      %dma_start3A_827 = tpu.memref_slice %arg7[%dma_start3A_825, %dma_start3A_826] : memref<256x128xf32, #tpu.memory_space<vmem>> -> memref<128x128xf32, #tpu.memory_space<vmem>>
      %dma_start3A_828 = arith.constant 0 : i32
      %dma_start3A_829 = tpu.memref_slice %arg8[%add3A_13, %dma_start3A_828] : memref<10240x128xf32, #tpu.memory_space<vmem_shared>> -> memref<128x128xf32, #tpu.memory_space<vmem_shared>>
      %dma_start3A_830 = arith.constant 0 : i32
      %dma_start3A_831 = tpu.memref_slice %arg8[%add3A_13, %dma_start3A_830] : memref<10240x128xf32, #tpu.memory_space<vmem_shared>> -> memref<128x128xf32, #tpu.memory_space<vmem_shared>>
      %dma_start3A_832 = arith.constant 0 : i32
      %dma_start3A_833 = arith.constant 0 : i32
      %dma_start3A_834 = tpu.memref_slice %arg7[%dma_start3A_832, %dma_start3A_833] : memref<256x128xf32, #tpu.memory_space<vmem>> -> memref<128x128xf32, #tpu.memory_space<vmem>>
      tpu.enqueue_dma source(%dma_start3A_834 : memref<128x128xf32, #tpu.memory_space<vmem>>) target(%dma_start3A_831 : memref<128x128xf32, #tpu.memory_space<vmem_shared>>) target_semaphore(%run_scoped3A : memref<!tpu.dma_semaphore, #tpu.memory_space<semaphore_mem>>)
      %dma_wait3A_835 = arith.constant 0 : i32
      %dma_wait3A_836 = arith.constant 0 : i32
      %dma_wait3A_837 = tpu.memref_slice %arg7[%dma_wait3A_835, %dma_wait3A_836] : memref<256x128xf32, #tpu.memory_space<vmem>> -> memref<128x128xf32, #tpu.memory_space<vmem>>
      %dma_wait3A_838 = arith.constant 0 : i32
      %dma_wait3A_839 = tpu.memref_slice %arg8[%add3A_13, %dma_wait3A_838] : memref<10240x128xf32, #tpu.memory_space<vmem_shared>> -> memref<128x128xf32, #tpu.memory_space<vmem_shared>>
      %dma_wait3A_840 = arith.constant 0 : i32
      %dma_wait3A_841 = tpu.memref_slice %arg8[%add3A_13, %dma_wait3A_840] : memref<10240x128xf32, #tpu.memory_space<vmem_shared>> -> memref<128x128xf32, #tpu.memory_space<vmem_shared>>
      %dma_wait3A_842 = arith.constant 0 : i32
      %dma_wait3A_843 = arith.constant 0 : i32
      %dma_wait3A_844 = tpu.memref_slice %arg7[%dma_wait3A_842, %dma_wait3A_843] : memref<256x128xf32, #tpu.memory_space<vmem>> -> memref<128x128xf32, #tpu.memory_space<vmem>>
      tpu.wait_dma2 semaphore(%run_scoped3A : memref<!tpu.dma_semaphore, #tpu.memory_space<semaphore_mem>>) src(%dma_wait3A_844 : memref<128x128xf32, #tpu.memory_space<vmem>>) dst(%dma_wait3A_841 : memref<128x128xf32, #tpu.memory_space<vmem_shared>>)
      tpu.yield
    }) : () -> ()
    %mul3A_14 = arith.constant 640 : i32
    %mul3A_15 = arith.muli %arg1, %mul3A_14 : i32
    %add3A_16 = arith.constant 128 : i32
    %add3A_17 = arith.addi %mul3A_15, %add3A_16 : i32
    "tpu.region"() ({
      %run_scoped3A = tpu.sem_alloc : memref<!tpu.dma_semaphore, #tpu.memory_space<semaphore_mem>>
      %dma_start3A_825 = arith.constant 0 : i32
      %dma_start3A_826 = arith.constant 0 : i32
      %dma_start3A_827 = tpu.memref_slice %arg7[%dma_start3A_825, %dma_start3A_826] : memref<256x128xf32, #tpu.memory_space<vmem>> -> memref<128x128xf32, #tpu.memory_space<vmem>>
      %dma_start3A_828 = arith.constant 0 : i32
      %dma_start3A_829 = tpu.memref_slice %arg8[%add3A_17, %dma_start3A_828] : memref<10240x128xf32, #tpu.memory_space<vmem_shared>> -> memref<128x128xf32, #tpu.memory_space<vmem_shared>>
      %dma_start3A_830 = arith.constant 0 : i32
      %dma_start3A_831 = tpu.memref_slice %arg8[%add3A_17, %dma_start3A_830] : memref<10240x128xf32, #tpu.memory_space<vmem_shared>> -> memref<128x128xf32, #tpu.memory_space<vmem_shared>>
      %dma_start3A_832 = arith.constant 0 : i32
      %dma_start3A_833 = arith.constant 0 : i32
      %dma_start3A_834 = tpu.memref_slice %arg7[%dma_start3A_832, %dma_start3A_833] : memref<256x128xf32, #tpu.memory_space<vmem>> -> memref<128x128xf32, #tpu.memory_space<vmem>>
      tpu.enqueue_dma source(%dma_start3A_834 : memref<128x128xf32, #tpu.memory_space<vmem>>) target(%dma_start3A_831 : memref<128x128xf32, #tpu.memory_space<vmem_shared>>) target_semaphore(%run_scoped3A : memref<!tpu.dma_semaphore, #tpu.memory_space<semaphore_mem>>)
      %dma_wait3A_835 = arith.constant 0 : i32
      %dma_wait3A_836 = arith.constant 0 : i32
      %dma_wait3A_837 = tpu.memref_slice %arg7[%dma_wait3A_835, %dma_wait3A_836] : memref<256x128xf32, #tpu.memory_space<vmem>> -> memref<128x128xf32, #tpu.memory_space<vmem>>
      %dma_wait3A_838 = arith.constant 0 : i32
      %dma_wait3A_839 = tpu.memref_slice %arg8[%add3A_17, %dma_wait3A_838] : memref<10240x128xf32, #tpu.memory_space<vmem_shared>> -> memref<128x128xf32, #tpu.memory_space<vmem_shared>>
      %dma_wait3A_840 = arith.constant 0 : i32
      %dma_wait3A_841 = tpu.memref_slice %arg8[%add3A_17, %dma_wait3A_840] : memref<10240x128xf32, #tpu.memory_space<vmem_shared>> -> memref<128x128xf32, #tpu.memory_space<vmem_shared>>
      %dma_wait3A_842 = arith.constant 0 : i32
      %dma_wait3A_843 = arith.constant 0 : i32
      %dma_wait3A_844 = tpu.memref_slice %arg7[%dma_wait3A_842, %dma_wait3A_843] : memref<256x128xf32, #tpu.memory_space<vmem>> -> memref<128x128xf32, #tpu.memory_space<vmem>>
      tpu.wait_dma2 semaphore(%run_scoped3A : memref<!tpu.dma_semaphore, #tpu.memory_space<semaphore_mem>>) src(%dma_wait3A_844 : memref<128x128xf32, #tpu.memory_space<vmem>>) dst(%dma_wait3A_841 : memref<128x128xf32, #tpu.memory_space<vmem_shared>>)
      tpu.yield
    }) : () -> ()
    %mul3A_18 = arith.constant 640 : i32
    %mul3A_19 = arith.muli %arg1, %mul3A_18 : i32
    %add3A_20 = arith.constant 256 : i32
    %add3A_21 = arith.addi %mul3A_19, %add3A_20 : i32
    "tpu.region"() ({
      %run_scoped3A = tpu.sem_alloc : memref<!tpu.dma_semaphore, #tpu.memory_space<semaphore_mem>>
      %dma_start3A_825 = arith.constant 0 : i32
      %dma_start3A_826 = arith.constant 0 : i32
      %dma_start3A_827 = tpu.memref_slice %arg7[%dma_start3A_825, %dma_start3A_826] : memref<256x128xf32, #tpu.memory_space<vmem>> -> memref<128x128xf32, #tpu.memory_space<vmem>>
      %dma_start3A_828 = arith.constant 0 : i32
      %dma_start3A_829 = tpu.memref_slice %arg8[%add3A_21, %dma_start3A_828] : memref<10240x128xf32, #tpu.memory_space<vmem_shared>> -> memref<128x128xf32, #tpu.memory_space<vmem_shared>>
      %dma_start3A_830 = arith.constant 0 : i32
      %dma_start3A_831 = tpu.memref_slice %arg8[%add3A_21, %dma_start3A_830] : memref<10240x128xf32, #tpu.memory_space<vmem_shared>> -> memref<128x128xf32, #tpu.memory_space<vmem_shared>>
      %dma_start3A_832 = arith.constant 0 : i32
      %dma_start3A_833 = arith.constant 0 : i32
      %dma_start3A_834 = tpu.memref_slice %arg7[%dma_start3A_832, %dma_start3A_833] : memref<256x128xf32, #tpu.memory_space<vmem>> -> memref<128x128xf32, #tpu.memory_space<vmem>>
      tpu.enqueue_dma source(%dma_start3A_834 : memref<128x128xf32, #tpu.memory_space<vmem>>) target(%dma_start3A_831 : memref<128x128xf32, #tpu.memory_space<vmem_shared>>) target_semaphore(%run_scoped3A : memref<!tpu.dma_semaphore, #tpu.memory_space<semaphore_mem>>)
      %dma_wait3A_835 = arith.constant 0 : i32
      %dma_wait3A_836 = arith.constant 0 : i32
      %dma_wait3A_837 = tpu.memref_slice %arg7[%dma_wait3A_835, %dma_wait3A_836] : memref<256x128xf32, #tpu.memory_space<vmem>> -> memref<128x128xf32, #tpu.memory_space<vmem>>
      %dma_wait3A_838 = arith.constant 0 : i32
      %dma_wait3A_839 = tpu.memref_slice %arg8[%add3A_21, %dma_wait3A_838] : memref<10240x128xf32, #tpu.memory_space<vmem_shared>> -> memref<128x128xf32, #tpu.memory_space<vmem_shared>>
      %dma_wait3A_840 = arith.constant 0 : i32
      %dma_wait3A_841 = tpu.memref_slice %arg8[%add3A_21, %dma_wait3A_840] : memref<10240x128xf32, #tpu.memory_space<vmem_shared>> -> memref<128x128xf32, #tpu.memory_space<vmem_shared>>
      %dma_wait3A_842 = arith.constant 0 : i32
      %dma_wait3A_843 = arith.constant 0 : i32
      %dma_wait3A_844 = tpu.memref_slice %arg7[%dma_wait3A_842, %dma_wait3A_843] : memref<256x128xf32, #tpu.memory_space<vmem>> -> memref<128x128xf32, #tpu.memory_space<vmem>>
      tpu.wait_dma2 semaphore(%run_scoped3A : memref<!tpu.dma_semaphore, #tpu.memory_space<semaphore_mem>>) src(%dma_wait3A_844 : memref<128x128xf32, #tpu.memory_space<vmem>>) dst(%dma_wait3A_841 : memref<128x128xf32, #tpu.memory_space<vmem_shared>>)
      tpu.yield
    }) : () -> ()
    %mul3A_22 = arith.constant 640 : i32
    %mul3A_23 = arith.muli %arg1, %mul3A_22 : i32
    %add3A_24 = arith.constant 384 : i32
    %add3A_25 = arith.addi %mul3A_23, %add3A_24 : i32
    "tpu.region"() ({
      %run_scoped3A = tpu.sem_alloc : memref<!tpu.dma_semaphore, #tpu.memory_space<semaphore_mem>>
      %dma_start3A_825 = arith.constant 0 : i32
      %dma_start3A_826 = arith.constant 0 : i32
      %dma_start3A_827 = tpu.memref_slice %arg7[%dma_start3A_825, %dma_start3A_826] : memref<256x128xf32, #tpu.memory_space<vmem>> -> memref<128x128xf32, #tpu.memory_space<vmem>>
      %dma_start3A_828 = arith.constant 0 : i32
      %dma_start3A_829 = tpu.memref_slice %arg8[%add3A_25, %dma_start3A_828] : memref<10240x128xf32, #tpu.memory_space<vmem_shared>> -> memref<128x128xf32, #tpu.memory_space<vmem_shared>>
      %dma_start3A_830 = arith.constant 0 : i32
      %dma_start3A_831 = tpu.memref_slice %arg8[%add3A_25, %dma_start3A_830] : memref<10240x128xf32, #tpu.memory_space<vmem_shared>> -> memref<128x128xf32, #tpu.memory_space<vmem_shared>>
      %dma_start3A_832 = arith.constant 0 : i32
      %dma_start3A_833 = arith.constant 0 : i32
      %dma_start3A_834 = tpu.memref_slice %arg7[%dma_start3A_832, %dma_start3A_833] : memref<256x128xf32, #tpu.memory_space<vmem>> -> memref<128x128xf32, #tpu.memory_space<vmem>>
      tpu.enqueue_dma source(%dma_start3A_834 : memref<128x128xf32, #tpu.memory_space<vmem>>) target(%dma_start3A_831 : memref<128x128xf32, #tpu.memory_space<vmem_shared>>) target_semaphore(%run_scoped3A : memref<!tpu.dma_semaphore, #tpu.memory_space<semaphore_mem>>)
      %dma_wait3A_835 = arith.constant 0 : i32
      %dma_wait3A_836 = arith.constant 0 : i32
      %dma_wait3A_837 = tpu.memref_slice %arg7[%dma_wait3A_835, %dma_wait3A_836] : memref<256x128xf32, #tpu.memory_space<vmem>> -> memref<128x128xf32, #tpu.memory_space<vmem>>
      %dma_wait3A_838 = arith.constant 0 : i32
      %dma_wait3A_839 = tpu.memref_slice %arg8[%add3A_25, %dma_wait3A_838] : memref<10240x128xf32, #tpu.memory_space<vmem_shared>> -> memref<128x128xf32, #tpu.memory_space<vmem_shared>>
      %dma_wait3A_840 = arith.constant 0 : i32
      %dma_wait3A_841 = tpu.memref_slice %arg8[%add3A_25, %dma_wait3A_840] : memref<10240x128xf32, #tpu.memory_space<vmem_shared>> -> memref<128x128xf32, #tpu.memory_space<vmem_shared>>
      %dma_wait3A_842 = arith.constant 0 : i32
      %dma_wait3A_843 = arith.constant 0 : i32
      %dma_wait3A_844 = tpu.memref_slice %arg7[%dma_wait3A_842, %dma_wait3A_843] : memref<256x128xf32, #tpu.memory_space<vmem>> -> memref<128x128xf32, #tpu.memory_space<vmem>>
      tpu.wait_dma2 semaphore(%run_scoped3A : memref<!tpu.dma_semaphore, #tpu.memory_space<semaphore_mem>>) src(%dma_wait3A_844 : memref<128x128xf32, #tpu.memory_space<vmem>>) dst(%dma_wait3A_841 : memref<128x128xf32, #tpu.memory_space<vmem_shared>>)
      tpu.yield
    }) : () -> ()
    %mul3A_26 = arith.constant 640 : i32
    %mul3A_27 = arith.muli %arg1, %mul3A_26 : i32
    %add3A_28 = arith.constant 512 : i32
    %add3A_29 = arith.addi %mul3A_27, %add3A_28 : i32
    "tpu.region"() ({
      %run_scoped3A = tpu.sem_alloc : memref<!tpu.dma_semaphore, #tpu.memory_space<semaphore_mem>>
      %dma_start3A_825 = arith.constant 0 : i32
      %dma_start3A_826 = arith.constant 0 : i32
      %dma_start3A_827 = tpu.memref_slice %arg7[%dma_start3A_825, %dma_start3A_826] : memref<256x128xf32, #tpu.memory_space<vmem>> -> memref<128x128xf32, #tpu.memory_space<vmem>>
      %dma_start3A_828 = arith.constant 0 : i32
      %dma_start3A_829 = tpu.memref_slice %arg8[%add3A_29, %dma_start3A_828] : memref<10240x128xf32, #tpu.memory_space<vmem_shared>> -> memref<128x128xf32, #tpu.memory_space<vmem_shared>>
      %dma_start3A_830 = arith.constant 0 : i32
      %dma_start3A_831 = tpu.memref_slice %arg8[%add3A_29, %dma_start3A_830] : memref<10240x128xf32, #tpu.memory_space<vmem_shared>> -> memref<128x128xf32, #tpu.memory_space<vmem_shared>>
      %dma_start3A_832 = arith.constant 0 : i32
      %dma_start3A_833 = arith.constant 0 : i32
      %dma_start3A_834 = tpu.memref_slice %arg7[%dma_start3A_832, %dma_start3A_833] : memref<256x128xf32, #tpu.memory_space<vmem>> -> memref<128x128xf32, #tpu.memory_space<vmem>>
      tpu.enqueue_dma source(%dma_start3A_834 : memref<128x128xf32, #tpu.memory_space<vmem>>) target(%dma_start3A_831 : memref<128x128xf32, #tpu.memory_space<vmem_shared>>) target_semaphore(%run_scoped3A : memref<!tpu.dma_semaphore, #tpu.memory_space<semaphore_mem>>)
      %dma_wait3A_835 = arith.constant 0 : i32
      %dma_wait3A_836 = arith.constant 0 : i32
      %dma_wait3A_837 = tpu.memref_slice %arg7[%dma_wait3A_835, %dma_wait3A_836] : memref<256x128xf32, #tpu.memory_space<vmem>> -> memref<128x128xf32, #tpu.memory_space<vmem>>
      %dma_wait3A_838 = arith.constant 0 : i32
      %dma_wait3A_839 = tpu.memref_slice %arg8[%add3A_29, %dma_wait3A_838] : memref<10240x128xf32, #tpu.memory_space<vmem_shared>> -> memref<128x128xf32, #tpu.memory_space<vmem_shared>>
      %dma_wait3A_840 = arith.constant 0 : i32
      %dma_wait3A_841 = tpu.memref_slice %arg8[%add3A_29, %dma_wait3A_840] : memref<10240x128xf32, #tpu.memory_space<vmem_shared>> -> memref<128x128xf32, #tpu.memory_space<vmem_shared>>
      %dma_wait3A_842 = arith.constant 0 : i32
      %dma_wait3A_843 = arith.constant 0 : i32
      %dma_wait3A_844 = tpu.memref_slice %arg7[%dma_wait3A_842, %dma_wait3A_843] : memref<256x128xf32, #tpu.memory_space<vmem>> -> memref<128x128xf32, #tpu.memory_space<vmem>>
      tpu.wait_dma2 semaphore(%run_scoped3A : memref<!tpu.dma_semaphore, #tpu.memory_space<semaphore_mem>>) src(%dma_wait3A_844 : memref<128x128xf32, #tpu.memory_space<vmem>>) dst(%dma_wait3A_841 : memref<128x128xf32, #tpu.memory_space<vmem_shared>>)
      tpu.yield
    }) : () -> ()
    %barrier3A = arith.constant 0 : index
    tpu.barrier barrier_id(%barrier3A)
    %add3A_30 = arith.constant 0 : i32
    %add3A_31 = arith.addi %mul3A_4, %add3A_30 : i32
    %dma_start3A = arith.constant 0 : i32
    %dma_start3A_32 = arith.constant 0 : i32
    %dma_start3A_33 = arith.constant 0 : i32
    %dma_start3A_34 = tpu.memref_slice %arg5[%dma_start3A_32, %dma_start3A_33] : memref<4x128xi32, #tpu.memory_space<vmem>> -> memref<1x128xi32, #tpu.memory_space<vmem>>
    %dma_start3A_35 = tpu.memref_squeeze %dma_start3A_34 : memref<1x128xi32, #tpu.memory_space<vmem>> -> memref<128xi32, #tpu.memory_space<vmem>>
    %dma_start3A_36 = arith.constant 0 : i32
    %dma_start3A_37 = tpu.memref_slice %arg3[%dma_start3A, %dma_start3A_36] : memref<2x323584xi32, #tpu.memory_space<hbm>> -> memref<1x323584xi32, #tpu.memory_space<hbm>>
    %dma_start3A_38 = tpu.memref_squeeze %dma_start3A_37 : memref<1x323584xi32, #tpu.memory_space<hbm>> -> memref<323584xi32, #tpu.memory_space<hbm>>
    %dma_start3A_39 = tpu.memref_slice %dma_start3A_38[%add3A_31] : memref<323584xi32, #tpu.memory_space<hbm>> -> memref<128xi32, #tpu.memory_space<hbm>>
    %dma_start3A_40 = arith.constant 0 : i32
    %dma_start3A_41 = tpu.memref_slice %arg5[%dma_start3A_32, %dma_start3A_40] : memref<4x128xi32, #tpu.memory_space<vmem>> -> memref<1x128xi32, #tpu.memory_space<vmem>>
    %dma_start3A_42 = tpu.memref_squeeze %dma_start3A_41 : memref<1x128xi32, #tpu.memory_space<vmem>> -> memref<128xi32, #tpu.memory_space<vmem>>
    %dma_start3A_43 = arith.constant 0 : i32
    %dma_start3A_44 = tpu.memref_slice %arg3[%dma_start3A, %dma_start3A_43] : memref<2x323584xi32, #tpu.memory_space<hbm>> -> memref<1x323584xi32, #tpu.memory_space<hbm>>
    %dma_start3A_45 = tpu.memref_squeeze %dma_start3A_44 : memref<1x323584xi32, #tpu.memory_space<hbm>> -> memref<323584xi32, #tpu.memory_space<hbm>>
    %dma_start3A_46 = tpu.memref_slice %dma_start3A_45[%add3A_31] : memref<323584xi32, #tpu.memory_space<hbm>> -> memref<128xi32, #tpu.memory_space<hbm>>
    tpu.enqueue_dma source(%dma_start3A_46 : memref<128xi32, #tpu.memory_space<hbm>>) target(%dma_start3A_42 : memref<128xi32, #tpu.memory_space<vmem>>) target_semaphore(%arg9 : memref<!tpu.dma_semaphore, #tpu.memory_space<semaphore_mem>>)
    %add3A_47 = arith.constant 0 : i32
    %add3A_48 = arith.addi %mul3A_4, %add3A_47 : i32
    %dma_start3A_49 = arith.constant 1 : i32
    %dma_start3A_50 = arith.constant 0 : i32
    %dma_start3A_51 = arith.constant 0 : i32
    %dma_start3A_52 = tpu.memref_slice %arg6[%dma_start3A_50, %dma_start3A_51] : memref<4x128xi32, #tpu.memory_space<vmem>> -> memref<1x128xi32, #tpu.memory_space<vmem>>
    %dma_start3A_53 = tpu.memref_squeeze %dma_start3A_52 : memref<1x128xi32, #tpu.memory_space<vmem>> -> memref<128xi32, #tpu.memory_space<vmem>>
    %dma_start3A_54 = arith.constant 0 : i32
    %dma_start3A_55 = tpu.memref_slice %arg3[%dma_start3A_49, %dma_start3A_54] : memref<2x323584xi32, #tpu.memory_space<hbm>> -> memref<1x323584xi32, #tpu.memory_space<hbm>>
    %dma_start3A_56 = tpu.memref_squeeze %dma_start3A_55 : memref<1x323584xi32, #tpu.memory_space<hbm>> -> memref<323584xi32, #tpu.memory_space<hbm>>
    %dma_start3A_57 = tpu.memref_slice %dma_start3A_56[%add3A_48] : memref<323584xi32, #tpu.memory_space<hbm>> -> memref<128xi32, #tpu.memory_space<hbm>>
    %dma_start3A_58 = arith.constant 0 : i32
    %dma_start3A_59 = tpu.memref_slice %arg6[%dma_start3A_50, %dma_start3A_58] : memref<4x128xi32, #tpu.memory_space<vmem>> -> memref<1x128xi32, #tpu.memory_space<vmem>>
    %dma_start3A_60 = tpu.memref_squeeze %dma_start3A_59 : memref<1x128xi32, #tpu.memory_space<vmem>> -> memref<128xi32, #tpu.memory_space<vmem>>
    %dma_start3A_61 = arith.constant 0 : i32
    %dma_start3A_62 = tpu.memref_slice %arg3[%dma_start3A_49, %dma_start3A_61] : memref<2x323584xi32, #tpu.memory_space<hbm>> -> memref<1x323584xi32, #tpu.memory_space<hbm>>
    %dma_start3A_63 = tpu.memref_squeeze %dma_start3A_62 : memref<1x323584xi32, #tpu.memory_space<hbm>> -> memref<323584xi32, #tpu.memory_space<hbm>>
    %dma_start3A_64 = tpu.memref_slice %dma_start3A_63[%add3A_48] : memref<323584xi32, #tpu.memory_space<hbm>> -> memref<128xi32, #tpu.memory_space<hbm>>
    tpu.enqueue_dma source(%dma_start3A_64 : memref<128xi32, #tpu.memory_space<hbm>>) target(%dma_start3A_60 : memref<128xi32, #tpu.memory_space<vmem>>) target_semaphore(%arg13 : memref<!tpu.dma_semaphore, #tpu.memory_space<semaphore_mem>>)
    %add3A_65 = arith.constant 128 : i32
    %add3A_66 = arith.addi %mul3A_4, %add3A_65 : i32
    %dma_start3A_67 = arith.constant 0 : i32
    %dma_start3A_68 = arith.constant 1 : i32
    %dma_start3A_69 = arith.constant 0 : i32
    %dma_start3A_70 = tpu.memref_slice %arg5[%dma_start3A_68, %dma_start3A_69] : memref<4x128xi32, #tpu.memory_space<vmem>> -> memref<1x128xi32, #tpu.memory_space<vmem>>
    %dma_start3A_71 = tpu.memref_squeeze %dma_start3A_70 : memref<1x128xi32, #tpu.memory_space<vmem>> -> memref<128xi32, #tpu.memory_space<vmem>>
    %dma_start3A_72 = arith.constant 0 : i32
    %dma_start3A_73 = tpu.memref_slice %arg3[%dma_start3A_67, %dma_start3A_72] : memref<2x323584xi32, #tpu.memory_space<hbm>> -> memref<1x323584xi32, #tpu.memory_space<hbm>>
    %dma_start3A_74 = tpu.memref_squeeze %dma_start3A_73 : memref<1x323584xi32, #tpu.memory_space<hbm>> -> memref<323584xi32, #tpu.memory_space<hbm>>
    %dma_start3A_75 = tpu.memref_slice %dma_start3A_74[%add3A_66] : memref<323584xi32, #tpu.memory_space<hbm>> -> memref<128xi32, #tpu.memory_space<hbm>>
    %dma_start3A_76 = arith.constant 0 : i32
    %dma_start3A_77 = tpu.memref_slice %arg5[%dma_start3A_68, %dma_start3A_76] : memref<4x128xi32, #tpu.memory_space<vmem>> -> memref<1x128xi32, #tpu.memory_space<vmem>>
    %dma_start3A_78 = tpu.memref_squeeze %dma_start3A_77 : memref<1x128xi32, #tpu.memory_space<vmem>> -> memref<128xi32, #tpu.memory_space<vmem>>
    %dma_start3A_79 = arith.constant 0 : i32
    %dma_start3A_80 = tpu.memref_slice %arg3[%dma_start3A_67, %dma_start3A_79] : memref<2x323584xi32, #tpu.memory_space<hbm>> -> memref<1x323584xi32, #tpu.memory_space<hbm>>
    %dma_start3A_81 = tpu.memref_squeeze %dma_start3A_80 : memref<1x323584xi32, #tpu.memory_space<hbm>> -> memref<323584xi32, #tpu.memory_space<hbm>>
    %dma_start3A_82 = tpu.memref_slice %dma_start3A_81[%add3A_66] : memref<323584xi32, #tpu.memory_space<hbm>> -> memref<128xi32, #tpu.memory_space<hbm>>
    tpu.enqueue_dma source(%dma_start3A_82 : memref<128xi32, #tpu.memory_space<hbm>>) target(%dma_start3A_78 : memref<128xi32, #tpu.memory_space<vmem>>) target_semaphore(%arg10 : memref<!tpu.dma_semaphore, #tpu.memory_space<semaphore_mem>>)
    %add3A_83 = arith.constant 128 : i32
    %add3A_84 = arith.addi %mul3A_4, %add3A_83 : i32
    %dma_start3A_85 = arith.constant 1 : i32
    %dma_start3A_86 = arith.constant 1 : i32
    %dma_start3A_87 = arith.constant 0 : i32
    %dma_start3A_88 = tpu.memref_slice %arg6[%dma_start3A_86, %dma_start3A_87] : memref<4x128xi32, #tpu.memory_space<vmem>> -> memref<1x128xi32, #tpu.memory_space<vmem>>
    %dma_start3A_89 = tpu.memref_squeeze %dma_start3A_88 : memref<1x128xi32, #tpu.memory_space<vmem>> -> memref<128xi32, #tpu.memory_space<vmem>>
    %dma_start3A_90 = arith.constant 0 : i32
    %dma_start3A_91 = tpu.memref_slice %arg3[%dma_start3A_85, %dma_start3A_90] : memref<2x323584xi32, #tpu.memory_space<hbm>> -> memref<1x323584xi32, #tpu.memory_space<hbm>>
    %dma_start3A_92 = tpu.memref_squeeze %dma_start3A_91 : memref<1x323584xi32, #tpu.memory_space<hbm>> -> memref<323584xi32, #tpu.memory_space<hbm>>
    %dma_start3A_93 = tpu.memref_slice %dma_start3A_92[%add3A_84] : memref<323584xi32, #tpu.memory_space<hbm>> -> memref<128xi32, #tpu.memory_space<hbm>>
    %dma_start3A_94 = arith.constant 0 : i32
    %dma_start3A_95 = tpu.memref_slice %arg6[%dma_start3A_86, %dma_start3A_94] : memref<4x128xi32, #tpu.memory_space<vmem>> -> memref<1x128xi32, #tpu.memory_space<vmem>>
    %dma_start3A_96 = tpu.memref_squeeze %dma_start3A_95 : memref<1x128xi32, #tpu.memory_space<vmem>> -> memref<128xi32, #tpu.memory_space<vmem>>
    %dma_start3A_97 = arith.constant 0 : i32
    %dma_start3A_98 = tpu.memref_slice %arg3[%dma_start3A_85, %dma_start3A_97] : memref<2x323584xi32, #tpu.memory_space<hbm>> -> memref<1x323584xi32, #tpu.memory_space<hbm>>
    %dma_start3A_99 = tpu.memref_squeeze %dma_start3A_98 : memref<1x323584xi32, #tpu.memory_space<hbm>> -> memref<323584xi32, #tpu.memory_space<hbm>>
    %dma_start3A_100 = tpu.memref_slice %dma_start3A_99[%add3A_84] : memref<323584xi32, #tpu.memory_space<hbm>> -> memref<128xi32, #tpu.memory_space<hbm>>
    tpu.enqueue_dma source(%dma_start3A_100 : memref<128xi32, #tpu.memory_space<hbm>>) target(%dma_start3A_96 : memref<128xi32, #tpu.memory_space<vmem>>) target_semaphore(%arg14 : memref<!tpu.dma_semaphore, #tpu.memory_space<semaphore_mem>>)
    %add3A_101 = arith.constant 256 : i32
    %add3A_102 = arith.addi %mul3A_4, %add3A_101 : i32
    %dma_start3A_103 = arith.constant 0 : i32
    %dma_start3A_104 = arith.constant 2 : i32
    %dma_start3A_105 = arith.constant 0 : i32
    %dma_start3A_106 = tpu.memref_slice %arg5[%dma_start3A_104, %dma_start3A_105] : memref<4x128xi32, #tpu.memory_space<vmem>> -> memref<1x128xi32, #tpu.memory_space<vmem>>
    %dma_start3A_107 = tpu.memref_squeeze %dma_start3A_106 : memref<1x128xi32, #tpu.memory_space<vmem>> -> memref<128xi32, #tpu.memory_space<vmem>>
    %dma_start3A_108 = arith.constant 0 : i32
    %dma_start3A_109 = tpu.memref_slice %arg3[%dma_start3A_103, %dma_start3A_108] : memref<2x323584xi32, #tpu.memory_space<hbm>> -> memref<1x323584xi32, #tpu.memory_space<hbm>>
    %dma_start3A_110 = tpu.memref_squeeze %dma_start3A_109 : memref<1x323584xi32, #tpu.memory_space<hbm>> -> memref<323584xi32, #tpu.memory_space<hbm>>
    %dma_start3A_111 = tpu.memref_slice %dma_start3A_110[%add3A_102] : memref<323584xi32, #tpu.memory_space<hbm>> -> memref<128xi32, #tpu.memory_space<hbm>>
    %dma_start3A_112 = arith.constant 0 : i32
    %dma_start3A_113 = tpu.memref_slice %arg5[%dma_start3A_104, %dma_start3A_112] : memref<4x128xi32, #tpu.memory_space<vmem>> -> memref<1x128xi32, #tpu.memory_space<vmem>>
    %dma_start3A_114 = tpu.memref_squeeze %dma_start3A_113 : memref<1x128xi32, #tpu.memory_space<vmem>> -> memref<128xi32, #tpu.memory_space<vmem>>
    %dma_start3A_115 = arith.constant 0 : i32
    %dma_start3A_116 = tpu.memref_slice %arg3[%dma_start3A_103, %dma_start3A_115] : memref<2x323584xi32, #tpu.memory_space<hbm>> -> memref<1x323584xi32, #tpu.memory_space<hbm>>
    %dma_start3A_117 = tpu.memref_squeeze %dma_start3A_116 : memref<1x323584xi32, #tpu.memory_space<hbm>> -> memref<323584xi32, #tpu.memory_space<hbm>>
    %dma_start3A_118 = tpu.memref_slice %dma_start3A_117[%add3A_102] : memref<323584xi32, #tpu.memory_space<hbm>> -> memref<128xi32, #tpu.memory_space<hbm>>
    tpu.enqueue_dma source(%dma_start3A_118 : memref<128xi32, #tpu.memory_space<hbm>>) target(%dma_start3A_114 : memref<128xi32, #tpu.memory_space<vmem>>) target_semaphore(%arg11 : memref<!tpu.dma_semaphore, #tpu.memory_space<semaphore_mem>>)
    %add3A_119 = arith.constant 256 : i32
    %add3A_120 = arith.addi %mul3A_4, %add3A_119 : i32
    %dma_start3A_121 = arith.constant 1 : i32
    %dma_start3A_122 = arith.constant 2 : i32
    %dma_start3A_123 = arith.constant 0 : i32
    %dma_start3A_124 = tpu.memref_slice %arg6[%dma_start3A_122, %dma_start3A_123] : memref<4x128xi32, #tpu.memory_space<vmem>> -> memref<1x128xi32, #tpu.memory_space<vmem>>
    %dma_start3A_125 = tpu.memref_squeeze %dma_start3A_124 : memref<1x128xi32, #tpu.memory_space<vmem>> -> memref<128xi32, #tpu.memory_space<vmem>>
    %dma_start3A_126 = arith.constant 0 : i32
    %dma_start3A_127 = tpu.memref_slice %arg3[%dma_start3A_121, %dma_start3A_126] : memref<2x323584xi32, #tpu.memory_space<hbm>> -> memref<1x323584xi32, #tpu.memory_space<hbm>>
    %dma_start3A_128 = tpu.memref_squeeze %dma_start3A_127 : memref<1x323584xi32, #tpu.memory_space<hbm>> -> memref<323584xi32, #tpu.memory_space<hbm>>
    %dma_start3A_129 = tpu.memref_slice %dma_start3A_128[%add3A_120] : memref<323584xi32, #tpu.memory_space<hbm>> -> memref<128xi32, #tpu.memory_space<hbm>>
    %dma_start3A_130 = arith.constant 0 : i32
    %dma_start3A_131 = tpu.memref_slice %arg6[%dma_start3A_122, %dma_start3A_130] : memref<4x128xi32, #tpu.memory_space<vmem>> -> memref<1x128xi32, #tpu.memory_space<vmem>>
    %dma_start3A_132 = tpu.memref_squeeze %dma_start3A_131 : memref<1x128xi32, #tpu.memory_space<vmem>> -> memref<128xi32, #tpu.memory_space<vmem>>
    %dma_start3A_133 = arith.constant 0 : i32
    %dma_start3A_134 = tpu.memref_slice %arg3[%dma_start3A_121, %dma_start3A_133] : memref<2x323584xi32, #tpu.memory_space<hbm>> -> memref<1x323584xi32, #tpu.memory_space<hbm>>
    %dma_start3A_135 = tpu.memref_squeeze %dma_start3A_134 : memref<1x323584xi32, #tpu.memory_space<hbm>> -> memref<323584xi32, #tpu.memory_space<hbm>>
    %dma_start3A_136 = tpu.memref_slice %dma_start3A_135[%add3A_120] : memref<323584xi32, #tpu.memory_space<hbm>> -> memref<128xi32, #tpu.memory_space<hbm>>
    tpu.enqueue_dma source(%dma_start3A_136 : memref<128xi32, #tpu.memory_space<hbm>>) target(%dma_start3A_132 : memref<128xi32, #tpu.memory_space<vmem>>) target_semaphore(%arg15 : memref<!tpu.dma_semaphore, #tpu.memory_space<semaphore_mem>>)
    %add3A_137 = arith.constant 0 : i32
    %add3A_138 = arith.addi %mul3A_4, %add3A_137 : i32
    %dma_wait3A = arith.constant 0 : i32
    %dma_wait3A_139 = arith.constant 0 : i32
    %dma_wait3A_140 = arith.constant 0 : i32
    %dma_wait3A_141 = tpu.memref_slice %arg5[%dma_wait3A_139, %dma_wait3A_140] : memref<4x128xi32, #tpu.memory_space<vmem>> -> memref<1x128xi32, #tpu.memory_space<vmem>>
    %dma_wait3A_142 = tpu.memref_squeeze %dma_wait3A_141 : memref<1x128xi32, #tpu.memory_space<vmem>> -> memref<128xi32, #tpu.memory_space<vmem>>
    %dma_wait3A_143 = arith.constant 0 : i32
    %dma_wait3A_144 = tpu.memref_slice %arg3[%dma_wait3A, %dma_wait3A_143] : memref<2x323584xi32, #tpu.memory_space<hbm>> -> memref<1x323584xi32, #tpu.memory_space<hbm>>
    %dma_wait3A_145 = tpu.memref_squeeze %dma_wait3A_144 : memref<1x323584xi32, #tpu.memory_space<hbm>> -> memref<323584xi32, #tpu.memory_space<hbm>>
    %dma_wait3A_146 = tpu.memref_slice %dma_wait3A_145[%add3A_138] : memref<323584xi32, #tpu.memory_space<hbm>> -> memref<128xi32, #tpu.memory_space<hbm>>
    %dma_wait3A_147 = arith.constant 0 : i32
    %dma_wait3A_148 = tpu.memref_slice %arg5[%dma_wait3A_139, %dma_wait3A_147] : memref<4x128xi32, #tpu.memory_space<vmem>> -> memref<1x128xi32, #tpu.memory_space<vmem>>
    %dma_wait3A_149 = tpu.memref_squeeze %dma_wait3A_148 : memref<1x128xi32, #tpu.memory_space<vmem>> -> memref<128xi32, #tpu.memory_space<vmem>>
    %dma_wait3A_150 = arith.constant 0 : i32
    %dma_wait3A_151 = tpu.memref_slice %arg3[%dma_wait3A, %dma_wait3A_150] : memref<2x323584xi32, #tpu.memory_space<hbm>> -> memref<1x323584xi32, #tpu.memory_space<hbm>>
    %dma_wait3A_152 = tpu.memref_squeeze %dma_wait3A_151 : memref<1x323584xi32, #tpu.memory_space<hbm>> -> memref<323584xi32, #tpu.memory_space<hbm>>
    %dma_wait3A_153 = tpu.memref_slice %dma_wait3A_152[%add3A_138] : memref<323584xi32, #tpu.memory_space<hbm>> -> memref<128xi32, #tpu.memory_space<hbm>>
    tpu.wait_dma2 semaphore(%arg9 : memref<!tpu.dma_semaphore, #tpu.memory_space<semaphore_mem>>) src(%dma_wait3A_153 : memref<128xi32, #tpu.memory_space<hbm>>) dst(%dma_wait3A_149 : memref<128xi32, #tpu.memory_space<vmem>>)
    %dma_start3A_154 = arith.constant 0 : i32
    %dma_start3A_155 = arith.constant 0 : i32
    %dma_start3A_156 = arith.constant 0 : i32
    %dma_start3A_157 = tpu.memref_slice %arg7[%dma_start3A_155, %dma_start3A_156] : memref<256x128xf32, #tpu.memory_space<vmem>> -> memref<128x128xf32, #tpu.memory_space<vmem>>
    %dma_start3A_158 = arith.constant 0 : i32
    %dma_start3A_159 = tpu.memref_slice %arg5[%dma_start3A_154, %dma_start3A_158] : memref<4x128xi32, #tpu.memory_space<vmem>> -> memref<1x128xi32, #tpu.memory_space<vmem>>
    %dma_start3A_160 = tpu.memref_squeeze %dma_start3A_159 : memref<1x128xi32, #tpu.memory_space<vmem>> -> memref<128xi32, #tpu.memory_space<vmem>>
    %dma_start3A_161 = arith.constant 0 : i32
    %dma_start3A_162 = arith.constant 0 : i32
    %dma_start3A_163 = tpu.memref_slice %arg2[%dma_start3A_161, %dma_start3A_162] : memref<10000x128xf32, #tpu.memory_space<hbm>> -> memref<10000x128xf32, #tpu.memory_space<hbm>>
    tpu.enqueue_indirect_dma source(%dma_start3A_163 : memref<10000x128xf32, #tpu.memory_space<hbm>>) target(%dma_start3A_157 : memref<128x128xf32, #tpu.memory_space<vmem>>) offsets(%dma_start3A_160 : memref<128xi32, #tpu.memory_space<vmem>>) semaphore(%arg17 : memref<!tpu.dma_semaphore, #tpu.memory_space<semaphore_mem>>)
    %add3A_164 = arith.constant 128 : i32
    %add3A_165 = arith.addi %mul3A_4, %add3A_164 : i32
    %dma_wait3A_166 = arith.constant 0 : i32
    %dma_wait3A_167 = arith.constant 1 : i32
    %dma_wait3A_168 = arith.constant 0 : i32
    %dma_wait3A_169 = tpu.memref_slice %arg5[%dma_wait3A_167, %dma_wait3A_168] : memref<4x128xi32, #tpu.memory_space<vmem>> -> memref<1x128xi32, #tpu.memory_space<vmem>>
    %dma_wait3A_170 = tpu.memref_squeeze %dma_wait3A_169 : memref<1x128xi32, #tpu.memory_space<vmem>> -> memref<128xi32, #tpu.memory_space<vmem>>
    %dma_wait3A_171 = arith.constant 0 : i32
    %dma_wait3A_172 = tpu.memref_slice %arg3[%dma_wait3A_166, %dma_wait3A_171] : memref<2x323584xi32, #tpu.memory_space<hbm>> -> memref<1x323584xi32, #tpu.memory_space<hbm>>
    %dma_wait3A_173 = tpu.memref_squeeze %dma_wait3A_172 : memref<1x323584xi32, #tpu.memory_space<hbm>> -> memref<323584xi32, #tpu.memory_space<hbm>>
    %dma_wait3A_174 = tpu.memref_slice %dma_wait3A_173[%add3A_165] : memref<323584xi32, #tpu.memory_space<hbm>> -> memref<128xi32, #tpu.memory_space<hbm>>
    %dma_wait3A_175 = arith.constant 0 : i32
    %dma_wait3A_176 = tpu.memref_slice %arg5[%dma_wait3A_167, %dma_wait3A_175] : memref<4x128xi32, #tpu.memory_space<vmem>> -> memref<1x128xi32, #tpu.memory_space<vmem>>
    %dma_wait3A_177 = tpu.memref_squeeze %dma_wait3A_176 : memref<1x128xi32, #tpu.memory_space<vmem>> -> memref<128xi32, #tpu.memory_space<vmem>>
    %dma_wait3A_178 = arith.constant 0 : i32
    %dma_wait3A_179 = tpu.memref_slice %arg3[%dma_wait3A_166, %dma_wait3A_178] : memref<2x323584xi32, #tpu.memory_space<hbm>> -> memref<1x323584xi32, #tpu.memory_space<hbm>>
    %dma_wait3A_180 = tpu.memref_squeeze %dma_wait3A_179 : memref<1x323584xi32, #tpu.memory_space<hbm>> -> memref<323584xi32, #tpu.memory_space<hbm>>
    %dma_wait3A_181 = tpu.memref_slice %dma_wait3A_180[%add3A_165] : memref<323584xi32, #tpu.memory_space<hbm>> -> memref<128xi32, #tpu.memory_space<hbm>>
    tpu.wait_dma2 semaphore(%arg10 : memref<!tpu.dma_semaphore, #tpu.memory_space<semaphore_mem>>) src(%dma_wait3A_181 : memref<128xi32, #tpu.memory_space<hbm>>) dst(%dma_wait3A_177 : memref<128xi32, #tpu.memory_space<vmem>>)
    %dma_start3A_182 = arith.constant 1 : i32
    %dma_start3A_183 = arith.constant 128 : i32
    %dma_start3A_184 = arith.constant 0 : i32
    %dma_start3A_185 = tpu.memref_slice %arg7[%dma_start3A_183, %dma_start3A_184] : memref<256x128xf32, #tpu.memory_space<vmem>> -> memref<128x128xf32, #tpu.memory_space<vmem>>
    %dma_start3A_186 = arith.constant 0 : i32
    %dma_start3A_187 = tpu.memref_slice %arg5[%dma_start3A_182, %dma_start3A_186] : memref<4x128xi32, #tpu.memory_space<vmem>> -> memref<1x128xi32, #tpu.memory_space<vmem>>
    %dma_start3A_188 = tpu.memref_squeeze %dma_start3A_187 : memref<1x128xi32, #tpu.memory_space<vmem>> -> memref<128xi32, #tpu.memory_space<vmem>>
    %dma_start3A_189 = arith.constant 0 : i32
    %dma_start3A_190 = arith.constant 0 : i32
    %dma_start3A_191 = tpu.memref_slice %arg2[%dma_start3A_189, %dma_start3A_190] : memref<10000x128xf32, #tpu.memory_space<hbm>> -> memref<10000x128xf32, #tpu.memory_space<hbm>>
    tpu.enqueue_indirect_dma source(%dma_start3A_191 : memref<10000x128xf32, #tpu.memory_space<hbm>>) target(%dma_start3A_185 : memref<128x128xf32, #tpu.memory_space<vmem>>) offsets(%dma_start3A_188 : memref<128xi32, #tpu.memory_space<vmem>>) semaphore(%arg18 : memref<!tpu.dma_semaphore, #tpu.memory_space<semaphore_mem>>)
    %dma_wait3A_192 = arith.constant 0 : i32
    %dma_wait3A_193 = arith.constant 0 : i32
    %dma_wait3A_194 = arith.constant 0 : i32
    %dma_wait3A_195 = tpu.memref_slice %arg7[%dma_wait3A_193, %dma_wait3A_194] : memref<256x128xf32, #tpu.memory_space<vmem>> -> memref<128x128xf32, #tpu.memory_space<vmem>>
    %dma_wait3A_196 = arith.constant 0 : i32
    %dma_wait3A_197 = tpu.memref_slice %arg5[%dma_wait3A_192, %dma_wait3A_196] : memref<4x128xi32, #tpu.memory_space<vmem>> -> memref<1x128xi32, #tpu.memory_space<vmem>>
    %dma_wait3A_198 = tpu.memref_squeeze %dma_wait3A_197 : memref<1x128xi32, #tpu.memory_space<vmem>> -> memref<128xi32, #tpu.memory_space<vmem>>
    %dma_wait3A_199 = arith.constant 0 : i32
    %dma_wait3A_200 = arith.constant 0 : i32
    %dma_wait3A_201 = tpu.memref_slice %arg2[%dma_wait3A_199, %dma_wait3A_200] : memref<10000x128xf32, #tpu.memory_space<hbm>> -> memref<10000x128xf32, #tpu.memory_space<hbm>>
    tpu.wait_indirect_dma semaphore(%arg17 : memref<!tpu.dma_semaphore, #tpu.memory_space<semaphore_mem>>) src(%dma_wait3A_201 : memref<10000x128xf32, #tpu.memory_space<hbm>>) dst(%dma_wait3A_195 : memref<128x128xf32, #tpu.memory_space<vmem>>)
    %add3A_202 = arith.constant 0 : i32
    %add3A_203 = arith.addi %mul3A_4, %add3A_202 : i32
    %dma_wait3A_204 = arith.constant 1 : i32
    %dma_wait3A_205 = arith.constant 0 : i32
    %dma_wait3A_206 = arith.constant 0 : i32
    %dma_wait3A_207 = tpu.memref_slice %arg6[%dma_wait3A_205, %dma_wait3A_206] : memref<4x128xi32, #tpu.memory_space<vmem>> -> memref<1x128xi32, #tpu.memory_space<vmem>>
    %dma_wait3A_208 = tpu.memref_squeeze %dma_wait3A_207 : memref<1x128xi32, #tpu.memory_space<vmem>> -> memref<128xi32, #tpu.memory_space<vmem>>
    %dma_wait3A_209 = arith.constant 0 : i32
    %dma_wait3A_210 = tpu.memref_slice %arg3[%dma_wait3A_204, %dma_wait3A_209] : memref<2x323584xi32, #tpu.memory_space<hbm>> -> memref<1x323584xi32, #tpu.memory_space<hbm>>
    %dma_wait3A_211 = tpu.memref_squeeze %dma_wait3A_210 : memref<1x323584xi32, #tpu.memory_space<hbm>> -> memref<323584xi32, #tpu.memory_space<hbm>>
    %dma_wait3A_212 = tpu.memref_slice %dma_wait3A_211[%add3A_203] : memref<323584xi32, #tpu.memory_space<hbm>> -> memref<128xi32, #tpu.memory_space<hbm>>
    %dma_wait3A_213 = arith.constant 0 : i32
    %dma_wait3A_214 = tpu.memref_slice %arg6[%dma_wait3A_205, %dma_wait3A_213] : memref<4x128xi32, #tpu.memory_space<vmem>> -> memref<1x128xi32, #tpu.memory_space<vmem>>
    %dma_wait3A_215 = tpu.memref_squeeze %dma_wait3A_214 : memref<1x128xi32, #tpu.memory_space<vmem>> -> memref<128xi32, #tpu.memory_space<vmem>>
    %dma_wait3A_216 = arith.constant 0 : i32
    %dma_wait3A_217 = tpu.memref_slice %arg3[%dma_wait3A_204, %dma_wait3A_216] : memref<2x323584xi32, #tpu.memory_space<hbm>> -> memref<1x323584xi32, #tpu.memory_space<hbm>>
    %dma_wait3A_218 = tpu.memref_squeeze %dma_wait3A_217 : memref<1x323584xi32, #tpu.memory_space<hbm>> -> memref<323584xi32, #tpu.memory_space<hbm>>
    %dma_wait3A_219 = tpu.memref_slice %dma_wait3A_218[%add3A_203] : memref<323584xi32, #tpu.memory_space<hbm>> -> memref<128xi32, #tpu.memory_space<hbm>>
    tpu.wait_dma2 semaphore(%arg13 : memref<!tpu.dma_semaphore, #tpu.memory_space<semaphore_mem>>) src(%dma_wait3A_219 : memref<128xi32, #tpu.memory_space<hbm>>) dst(%dma_wait3A_215 : memref<128xi32, #tpu.memory_space<vmem>>)
    %dma_start3A_220 = arith.constant 0 : i32
    %dma_start3A_221 = arith.constant 0 : i32
    %dma_start3A_222 = arith.constant 0 : i32
    %dma_start3A_223 = tpu.memref_slice %arg7[%dma_start3A_221, %dma_start3A_222] : memref<256x128xf32, #tpu.memory_space<vmem>> -> memref<128x128xf32, #tpu.memory_space<vmem>>
    %dma_start3A_224 = arith.constant 0 : i32
    %dma_start3A_225 = tpu.memref_slice %arg6[%dma_start3A_220, %dma_start3A_224] : memref<4x128xi32, #tpu.memory_space<vmem>> -> memref<1x128xi32, #tpu.memory_space<vmem>>
    %dma_start3A_226 = tpu.memref_squeeze %dma_start3A_225 : memref<1x128xi32, #tpu.memory_space<vmem>> -> memref<128xi32, #tpu.memory_space<vmem>>
    %dma_start3A_227 = arith.constant 0 : i32
    %dma_start3A_228 = arith.constant 0 : i32
    %dma_start3A_229 = tpu.memref_slice %arg8[%dma_start3A_227, %dma_start3A_228] : memref<10240x128xf32, #tpu.memory_space<vmem_shared>> -> memref<10240x128xf32, #tpu.memory_space<vmem_shared>>
    tpu.enqueue_indirect_dma source(%dma_start3A_223 : memref<128x128xf32, #tpu.memory_space<vmem>>) target(%dma_start3A_229 : memref<10240x128xf32, #tpu.memory_space<vmem_shared>>) offsets(%dma_start3A_226 : memref<128xi32, #tpu.memory_space<vmem>>) semaphore(%arg19 : memref<!tpu.dma_semaphore, #tpu.memory_space<semaphore_mem>>) {add = true}
    %add3A_230 = arith.constant 384 : i32
    %add3A_231 = arith.addi %mul3A_4, %add3A_230 : i32
    %dma_start3A_232 = arith.constant 0 : i32
    %dma_start3A_233 = arith.constant 3 : i32
    %dma_start3A_234 = arith.constant 0 : i32
    %dma_start3A_235 = tpu.memref_slice %arg5[%dma_start3A_233, %dma_start3A_234] : memref<4x128xi32, #tpu.memory_space<vmem>> -> memref<1x128xi32, #tpu.memory_space<vmem>>
    %dma_start3A_236 = tpu.memref_squeeze %dma_start3A_235 : memref<1x128xi32, #tpu.memory_space<vmem>> -> memref<128xi32, #tpu.memory_space<vmem>>
    %dma_start3A_237 = arith.constant 0 : i32
    %dma_start3A_238 = tpu.memref_slice %arg3[%dma_start3A_232, %dma_start3A_237] : memref<2x323584xi32, #tpu.memory_space<hbm>> -> memref<1x323584xi32, #tpu.memory_space<hbm>>
    %dma_start3A_239 = tpu.memref_squeeze %dma_start3A_238 : memref<1x323584xi32, #tpu.memory_space<hbm>> -> memref<323584xi32, #tpu.memory_space<hbm>>
    %dma_start3A_240 = tpu.memref_slice %dma_start3A_239[%add3A_231] : memref<323584xi32, #tpu.memory_space<hbm>> -> memref<128xi32, #tpu.memory_space<hbm>>
    %dma_start3A_241 = arith.constant 0 : i32
    %dma_start3A_242 = tpu.memref_slice %arg5[%dma_start3A_233, %dma_start3A_241] : memref<4x128xi32, #tpu.memory_space<vmem>> -> memref<1x128xi32, #tpu.memory_space<vmem>>
    %dma_start3A_243 = tpu.memref_squeeze %dma_start3A_242 : memref<1x128xi32, #tpu.memory_space<vmem>> -> memref<128xi32, #tpu.memory_space<vmem>>
    %dma_start3A_244 = arith.constant 0 : i32
    %dma_start3A_245 = tpu.memref_slice %arg3[%dma_start3A_232, %dma_start3A_244] : memref<2x323584xi32, #tpu.memory_space<hbm>> -> memref<1x323584xi32, #tpu.memory_space<hbm>>
    %dma_start3A_246 = tpu.memref_squeeze %dma_start3A_245 : memref<1x323584xi32, #tpu.memory_space<hbm>> -> memref<323584xi32, #tpu.memory_space<hbm>>
    %dma_start3A_247 = tpu.memref_slice %dma_start3A_246[%add3A_231] : memref<323584xi32, #tpu.memory_space<hbm>> -> memref<128xi32, #tpu.memory_space<hbm>>
    tpu.enqueue_dma source(%dma_start3A_247 : memref<128xi32, #tpu.memory_space<hbm>>) target(%dma_start3A_243 : memref<128xi32, #tpu.memory_space<vmem>>) target_semaphore(%arg12 : memref<!tpu.dma_semaphore, #tpu.memory_space<semaphore_mem>>)
    %add3A_248 = arith.constant 384 : i32
    %add3A_249 = arith.addi %mul3A_4, %add3A_248 : i32
    %dma_start3A_250 = arith.constant 1 : i32
    %dma_start3A_251 = arith.constant 3 : i32
    %dma_start3A_252 = arith.constant 0 : i32
    %dma_start3A_253 = tpu.memref_slice %arg6[%dma_start3A_251, %dma_start3A_252] : memref<4x128xi32, #tpu.memory_space<vmem>> -> memref<1x128xi32, #tpu.memory_space<vmem>>
    %dma_start3A_254 = tpu.memref_squeeze %dma_start3A_253 : memref<1x128xi32, #tpu.memory_space<vmem>> -> memref<128xi32, #tpu.memory_space<vmem>>
    %dma_start3A_255 = arith.constant 0 : i32
    %dma_start3A_256 = tpu.memref_slice %arg3[%dma_start3A_250, %dma_start3A_255] : memref<2x323584xi32, #tpu.memory_space<hbm>> -> memref<1x323584xi32, #tpu.memory_space<hbm>>
    %dma_start3A_257 = tpu.memref_squeeze %dma_start3A_256 : memref<1x323584xi32, #tpu.memory_space<hbm>> -> memref<323584xi32, #tpu.memory_space<hbm>>
    %dma_start3A_258 = tpu.memref_slice %dma_start3A_257[%add3A_249] : memref<323584xi32, #tpu.memory_space<hbm>> -> memref<128xi32, #tpu.memory_space<hbm>>
    %dma_start3A_259 = arith.constant 0 : i32
    %dma_start3A_260 = tpu.memref_slice %arg6[%dma_start3A_251, %dma_start3A_259] : memref<4x128xi32, #tpu.memory_space<vmem>> -> memref<1x128xi32, #tpu.memory_space<vmem>>
    %dma_start3A_261 = tpu.memref_squeeze %dma_start3A_260 : memref<1x128xi32, #tpu.memory_space<vmem>> -> memref<128xi32, #tpu.memory_space<vmem>>
    %dma_start3A_262 = arith.constant 0 : i32
    %dma_start3A_263 = tpu.memref_slice %arg3[%dma_start3A_250, %dma_start3A_262] : memref<2x323584xi32, #tpu.memory_space<hbm>> -> memref<1x323584xi32, #tpu.memory_space<hbm>>
    %dma_start3A_264 = tpu.memref_squeeze %dma_start3A_263 : memref<1x323584xi32, #tpu.memory_space<hbm>> -> memref<323584xi32, #tpu.memory_space<hbm>>
    %dma_start3A_265 = tpu.memref_slice %dma_start3A_264[%add3A_249] : memref<323584xi32, #tpu.memory_space<hbm>> -> memref<128xi32, #tpu.memory_space<hbm>>
    tpu.enqueue_dma source(%dma_start3A_265 : memref<128xi32, #tpu.memory_space<hbm>>) target(%dma_start3A_261 : memref<128xi32, #tpu.memory_space<vmem>>) target_semaphore(%arg16 : memref<!tpu.dma_semaphore, #tpu.memory_space<semaphore_mem>>)
    %scan3A_266 = arith.constant 0 : i32
    %scan3A_267 = arith.constant 0 : i32
    %scan3A_268 = arith.constant 1 : i32
    %scan3A_269 = arith.constant 0 : i32
    %scan3A_270 = arith.constant 18 : i32
    %scan3A_271 = arith.addi %scan3A_269, %scan3A_270 : i32
    %scan3A_272 = arith.constant 1 : i32
    scf.for %scan3A_825 = %scan3A_269 to %scan3A_271 step %scan3A_272  : i32 {
      %mul3A_826 = arith.constant 4 : i32
      %mul3A_827 = arith.muli %mul3A_826, %scan3A_825 : i32
      %add3A_828 = arith.constant 1 : i32
      %add3A_829 = arith.addi %add3A_828, %mul3A_827 : i32
      %add3A_830 = arith.constant 0 : i32
      %add3A_831 = arith.addi %add3A_829, %add3A_830 : i32
      %add3A_832 = arith.constant 1 : i32
      %add3A_833 = arith.addi %add3A_831, %add3A_832 : i32
      %mul3A_834 = arith.constant 128 : i32
      %mul3A_835 = arith.muli %add3A_833, %mul3A_834 : i32
      %add3A_836 = arith.addi %mul3A_4, %mul3A_835 : i32
      %dma_wait3A_837 = arith.constant 2 : i32
      %dma_wait3A_838 = arith.constant 0 : i32
      %dma_wait3A_839 = tpu.memref_slice %arg5[%dma_wait3A_837, %dma_wait3A_838] : memref<4x128xi32, #tpu.memory_space<vmem>> -> memref<1x128xi32, #tpu.memory_space<vmem>>
      %dma_wait3A_840 = tpu.memref_squeeze %dma_wait3A_839 : memref<1x128xi32, #tpu.memory_space<vmem>> -> memref<128xi32, #tpu.memory_space<vmem>>
      %dma_wait3A_841 = arith.constant 0 : i32
      %dma_wait3A_842 = tpu.memref_slice %arg3[%scan3A_267, %dma_wait3A_841] : memref<2x323584xi32, #tpu.memory_space<hbm>> -> memref<1x323584xi32, #tpu.memory_space<hbm>>
      %dma_wait3A_843 = tpu.memref_squeeze %dma_wait3A_842 : memref<1x323584xi32, #tpu.memory_space<hbm>> -> memref<323584xi32, #tpu.memory_space<hbm>>
      %dma_wait3A_844 = tpu.memref_slice %dma_wait3A_843[%add3A_836] : memref<323584xi32, #tpu.memory_space<hbm>> -> memref<128xi32, #tpu.memory_space<hbm>>
      %dma_wait3A_845 = arith.constant 0 : i32
      %dma_wait3A_846 = tpu.memref_slice %arg5[%dma_wait3A_837, %dma_wait3A_845] : memref<4x128xi32, #tpu.memory_space<vmem>> -> memref<1x128xi32, #tpu.memory_space<vmem>>
      %dma_wait3A_847 = tpu.memref_squeeze %dma_wait3A_846 : memref<1x128xi32, #tpu.memory_space<vmem>> -> memref<128xi32, #tpu.memory_space<vmem>>
      %dma_wait3A_848 = arith.constant 0 : i32
      %dma_wait3A_849 = tpu.memref_slice %arg3[%scan3A_267, %dma_wait3A_848] : memref<2x323584xi32, #tpu.memory_space<hbm>> -> memref<1x323584xi32, #tpu.memory_space<hbm>>
      %dma_wait3A_850 = tpu.memref_squeeze %dma_wait3A_849 : memref<1x323584xi32, #tpu.memory_space<hbm>> -> memref<323584xi32, #tpu.memory_space<hbm>>
      %dma_wait3A_851 = tpu.memref_slice %dma_wait3A_850[%add3A_836] : memref<323584xi32, #tpu.memory_space<hbm>> -> memref<128xi32, #tpu.memory_space<hbm>>
      tpu.wait_dma2 semaphore(%arg11 : memref<!tpu.dma_semaphore, #tpu.memory_space<semaphore_mem>>) src(%dma_wait3A_851 : memref<128xi32, #tpu.memory_space<hbm>>) dst(%dma_wait3A_847 : memref<128xi32, #tpu.memory_space<vmem>>)
      %dma_wait3A_852 = arith.constant 0 : i32
      %dma_wait3A_853 = arith.constant 0 : i32
      %dma_wait3A_854 = arith.constant 0 : i32
      %dma_wait3A_855 = tpu.memref_slice %arg7[%dma_wait3A_853, %dma_wait3A_854] : memref<256x128xf32, #tpu.memory_space<vmem>> -> memref<128x128xf32, #tpu.memory_space<vmem>>
      %dma_wait3A_856 = arith.constant 0 : i32
      %dma_wait3A_857 = tpu.memref_slice %arg6[%dma_wait3A_852, %dma_wait3A_856] : memref<4x128xi32, #tpu.memory_space<vmem>> -> memref<1x128xi32, #tpu.memory_space<vmem>>
      %dma_wait3A_858 = tpu.memref_squeeze %dma_wait3A_857 : memref<1x128xi32, #tpu.memory_space<vmem>> -> memref<128xi32, #tpu.memory_space<vmem>>
      %dma_wait3A_859 = arith.constant 0 : i32
      %dma_wait3A_860 = arith.constant 0 : i32
      %dma_wait3A_861 = tpu.memref_slice %arg8[%dma_wait3A_859, %dma_wait3A_860] : memref<10240x128xf32, #tpu.memory_space<vmem_shared>> -> memref<10240x128xf32, #tpu.memory_space<vmem_shared>>
      tpu.wait_indirect_dma semaphore(%arg19 : memref<!tpu.dma_semaphore, #tpu.memory_space<semaphore_mem>>) src(%dma_wait3A_855 : memref<128x128xf32, #tpu.memory_space<vmem>>) dst(%dma_wait3A_861 : memref<10240x128xf32, #tpu.memory_space<vmem_shared>>)
      %dma_start3A_862 = arith.constant 2 : i32
      %dma_start3A_863 = arith.constant 0 : i32
      %dma_start3A_864 = arith.constant 0 : i32
      %dma_start3A_865 = tpu.memref_slice %arg7[%dma_start3A_863, %dma_start3A_864] : memref<256x128xf32, #tpu.memory_space<vmem>> -> memref<128x128xf32, #tpu.memory_space<vmem>>
      %dma_start3A_866 = arith.constant 0 : i32
      %dma_start3A_867 = tpu.memref_slice %arg5[%dma_start3A_862, %dma_start3A_866] : memref<4x128xi32, #tpu.memory_space<vmem>> -> memref<1x128xi32, #tpu.memory_space<vmem>>
      %dma_start3A_868 = tpu.memref_squeeze %dma_start3A_867 : memref<1x128xi32, #tpu.memory_space<vmem>> -> memref<128xi32, #tpu.memory_space<vmem>>
      %dma_start3A_869 = arith.constant 0 : i32
      %dma_start3A_870 = arith.constant 0 : i32
      %dma_start3A_871 = tpu.memref_slice %arg2[%dma_start3A_869, %dma_start3A_870] : memref<10000x128xf32, #tpu.memory_space<hbm>> -> memref<10000x128xf32, #tpu.memory_space<hbm>>
      tpu.enqueue_indirect_dma source(%dma_start3A_871 : memref<10000x128xf32, #tpu.memory_space<hbm>>) target(%dma_start3A_865 : memref<128x128xf32, #tpu.memory_space<vmem>>) offsets(%dma_start3A_868 : memref<128xi32, #tpu.memory_space<vmem>>) semaphore(%arg17 : memref<!tpu.dma_semaphore, #tpu.memory_space<semaphore_mem>>)
      %dma_wait3A_872 = arith.constant 1 : i32
      %dma_wait3A_873 = arith.constant 128 : i32
      %dma_wait3A_874 = arith.constant 0 : i32
      %dma_wait3A_875 = tpu.memref_slice %arg7[%dma_wait3A_873, %dma_wait3A_874] : memref<256x128xf32, #tpu.memory_space<vmem>> -> memref<128x128xf32, #tpu.memory_space<vmem>>
      %dma_wait3A_876 = arith.constant 0 : i32
      %dma_wait3A_877 = tpu.memref_slice %arg5[%dma_wait3A_872, %dma_wait3A_876] : memref<4x128xi32, #tpu.memory_space<vmem>> -> memref<1x128xi32, #tpu.memory_space<vmem>>
      %dma_wait3A_878 = tpu.memref_squeeze %dma_wait3A_877 : memref<1x128xi32, #tpu.memory_space<vmem>> -> memref<128xi32, #tpu.memory_space<vmem>>
      %dma_wait3A_879 = arith.constant 0 : i32
      %dma_wait3A_880 = arith.constant 0 : i32
      %dma_wait3A_881 = tpu.memref_slice %arg2[%dma_wait3A_879, %dma_wait3A_880] : memref<10000x128xf32, #tpu.memory_space<hbm>> -> memref<10000x128xf32, #tpu.memory_space<hbm>>
      tpu.wait_indirect_dma semaphore(%arg18 : memref<!tpu.dma_semaphore, #tpu.memory_space<semaphore_mem>>) src(%dma_wait3A_881 : memref<10000x128xf32, #tpu.memory_space<hbm>>) dst(%dma_wait3A_875 : memref<128x128xf32, #tpu.memory_space<vmem>>)
      %mul3A_882 = arith.constant 128 : i32
      %mul3A_883 = arith.muli %add3A_831, %mul3A_882 : i32
      %add3A_884 = arith.addi %mul3A_4, %mul3A_883 : i32
      %dma_wait3A_885 = arith.constant 1 : i32
      %dma_wait3A_886 = arith.constant 0 : i32
      %dma_wait3A_887 = tpu.memref_slice %arg6[%dma_wait3A_885, %dma_wait3A_886] : memref<4x128xi32, #tpu.memory_space<vmem>> -> memref<1x128xi32, #tpu.memory_space<vmem>>
      %dma_wait3A_888 = tpu.memref_squeeze %dma_wait3A_887 : memref<1x128xi32, #tpu.memory_space<vmem>> -> memref<128xi32, #tpu.memory_space<vmem>>
      %dma_wait3A_889 = arith.constant 0 : i32
      %dma_wait3A_890 = tpu.memref_slice %arg3[%scan3A_268, %dma_wait3A_889] : memref<2x323584xi32, #tpu.memory_space<hbm>> -> memref<1x323584xi32, #tpu.memory_space<hbm>>
      %dma_wait3A_891 = tpu.memref_squeeze %dma_wait3A_890 : memref<1x323584xi32, #tpu.memory_space<hbm>> -> memref<323584xi32, #tpu.memory_space<hbm>>
      %dma_wait3A_892 = tpu.memref_slice %dma_wait3A_891[%add3A_884] : memref<323584xi32, #tpu.memory_space<hbm>> -> memref<128xi32, #tpu.memory_space<hbm>>
      %dma_wait3A_893 = arith.constant 0 : i32
      %dma_wait3A_894 = tpu.memref_slice %arg6[%dma_wait3A_885, %dma_wait3A_893] : memref<4x128xi32, #tpu.memory_space<vmem>> -> memref<1x128xi32, #tpu.memory_space<vmem>>
      %dma_wait3A_895 = tpu.memref_squeeze %dma_wait3A_894 : memref<1x128xi32, #tpu.memory_space<vmem>> -> memref<128xi32, #tpu.memory_space<vmem>>
      %dma_wait3A_896 = arith.constant 0 : i32
      %dma_wait3A_897 = tpu.memref_slice %arg3[%scan3A_268, %dma_wait3A_896] : memref<2x323584xi32, #tpu.memory_space<hbm>> -> memref<1x323584xi32, #tpu.memory_space<hbm>>
      %dma_wait3A_898 = tpu.memref_squeeze %dma_wait3A_897 : memref<1x323584xi32, #tpu.memory_space<hbm>> -> memref<323584xi32, #tpu.memory_space<hbm>>
      %dma_wait3A_899 = tpu.memref_slice %dma_wait3A_898[%add3A_884] : memref<323584xi32, #tpu.memory_space<hbm>> -> memref<128xi32, #tpu.memory_space<hbm>>
      tpu.wait_dma2 semaphore(%arg14 : memref<!tpu.dma_semaphore, #tpu.memory_space<semaphore_mem>>) src(%dma_wait3A_899 : memref<128xi32, #tpu.memory_space<hbm>>) dst(%dma_wait3A_895 : memref<128xi32, #tpu.memory_space<vmem>>)
      %dma_start3A_900 = arith.constant 1 : i32
      %dma_start3A_901 = arith.constant 128 : i32
      %dma_start3A_902 = arith.constant 0 : i32
      %dma_start3A_903 = tpu.memref_slice %arg7[%dma_start3A_901, %dma_start3A_902] : memref<256x128xf32, #tpu.memory_space<vmem>> -> memref<128x128xf32, #tpu.memory_space<vmem>>
      %dma_start3A_904 = arith.constant 0 : i32
      %dma_start3A_905 = tpu.memref_slice %arg6[%dma_start3A_900, %dma_start3A_904] : memref<4x128xi32, #tpu.memory_space<vmem>> -> memref<1x128xi32, #tpu.memory_space<vmem>>
      %dma_start3A_906 = tpu.memref_squeeze %dma_start3A_905 : memref<1x128xi32, #tpu.memory_space<vmem>> -> memref<128xi32, #tpu.memory_space<vmem>>
      %dma_start3A_907 = arith.constant 0 : i32
      %dma_start3A_908 = arith.constant 0 : i32
      %dma_start3A_909 = tpu.memref_slice %arg8[%dma_start3A_907, %dma_start3A_908] : memref<10240x128xf32, #tpu.memory_space<vmem_shared>> -> memref<10240x128xf32, #tpu.memory_space<vmem_shared>>
      tpu.enqueue_indirect_dma source(%dma_start3A_903 : memref<128x128xf32, #tpu.memory_space<vmem>>) target(%dma_start3A_909 : memref<10240x128xf32, #tpu.memory_space<vmem_shared>>) offsets(%dma_start3A_906 : memref<128xi32, #tpu.memory_space<vmem>>) semaphore(%arg20 : memref<!tpu.dma_semaphore, #tpu.memory_space<semaphore_mem>>) {add = true}
      %add3A_910 = arith.constant 4 : i32
      %add3A_911 = arith.addi %add3A_831, %add3A_910 : i32
      %sub3A = arith.constant 1 : i32
      %sub3A_912 = arith.subi %add3A_911, %sub3A : i32
      %mul3A_913 = arith.constant 128 : i32
      %mul3A_914 = arith.muli %sub3A_912, %mul3A_913 : i32
      %add3A_915 = arith.addi %mul3A_4, %mul3A_914 : i32
      %dma_start3A_916 = arith.constant 0 : i32
      %dma_start3A_917 = arith.constant 0 : i32
      %dma_start3A_918 = tpu.memref_slice %arg5[%dma_start3A_916, %dma_start3A_917] : memref<4x128xi32, #tpu.memory_space<vmem>> -> memref<1x128xi32, #tpu.memory_space<vmem>>
      %dma_start3A_919 = tpu.memref_squeeze %dma_start3A_918 : memref<1x128xi32, #tpu.memory_space<vmem>> -> memref<128xi32, #tpu.memory_space<vmem>>
      %dma_start3A_920 = arith.constant 0 : i32
      %dma_start3A_921 = tpu.memref_slice %arg3[%scan3A_267, %dma_start3A_920] : memref<2x323584xi32, #tpu.memory_space<hbm>> -> memref<1x323584xi32, #tpu.memory_space<hbm>>
      %dma_start3A_922 = tpu.memref_squeeze %dma_start3A_921 : memref<1x323584xi32, #tpu.memory_space<hbm>> -> memref<323584xi32, #tpu.memory_space<hbm>>
      %dma_start3A_923 = tpu.memref_slice %dma_start3A_922[%add3A_915] : memref<323584xi32, #tpu.memory_space<hbm>> -> memref<128xi32, #tpu.memory_space<hbm>>
      %dma_start3A_924 = arith.constant 0 : i32
      %dma_start3A_925 = tpu.memref_slice %arg5[%dma_start3A_916, %dma_start3A_924] : memref<4x128xi32, #tpu.memory_space<vmem>> -> memref<1x128xi32, #tpu.memory_space<vmem>>
      %dma_start3A_926 = tpu.memref_squeeze %dma_start3A_925 : memref<1x128xi32, #tpu.memory_space<vmem>> -> memref<128xi32, #tpu.memory_space<vmem>>
      %dma_start3A_927 = arith.constant 0 : i32
      %dma_start3A_928 = tpu.memref_slice %arg3[%scan3A_267, %dma_start3A_927] : memref<2x323584xi32, #tpu.memory_space<hbm>> -> memref<1x323584xi32, #tpu.memory_space<hbm>>
      %dma_start3A_929 = tpu.memref_squeeze %dma_start3A_928 : memref<1x323584xi32, #tpu.memory_space<hbm>> -> memref<323584xi32, #tpu.memory_space<hbm>>
      %dma_start3A_930 = tpu.memref_slice %dma_start3A_929[%add3A_915] : memref<323584xi32, #tpu.memory_space<hbm>> -> memref<128xi32, #tpu.memory_space<hbm>>
      tpu.enqueue_dma source(%dma_start3A_930 : memref<128xi32, #tpu.memory_space<hbm>>) target(%dma_start3A_926 : memref<128xi32, #tpu.memory_space<vmem>>) target_semaphore(%arg9 : memref<!tpu.dma_semaphore, #tpu.memory_space<semaphore_mem>>)
      %mul3A_931 = arith.constant 128 : i32
      %mul3A_932 = arith.muli %sub3A_912, %mul3A_931 : i32
      %add3A_933 = arith.addi %mul3A_4, %mul3A_932 : i32
      %dma_start3A_934 = arith.constant 0 : i32
      %dma_start3A_935 = arith.constant 0 : i32
      %dma_start3A_936 = tpu.memref_slice %arg6[%dma_start3A_934, %dma_start3A_935] : memref<4x128xi32, #tpu.memory_space<vmem>> -> memref<1x128xi32, #tpu.memory_space<vmem>>
      %dma_start3A_937 = tpu.memref_squeeze %dma_start3A_936 : memref<1x128xi32, #tpu.memory_space<vmem>> -> memref<128xi32, #tpu.memory_space<vmem>>
      %dma_start3A_938 = arith.constant 0 : i32
      %dma_start3A_939 = tpu.memref_slice %arg3[%scan3A_268, %dma_start3A_938] : memref<2x323584xi32, #tpu.memory_space<hbm>> -> memref<1x323584xi32, #tpu.memory_space<hbm>>
      %dma_start3A_940 = tpu.memref_squeeze %dma_start3A_939 : memref<1x323584xi32, #tpu.memory_space<hbm>> -> memref<323584xi32, #tpu.memory_space<hbm>>
      %dma_start3A_941 = tpu.memref_slice %dma_start3A_940[%add3A_933] : memref<323584xi32, #tpu.memory_space<hbm>> -> memref<128xi32, #tpu.memory_space<hbm>>
      %dma_start3A_942 = arith.constant 0 : i32
      %dma_start3A_943 = tpu.memref_slice %arg6[%dma_start3A_934, %dma_start3A_942] : memref<4x128xi32, #tpu.memory_space<vmem>> -> memref<1x128xi32, #tpu.memory_space<vmem>>
      %dma_start3A_944 = tpu.memref_squeeze %dma_start3A_943 : memref<1x128xi32, #tpu.memory_space<vmem>> -> memref<128xi32, #tpu.memory_space<vmem>>
      %dma_start3A_945 = arith.constant 0 : i32
      %dma_start3A_946 = tpu.memref_slice %arg3[%scan3A_268, %dma_start3A_945] : memref<2x323584xi32, #tpu.memory_space<hbm>> -> memref<1x323584xi32, #tpu.memory_space<hbm>>
      %dma_start3A_947 = tpu.memref_squeeze %dma_start3A_946 : memref<1x323584xi32, #tpu.memory_space<hbm>> -> memref<323584xi32, #tpu.memory_space<hbm>>
      %dma_start3A_948 = tpu.memref_slice %dma_start3A_947[%add3A_933] : memref<323584xi32, #tpu.memory_space<hbm>> -> memref<128xi32, #tpu.memory_space<hbm>>
      tpu.enqueue_dma source(%dma_start3A_948 : memref<128xi32, #tpu.memory_space<hbm>>) target(%dma_start3A_944 : memref<128xi32, #tpu.memory_space<vmem>>) target_semaphore(%arg13 : memref<!tpu.dma_semaphore, #tpu.memory_space<semaphore_mem>>)
      %mul3A_949 = arith.constant 4 : i32
      %mul3A_950 = arith.muli %mul3A_949, %scan3A_825 : i32
      %add3A_951 = arith.constant 1 : i32
      %add3A_952 = arith.addi %add3A_951, %mul3A_950 : i32
      %add3A_953 = arith.constant 1 : i32
      %add3A_954 = arith.addi %add3A_952, %add3A_953 : i32
      %add3A_955 = arith.constant 1 : i32
      %add3A_956 = arith.addi %add3A_954, %add3A_955 : i32
      %mul3A_957 = arith.constant 128 : i32
      %mul3A_958 = arith.muli %add3A_956, %mul3A_957 : i32
      %add3A_959 = arith.addi %mul3A_4, %mul3A_958 : i32
      %dma_wait3A_960 = arith.constant 3 : i32
      %dma_wait3A_961 = arith.constant 0 : i32
      %dma_wait3A_962 = tpu.memref_slice %arg5[%dma_wait3A_960, %dma_wait3A_961] : memref<4x128xi32, #tpu.memory_space<vmem>> -> memref<1x128xi32, #tpu.memory_space<vmem>>
      %dma_wait3A_963 = tpu.memref_squeeze %dma_wait3A_962 : memref<1x128xi32, #tpu.memory_space<vmem>> -> memref<128xi32, #tpu.memory_space<vmem>>
      %dma_wait3A_964 = arith.constant 0 : i32
      %dma_wait3A_965 = tpu.memref_slice %arg3[%scan3A_267, %dma_wait3A_964] : memref<2x323584xi32, #tpu.memory_space<hbm>> -> memref<1x323584xi32, #tpu.memory_space<hbm>>
      %dma_wait3A_966 = tpu.memref_squeeze %dma_wait3A_965 : memref<1x323584xi32, #tpu.memory_space<hbm>> -> memref<323584xi32, #tpu.memory_space<hbm>>
      %dma_wait3A_967 = tpu.memref_slice %dma_wait3A_966[%add3A_959] : memref<323584xi32, #tpu.memory_space<hbm>> -> memref<128xi32, #tpu.memory_space<hbm>>
      %dma_wait3A_968 = arith.constant 0 : i32
      %dma_wait3A_969 = tpu.memref_slice %arg5[%dma_wait3A_960, %dma_wait3A_968] : memref<4x128xi32, #tpu.memory_space<vmem>> -> memref<1x128xi32, #tpu.memory_space<vmem>>
      %dma_wait3A_970 = tpu.memref_squeeze %dma_wait3A_969 : memref<1x128xi32, #tpu.memory_space<vmem>> -> memref<128xi32, #tpu.memory_space<vmem>>
      %dma_wait3A_971 = arith.constant 0 : i32
      %dma_wait3A_972 = tpu.memref_slice %arg3[%scan3A_267, %dma_wait3A_971] : memref<2x323584xi32, #tpu.memory_space<hbm>> -> memref<1x323584xi32, #tpu.memory_space<hbm>>
      %dma_wait3A_973 = tpu.memref_squeeze %dma_wait3A_972 : memref<1x323584xi32, #tpu.memory_space<hbm>> -> memref<323584xi32, #tpu.memory_space<hbm>>
      %dma_wait3A_974 = tpu.memref_slice %dma_wait3A_973[%add3A_959] : memref<323584xi32, #tpu.memory_space<hbm>> -> memref<128xi32, #tpu.memory_space<hbm>>
      tpu.wait_dma2 semaphore(%arg12 : memref<!tpu.dma_semaphore, #tpu.memory_space<semaphore_mem>>) src(%dma_wait3A_974 : memref<128xi32, #tpu.memory_space<hbm>>) dst(%dma_wait3A_970 : memref<128xi32, #tpu.memory_space<vmem>>)
      %dma_wait3A_975 = arith.constant 1 : i32
      %dma_wait3A_976 = arith.constant 128 : i32
      %dma_wait3A_977 = arith.constant 0 : i32
      %dma_wait3A_978 = tpu.memref_slice %arg7[%dma_wait3A_976, %dma_wait3A_977] : memref<256x128xf32, #tpu.memory_space<vmem>> -> memref<128x128xf32, #tpu.memory_space<vmem>>
      %dma_wait3A_979 = arith.constant 0 : i32
      %dma_wait3A_980 = tpu.memref_slice %arg6[%dma_wait3A_975, %dma_wait3A_979] : memref<4x128xi32, #tpu.memory_space<vmem>> -> memref<1x128xi32, #tpu.memory_space<vmem>>
      %dma_wait3A_981 = tpu.memref_squeeze %dma_wait3A_980 : memref<1x128xi32, #tpu.memory_space<vmem>> -> memref<128xi32, #tpu.memory_space<vmem>>
      %dma_wait3A_982 = arith.constant 0 : i32
      %dma_wait3A_983 = arith.constant 0 : i32
      %dma_wait3A_984 = tpu.memref_slice %arg8[%dma_wait3A_982, %dma_wait3A_983] : memref<10240x128xf32, #tpu.memory_space<vmem_shared>> -> memref<10240x128xf32, #tpu.memory_space<vmem_shared>>
      tpu.wait_indirect_dma semaphore(%arg20 : memref<!tpu.dma_semaphore, #tpu.memory_space<semaphore_mem>>) src(%dma_wait3A_978 : memref<128x128xf32, #tpu.memory_space<vmem>>) dst(%dma_wait3A_984 : memref<10240x128xf32, #tpu.memory_space<vmem_shared>>)
      %dma_start3A_985 = arith.constant 3 : i32
      %dma_start3A_986 = arith.constant 128 : i32
      %dma_start3A_987 = arith.constant 0 : i32
      %dma_start3A_988 = tpu.memref_slice %arg7[%dma_start3A_986, %dma_start3A_987] : memref<256x128xf32, #tpu.memory_space<vmem>> -> memref<128x128xf32, #tpu.memory_space<vmem>>
      %dma_start3A_989 = arith.constant 0 : i32
      %dma_start3A_990 = tpu.memref_slice %arg5[%dma_start3A_985, %dma_start3A_989] : memref<4x128xi32, #tpu.memory_space<vmem>> -> memref<1x128xi32, #tpu.memory_space<vmem>>
      %dma_start3A_991 = tpu.memref_squeeze %dma_start3A_990 : memref<1x128xi32, #tpu.memory_space<vmem>> -> memref<128xi32, #tpu.memory_space<vmem>>
      %dma_start3A_992 = arith.constant 0 : i32
      %dma_start3A_993 = arith.constant 0 : i32
      %dma_start3A_994 = tpu.memref_slice %arg2[%dma_start3A_992, %dma_start3A_993] : memref<10000x128xf32, #tpu.memory_space<hbm>> -> memref<10000x128xf32, #tpu.memory_space<hbm>>
      tpu.enqueue_indirect_dma source(%dma_start3A_994 : memref<10000x128xf32, #tpu.memory_space<hbm>>) target(%dma_start3A_988 : memref<128x128xf32, #tpu.memory_space<vmem>>) offsets(%dma_start3A_991 : memref<128xi32, #tpu.memory_space<vmem>>) semaphore(%arg18 : memref<!tpu.dma_semaphore, #tpu.memory_space<semaphore_mem>>)
      %dma_wait3A_995 = arith.constant 2 : i32
      %dma_wait3A_996 = arith.constant 0 : i32
      %dma_wait3A_997 = arith.constant 0 : i32
      %dma_wait3A_998 = tpu.memref_slice %arg7[%dma_wait3A_996, %dma_wait3A_997] : memref<256x128xf32, #tpu.memory_space<vmem>> -> memref<128x128xf32, #tpu.memory_space<vmem>>
      %dma_wait3A_999 = arith.constant 0 : i32
      %dma_wait3A_1000 = tpu.memref_slice %arg5[%dma_wait3A_995, %dma_wait3A_999] : memref<4x128xi32, #tpu.memory_space<vmem>> -> memref<1x128xi32, #tpu.memory_space<vmem>>
      %dma_wait3A_1001 = tpu.memref_squeeze %dma_wait3A_1000 : memref<1x128xi32, #tpu.memory_space<vmem>> -> memref<128xi32, #tpu.memory_space<vmem>>
      %dma_wait3A_1002 = arith.constant 0 : i32
      %dma_wait3A_1003 = arith.constant 0 : i32
      %dma_wait3A_1004 = tpu.memref_slice %arg2[%dma_wait3A_1002, %dma_wait3A_1003] : memref<10000x128xf32, #tpu.memory_space<hbm>> -> memref<10000x128xf32, #tpu.memory_space<hbm>>
      tpu.wait_indirect_dma semaphore(%arg17 : memref<!tpu.dma_semaphore, #tpu.memory_space<semaphore_mem>>) src(%dma_wait3A_1004 : memref<10000x128xf32, #tpu.memory_space<hbm>>) dst(%dma_wait3A_998 : memref<128x128xf32, #tpu.memory_space<vmem>>)
      %mul3A_1005 = arith.constant 128 : i32
      %mul3A_1006 = arith.muli %add3A_954, %mul3A_1005 : i32
      %add3A_1007 = arith.addi %mul3A_4, %mul3A_1006 : i32
      %dma_wait3A_1008 = arith.constant 2 : i32
      %dma_wait3A_1009 = arith.constant 0 : i32
      %dma_wait3A_1010 = tpu.memref_slice %arg6[%dma_wait3A_1008, %dma_wait3A_1009] : memref<4x128xi32, #tpu.memory_space<vmem>> -> memref<1x128xi32, #tpu.memory_space<vmem>>
      %dma_wait3A_1011 = tpu.memref_squeeze %dma_wait3A_1010 : memref<1x128xi32, #tpu.memory_space<vmem>> -> memref<128xi32, #tpu.memory_space<vmem>>
      %dma_wait3A_1012 = arith.constant 0 : i32
      %dma_wait3A_1013 = tpu.memref_slice %arg3[%scan3A_268, %dma_wait3A_1012] : memref<2x323584xi32, #tpu.memory_space<hbm>> -> memref<1x323584xi32, #tpu.memory_space<hbm>>
      %dma_wait3A_1014 = tpu.memref_squeeze %dma_wait3A_1013 : memref<1x323584xi32, #tpu.memory_space<hbm>> -> memref<323584xi32, #tpu.memory_space<hbm>>
      %dma_wait3A_1015 = tpu.memref_slice %dma_wait3A_1014[%add3A_1007] : memref<323584xi32, #tpu.memory_space<hbm>> -> memref<128xi32, #tpu.memory_space<hbm>>
      %dma_wait3A_1016 = arith.constant 0 : i32
      %dma_wait3A_1017 = tpu.memref_slice %arg6[%dma_wait3A_1008, %dma_wait3A_1016] : memref<4x128xi32, #tpu.memory_space<vmem>> -> memref<1x128xi32, #tpu.memory_space<vmem>>
      %dma_wait3A_1018 = tpu.memref_squeeze %dma_wait3A_1017 : memref<1x128xi32, #tpu.memory_space<vmem>> -> memref<128xi32, #tpu.memory_space<vmem>>
      %dma_wait3A_1019 = arith.constant 0 : i32
      %dma_wait3A_1020 = tpu.memref_slice %arg3[%scan3A_268, %dma_wait3A_1019] : memref<2x323584xi32, #tpu.memory_space<hbm>> -> memref<1x323584xi32, #tpu.memory_space<hbm>>
      %dma_wait3A_1021 = tpu.memref_squeeze %dma_wait3A_1020 : memref<1x323584xi32, #tpu.memory_space<hbm>> -> memref<323584xi32, #tpu.memory_space<hbm>>
      %dma_wait3A_1022 = tpu.memref_slice %dma_wait3A_1021[%add3A_1007] : memref<323584xi32, #tpu.memory_space<hbm>> -> memref<128xi32, #tpu.memory_space<hbm>>
      tpu.wait_dma2 semaphore(%arg15 : memref<!tpu.dma_semaphore, #tpu.memory_space<semaphore_mem>>) src(%dma_wait3A_1022 : memref<128xi32, #tpu.memory_space<hbm>>) dst(%dma_wait3A_1018 : memref<128xi32, #tpu.memory_space<vmem>>)
      %dma_start3A_1023 = arith.constant 2 : i32
      %dma_start3A_1024 = arith.constant 0 : i32
      %dma_start3A_1025 = arith.constant 0 : i32
      %dma_start3A_1026 = tpu.memref_slice %arg7[%dma_start3A_1024, %dma_start3A_1025] : memref<256x128xf32, #tpu.memory_space<vmem>> -> memref<128x128xf32, #tpu.memory_space<vmem>>
      %dma_start3A_1027 = arith.constant 0 : i32
      %dma_start3A_1028 = tpu.memref_slice %arg6[%dma_start3A_1023, %dma_start3A_1027] : memref<4x128xi32, #tpu.memory_space<vmem>> -> memref<1x128xi32, #tpu.memory_space<vmem>>
      %dma_start3A_1029 = tpu.memref_squeeze %dma_start3A_1028 : memref<1x128xi32, #tpu.memory_space<vmem>> -> memref<128xi32, #tpu.memory_space<vmem>>
      %dma_start3A_1030 = arith.constant 0 : i32
      %dma_start3A_1031 = arith.constant 0 : i32
      %dma_start3A_1032 = tpu.memref_slice %arg8[%dma_start3A_1030, %dma_start3A_1031] : memref<10240x128xf32, #tpu.memory_space<vmem_shared>> -> memref<10240x128xf32, #tpu.memory_space<vmem_shared>>
      tpu.enqueue_indirect_dma source(%dma_start3A_1026 : memref<128x128xf32, #tpu.memory_space<vmem>>) target(%dma_start3A_1032 : memref<10240x128xf32, #tpu.memory_space<vmem_shared>>) offsets(%dma_start3A_1029 : memref<128xi32, #tpu.memory_space<vmem>>) semaphore(%arg19 : memref<!tpu.dma_semaphore, #tpu.memory_space<semaphore_mem>>) {add = true}
      %add3A_1033 = arith.constant 4 : i32
      %add3A_1034 = arith.addi %add3A_954, %add3A_1033 : i32
      %sub3A_1035 = arith.constant 1 : i32
      %sub3A_1036 = arith.subi %add3A_1034, %sub3A_1035 : i32
      %mul3A_1037 = arith.constant 128 : i32
      %mul3A_1038 = arith.muli %sub3A_1036, %mul3A_1037 : i32
      %add3A_1039 = arith.addi %mul3A_4, %mul3A_1038 : i32
      %dma_start3A_1040 = arith.constant 1 : i32
      %dma_start3A_1041 = arith.constant 0 : i32
      %dma_start3A_1042 = tpu.memref_slice %arg5[%dma_start3A_1040, %dma_start3A_1041] : memref<4x128xi32, #tpu.memory_space<vmem>> -> memref<1x128xi32, #tpu.memory_space<vmem>>
      %dma_start3A_1043 = tpu.memref_squeeze %dma_start3A_1042 : memref<1x128xi32, #tpu.memory_space<vmem>> -> memref<128xi32, #tpu.memory_space<vmem>>
      %dma_start3A_1044 = arith.constant 0 : i32
      %dma_start3A_1045 = tpu.memref_slice %arg3[%scan3A_267, %dma_start3A_1044] : memref<2x323584xi32, #tpu.memory_space<hbm>> -> memref<1x323584xi32, #tpu.memory_space<hbm>>
      %dma_start3A_1046 = tpu.memref_squeeze %dma_start3A_1045 : memref<1x323584xi32, #tpu.memory_space<hbm>> -> memref<323584xi32, #tpu.memory_space<hbm>>
      %dma_start3A_1047 = tpu.memref_slice %dma_start3A_1046[%add3A_1039] : memref<323584xi32, #tpu.memory_space<hbm>> -> memref<128xi32, #tpu.memory_space<hbm>>
      %dma_start3A_1048 = arith.constant 0 : i32
      %dma_start3A_1049 = tpu.memref_slice %arg5[%dma_start3A_1040, %dma_start3A_1048] : memref<4x128xi32, #tpu.memory_space<vmem>> -> memref<1x128xi32, #tpu.memory_space<vmem>>
      %dma_start3A_1050 = tpu.memref_squeeze %dma_start3A_1049 : memref<1x128xi32, #tpu.memory_space<vmem>> -> memref<128xi32, #tpu.memory_space<vmem>>
      %dma_start3A_1051 = arith.constant 0 : i32
      %dma_start3A_1052 = tpu.memref_slice %arg3[%scan3A_267, %dma_start3A_1051] : memref<2x323584xi32, #tpu.memory_space<hbm>> -> memref<1x323584xi32, #tpu.memory_space<hbm>>
      %dma_start3A_1053 = tpu.memref_squeeze %dma_start3A_1052 : memref<1x323584xi32, #tpu.memory_space<hbm>> -> memref<323584xi32, #tpu.memory_space<hbm>>
      %dma_start3A_1054 = tpu.memref_slice %dma_start3A_1053[%add3A_1039] : memref<323584xi32, #tpu.memory_space<hbm>> -> memref<128xi32, #tpu.memory_space<hbm>>
      tpu.enqueue_dma source(%dma_start3A_1054 : memref<128xi32, #tpu.memory_space<hbm>>) target(%dma_start3A_1050 : memref<128xi32, #tpu.memory_space<vmem>>) target_semaphore(%arg10 : memref<!tpu.dma_semaphore, #tpu.memory_space<semaphore_mem>>)
      %mul3A_1055 = arith.constant 128 : i32
      %mul3A_1056 = arith.muli %sub3A_1036, %mul3A_1055 : i32
      %add3A_1057 = arith.addi %mul3A_4, %mul3A_1056 : i32
      %dma_start3A_1058 = arith.constant 1 : i32
      %dma_start3A_1059 = arith.constant 0 : i32
      %dma_start3A_1060 = tpu.memref_slice %arg6[%dma_start3A_1058, %dma_start3A_1059] : memref<4x128xi32, #tpu.memory_space<vmem>> -> memref<1x128xi32, #tpu.memory_space<vmem>>
      %dma_start3A_1061 = tpu.memref_squeeze %dma_start3A_1060 : memref<1x128xi32, #tpu.memory_space<vmem>> -> memref<128xi32, #tpu.memory_space<vmem>>
      %dma_start3A_1062 = arith.constant 0 : i32
      %dma_start3A_1063 = tpu.memref_slice %arg3[%scan3A_268, %dma_start3A_1062] : memref<2x323584xi32, #tpu.memory_space<hbm>> -> memref<1x323584xi32, #tpu.memory_space<hbm>>
      %dma_start3A_1064 = tpu.memref_squeeze %dma_start3A_1063 : memref<1x323584xi32, #tpu.memory_space<hbm>> -> memref<323584xi32, #tpu.memory_space<hbm>>
      %dma_start3A_1065 = tpu.memref_slice %dma_start3A_1064[%add3A_1057] : memref<323584xi32, #tpu.memory_space<hbm>> -> memref<128xi32, #tpu.memory_space<hbm>>
      %dma_start3A_1066 = arith.constant 0 : i32
      %dma_start3A_1067 = tpu.memref_slice %arg6[%dma_start3A_1058, %dma_start3A_1066] : memref<4x128xi32, #tpu.memory_space<vmem>> -> memref<1x128xi32, #tpu.memory_space<vmem>>
      %dma_start3A_1068 = tpu.memref_squeeze %dma_start3A_1067 : memref<1x128xi32, #tpu.memory_space<vmem>> -> memref<128xi32, #tpu.memory_space<vmem>>
      %dma_start3A_1069 = arith.constant 0 : i32
      %dma_start3A_1070 = tpu.memref_slice %arg3[%scan3A_268, %dma_start3A_1069] : memref<2x323584xi32, #tpu.memory_space<hbm>> -> memref<1x323584xi32, #tpu.memory_space<hbm>>
      %dma_start3A_1071 = tpu.memref_squeeze %dma_start3A_1070 : memref<1x323584xi32, #tpu.memory_space<hbm>> -> memref<323584xi32, #tpu.memory_space<hbm>>
      %dma_start3A_1072 = tpu.memref_slice %dma_start3A_1071[%add3A_1057] : memref<323584xi32, #tpu.memory_space<hbm>> -> memref<128xi32, #tpu.memory_space<hbm>>
      tpu.enqueue_dma source(%dma_start3A_1072 : memref<128xi32, #tpu.memory_space<hbm>>) target(%dma_start3A_1068 : memref<128xi32, #tpu.memory_space<vmem>>) target_semaphore(%arg14 : memref<!tpu.dma_semaphore, #tpu.memory_space<semaphore_mem>>)
      %mul3A_1073 = arith.constant 4 : i32
      %mul3A_1074 = arith.muli %mul3A_1073, %scan3A_825 : i32
      %add3A_1075 = arith.constant 1 : i32
      %add3A_1076 = arith.addi %add3A_1075, %mul3A_1074 : i32
      %add3A_1077 = arith.constant 2 : i32
      %add3A_1078 = arith.addi %add3A_1076, %add3A_1077 : i32
      %add3A_1079 = arith.constant 1 : i32
      %add3A_1080 = arith.addi %add3A_1078, %add3A_1079 : i32
      %mul3A_1081 = arith.constant 128 : i32
      %mul3A_1082 = arith.muli %add3A_1080, %mul3A_1081 : i32
      %add3A_1083 = arith.addi %mul3A_4, %mul3A_1082 : i32
      %dma_wait3A_1084 = arith.constant 0 : i32
      %dma_wait3A_1085 = arith.constant 0 : i32
      %dma_wait3A_1086 = tpu.memref_slice %arg5[%dma_wait3A_1084, %dma_wait3A_1085] : memref<4x128xi32, #tpu.memory_space<vmem>> -> memref<1x128xi32, #tpu.memory_space<vmem>>
      %dma_wait3A_1087 = tpu.memref_squeeze %dma_wait3A_1086 : memref<1x128xi32, #tpu.memory_space<vmem>> -> memref<128xi32, #tpu.memory_space<vmem>>
      %dma_wait3A_1088 = arith.constant 0 : i32
      %dma_wait3A_1089 = tpu.memref_slice %arg3[%scan3A_267, %dma_wait3A_1088] : memref<2x323584xi32, #tpu.memory_space<hbm>> -> memref<1x323584xi32, #tpu.memory_space<hbm>>
      %dma_wait3A_1090 = tpu.memref_squeeze %dma_wait3A_1089 : memref<1x323584xi32, #tpu.memory_space<hbm>> -> memref<323584xi32, #tpu.memory_space<hbm>>
      %dma_wait3A_1091 = tpu.memref_slice %dma_wait3A_1090[%add3A_1083] : memref<323584xi32, #tpu.memory_space<hbm>> -> memref<128xi32, #tpu.memory_space<hbm>>
      %dma_wait3A_1092 = arith.constant 0 : i32
      %dma_wait3A_1093 = tpu.memref_slice %arg5[%dma_wait3A_1084, %dma_wait3A_1092] : memref<4x128xi32, #tpu.memory_space<vmem>> -> memref<1x128xi32, #tpu.memory_space<vmem>>
      %dma_wait3A_1094 = tpu.memref_squeeze %dma_wait3A_1093 : memref<1x128xi32, #tpu.memory_space<vmem>> -> memref<128xi32, #tpu.memory_space<vmem>>
      %dma_wait3A_1095 = arith.constant 0 : i32
      %dma_wait3A_1096 = tpu.memref_slice %arg3[%scan3A_267, %dma_wait3A_1095] : memref<2x323584xi32, #tpu.memory_space<hbm>> -> memref<1x323584xi32, #tpu.memory_space<hbm>>
      %dma_wait3A_1097 = tpu.memref_squeeze %dma_wait3A_1096 : memref<1x323584xi32, #tpu.memory_space<hbm>> -> memref<323584xi32, #tpu.memory_space<hbm>>
      %dma_wait3A_1098 = tpu.memref_slice %dma_wait3A_1097[%add3A_1083] : memref<323584xi32, #tpu.memory_space<hbm>> -> memref<128xi32, #tpu.memory_space<hbm>>
      tpu.wait_dma2 semaphore(%arg9 : memref<!tpu.dma_semaphore, #tpu.memory_space<semaphore_mem>>) src(%dma_wait3A_1098 : memref<128xi32, #tpu.memory_space<hbm>>) dst(%dma_wait3A_1094 : memref<128xi32, #tpu.memory_space<vmem>>)
      %dma_wait3A_1099 = arith.constant 2 : i32
      %dma_wait3A_1100 = arith.constant 0 : i32
      %dma_wait3A_1101 = arith.constant 0 : i32
      %dma_wait3A_1102 = tpu.memref_slice %arg7[%dma_wait3A_1100, %dma_wait3A_1101] : memref<256x128xf32, #tpu.memory_space<vmem>> -> memref<128x128xf32, #tpu.memory_space<vmem>>
      %dma_wait3A_1103 = arith.constant 0 : i32
      %dma_wait3A_1104 = tpu.memref_slice %arg6[%dma_wait3A_1099, %dma_wait3A_1103] : memref<4x128xi32, #tpu.memory_space<vmem>> -> memref<1x128xi32, #tpu.memory_space<vmem>>
      %dma_wait3A_1105 = tpu.memref_squeeze %dma_wait3A_1104 : memref<1x128xi32, #tpu.memory_space<vmem>> -> memref<128xi32, #tpu.memory_space<vmem>>
      %dma_wait3A_1106 = arith.constant 0 : i32
      %dma_wait3A_1107 = arith.constant 0 : i32
      %dma_wait3A_1108 = tpu.memref_slice %arg8[%dma_wait3A_1106, %dma_wait3A_1107] : memref<10240x128xf32, #tpu.memory_space<vmem_shared>> -> memref<10240x128xf32, #tpu.memory_space<vmem_shared>>
      tpu.wait_indirect_dma semaphore(%arg19 : memref<!tpu.dma_semaphore, #tpu.memory_space<semaphore_mem>>) src(%dma_wait3A_1102 : memref<128x128xf32, #tpu.memory_space<vmem>>) dst(%dma_wait3A_1108 : memref<10240x128xf32, #tpu.memory_space<vmem_shared>>)
      %dma_start3A_1109 = arith.constant 0 : i32
      %dma_start3A_1110 = arith.constant 0 : i32
      %dma_start3A_1111 = arith.constant 0 : i32
      %dma_start3A_1112 = tpu.memref_slice %arg7[%dma_start3A_1110, %dma_start3A_1111] : memref<256x128xf32, #tpu.memory_space<vmem>> -> memref<128x128xf32, #tpu.memory_space<vmem>>
      %dma_start3A_1113 = arith.constant 0 : i32
      %dma_start3A_1114 = tpu.memref_slice %arg5[%dma_start3A_1109, %dma_start3A_1113] : memref<4x128xi32, #tpu.memory_space<vmem>> -> memref<1x128xi32, #tpu.memory_space<vmem>>
      %dma_start3A_1115 = tpu.memref_squeeze %dma_start3A_1114 : memref<1x128xi32, #tpu.memory_space<vmem>> -> memref<128xi32, #tpu.memory_space<vmem>>
      %dma_start3A_1116 = arith.constant 0 : i32
      %dma_start3A_1117 = arith.constant 0 : i32
      %dma_start3A_1118 = tpu.memref_slice %arg2[%dma_start3A_1116, %dma_start3A_1117] : memref<10000x128xf32, #tpu.memory_space<hbm>> -> memref<10000x128xf32, #tpu.memory_space<hbm>>
      tpu.enqueue_indirect_dma source(%dma_start3A_1118 : memref<10000x128xf32, #tpu.memory_space<hbm>>) target(%dma_start3A_1112 : memref<128x128xf32, #tpu.memory_space<vmem>>) offsets(%dma_start3A_1115 : memref<128xi32, #tpu.memory_space<vmem>>) semaphore(%arg17 : memref<!tpu.dma_semaphore, #tpu.memory_space<semaphore_mem>>)
      %dma_wait3A_1119 = arith.constant 3 : i32
      %dma_wait3A_1120 = arith.constant 128 : i32
      %dma_wait3A_1121 = arith.constant 0 : i32
      %dma_wait3A_1122 = tpu.memref_slice %arg7[%dma_wait3A_1120, %dma_wait3A_1121] : memref<256x128xf32, #tpu.memory_space<vmem>> -> memref<128x128xf32, #tpu.memory_space<vmem>>
      %dma_wait3A_1123 = arith.constant 0 : i32
      %dma_wait3A_1124 = tpu.memref_slice %arg5[%dma_wait3A_1119, %dma_wait3A_1123] : memref<4x128xi32, #tpu.memory_space<vmem>> -> memref<1x128xi32, #tpu.memory_space<vmem>>
      %dma_wait3A_1125 = tpu.memref_squeeze %dma_wait3A_1124 : memref<1x128xi32, #tpu.memory_space<vmem>> -> memref<128xi32, #tpu.memory_space<vmem>>
      %dma_wait3A_1126 = arith.constant 0 : i32
      %dma_wait3A_1127 = arith.constant 0 : i32
      %dma_wait3A_1128 = tpu.memref_slice %arg2[%dma_wait3A_1126, %dma_wait3A_1127] : memref<10000x128xf32, #tpu.memory_space<hbm>> -> memref<10000x128xf32, #tpu.memory_space<hbm>>
      tpu.wait_indirect_dma semaphore(%arg18 : memref<!tpu.dma_semaphore, #tpu.memory_space<semaphore_mem>>) src(%dma_wait3A_1128 : memref<10000x128xf32, #tpu.memory_space<hbm>>) dst(%dma_wait3A_1122 : memref<128x128xf32, #tpu.memory_space<vmem>>)
      %mul3A_1129 = arith.constant 128 : i32
      %mul3A_1130 = arith.muli %add3A_1078, %mul3A_1129 : i32
      %add3A_1131 = arith.addi %mul3A_4, %mul3A_1130 : i32
      %dma_wait3A_1132 = arith.constant 3 : i32
      %dma_wait3A_1133 = arith.constant 0 : i32
      %dma_wait3A_1134 = tpu.memref_slice %arg6[%dma_wait3A_1132, %dma_wait3A_1133] : memref<4x128xi32, #tpu.memory_space<vmem>> -> memref<1x128xi32, #tpu.memory_space<vmem>>
      %dma_wait3A_1135 = tpu.memref_squeeze %dma_wait3A_1134 : memref<1x128xi32, #tpu.memory_space<vmem>> -> memref<128xi32, #tpu.memory_space<vmem>>
      %dma_wait3A_1136 = arith.constant 0 : i32
      %dma_wait3A_1137 = tpu.memref_slice %arg3[%scan3A_268, %dma_wait3A_1136] : memref<2x323584xi32, #tpu.memory_space<hbm>> -> memref<1x323584xi32, #tpu.memory_space<hbm>>
      %dma_wait3A_1138 = tpu.memref_squeeze %dma_wait3A_1137 : memref<1x323584xi32, #tpu.memory_space<hbm>> -> memref<323584xi32, #tpu.memory_space<hbm>>
      %dma_wait3A_1139 = tpu.memref_slice %dma_wait3A_1138[%add3A_1131] : memref<323584xi32, #tpu.memory_space<hbm>> -> memref<128xi32, #tpu.memory_space<hbm>>
      %dma_wait3A_1140 = arith.constant 0 : i32
      %dma_wait3A_1141 = tpu.memref_slice %arg6[%dma_wait3A_1132, %dma_wait3A_1140] : memref<4x128xi32, #tpu.memory_space<vmem>> -> memref<1x128xi32, #tpu.memory_space<vmem>>
      %dma_wait3A_1142 = tpu.memref_squeeze %dma_wait3A_1141 : memref<1x128xi32, #tpu.memory_space<vmem>> -> memref<128xi32, #tpu.memory_space<vmem>>
      %dma_wait3A_1143 = arith.constant 0 : i32
      %dma_wait3A_1144 = tpu.memref_slice %arg3[%scan3A_268, %dma_wait3A_1143] : memref<2x323584xi32, #tpu.memory_space<hbm>> -> memref<1x323584xi32, #tpu.memory_space<hbm>>
      %dma_wait3A_1145 = tpu.memref_squeeze %dma_wait3A_1144 : memref<1x323584xi32, #tpu.memory_space<hbm>> -> memref<323584xi32, #tpu.memory_space<hbm>>
      %dma_wait3A_1146 = tpu.memref_slice %dma_wait3A_1145[%add3A_1131] : memref<323584xi32, #tpu.memory_space<hbm>> -> memref<128xi32, #tpu.memory_space<hbm>>
      tpu.wait_dma2 semaphore(%arg16 : memref<!tpu.dma_semaphore, #tpu.memory_space<semaphore_mem>>) src(%dma_wait3A_1146 : memref<128xi32, #tpu.memory_space<hbm>>) dst(%dma_wait3A_1142 : memref<128xi32, #tpu.memory_space<vmem>>)
      %dma_start3A_1147 = arith.constant 3 : i32
      %dma_start3A_1148 = arith.constant 128 : i32
      %dma_start3A_1149 = arith.constant 0 : i32
      %dma_start3A_1150 = tpu.memref_slice %arg7[%dma_start3A_1148, %dma_start3A_1149] : memref<256x128xf32, #tpu.memory_space<vmem>> -> memref<128x128xf32, #tpu.memory_space<vmem>>
      %dma_start3A_1151 = arith.constant 0 : i32
      %dma_start3A_1152 = tpu.memref_slice %arg6[%dma_start3A_1147, %dma_start3A_1151] : memref<4x128xi32, #tpu.memory_space<vmem>> -> memref<1x128xi32, #tpu.memory_space<vmem>>
      %dma_start3A_1153 = tpu.memref_squeeze %dma_start3A_1152 : memref<1x128xi32, #tpu.memory_space<vmem>> -> memref<128xi32, #tpu.memory_space<vmem>>
      %dma_start3A_1154 = arith.constant 0 : i32
      %dma_start3A_1155 = arith.constant 0 : i32
      %dma_start3A_1156 = tpu.memref_slice %arg8[%dma_start3A_1154, %dma_start3A_1155] : memref<10240x128xf32, #tpu.memory_space<vmem_shared>> -> memref<10240x128xf32, #tpu.memory_space<vmem_shared>>
      tpu.enqueue_indirect_dma source(%dma_start3A_1150 : memref<128x128xf32, #tpu.memory_space<vmem>>) target(%dma_start3A_1156 : memref<10240x128xf32, #tpu.memory_space<vmem_shared>>) offsets(%dma_start3A_1153 : memref<128xi32, #tpu.memory_space<vmem>>) semaphore(%arg20 : memref<!tpu.dma_semaphore, #tpu.memory_space<semaphore_mem>>) {add = true}
      %add3A_1157 = arith.constant 4 : i32
      %add3A_1158 = arith.addi %add3A_1078, %add3A_1157 : i32
      %sub3A_1159 = arith.constant 1 : i32
      %sub3A_1160 = arith.subi %add3A_1158, %sub3A_1159 : i32
      %mul3A_1161 = arith.constant 128 : i32
      %mul3A_1162 = arith.muli %sub3A_1160, %mul3A_1161 : i32
      %add3A_1163 = arith.addi %mul3A_4, %mul3A_1162 : i32
      %dma_start3A_1164 = arith.constant 2 : i32
      %dma_start3A_1165 = arith.constant 0 : i32
      %dma_start3A_1166 = tpu.memref_slice %arg5[%dma_start3A_1164, %dma_start3A_1165] : memref<4x128xi32, #tpu.memory_space<vmem>> -> memref<1x128xi32, #tpu.memory_space<vmem>>
      %dma_start3A_1167 = tpu.memref_squeeze %dma_start3A_1166 : memref<1x128xi32, #tpu.memory_space<vmem>> -> memref<128xi32, #tpu.memory_space<vmem>>
      %dma_start3A_1168 = arith.constant 0 : i32
      %dma_start3A_1169 = tpu.memref_slice %arg3[%scan3A_267, %dma_start3A_1168] : memref<2x323584xi32, #tpu.memory_space<hbm>> -> memref<1x323584xi32, #tpu.memory_space<hbm>>
      %dma_start3A_1170 = tpu.memref_squeeze %dma_start3A_1169 : memref<1x323584xi32, #tpu.memory_space<hbm>> -> memref<323584xi32, #tpu.memory_space<hbm>>
      %dma_start3A_1171 = tpu.memref_slice %dma_start3A_1170[%add3A_1163] : memref<323584xi32, #tpu.memory_space<hbm>> -> memref<128xi32, #tpu.memory_space<hbm>>
      %dma_start3A_1172 = arith.constant 0 : i32
      %dma_start3A_1173 = tpu.memref_slice %arg5[%dma_start3A_1164, %dma_start3A_1172] : memref<4x128xi32, #tpu.memory_space<vmem>> -> memref<1x128xi32, #tpu.memory_space<vmem>>
      %dma_start3A_1174 = tpu.memref_squeeze %dma_start3A_1173 : memref<1x128xi32, #tpu.memory_space<vmem>> -> memref<128xi32, #tpu.memory_space<vmem>>
      %dma_start3A_1175 = arith.constant 0 : i32
      %dma_start3A_1176 = tpu.memref_slice %arg3[%scan3A_267, %dma_start3A_1175] : memref<2x323584xi32, #tpu.memory_space<hbm>> -> memref<1x323584xi32, #tpu.memory_space<hbm>>
      %dma_start3A_1177 = tpu.memref_squeeze %dma_start3A_1176 : memref<1x323584xi32, #tpu.memory_space<hbm>> -> memref<323584xi32, #tpu.memory_space<hbm>>
      %dma_start3A_1178 = tpu.memref_slice %dma_start3A_1177[%add3A_1163] : memref<323584xi32, #tpu.memory_space<hbm>> -> memref<128xi32, #tpu.memory_space<hbm>>
      tpu.enqueue_dma source(%dma_start3A_1178 : memref<128xi32, #tpu.memory_space<hbm>>) target(%dma_start3A_1174 : memref<128xi32, #tpu.memory_space<vmem>>) target_semaphore(%arg11 : memref<!tpu.dma_semaphore, #tpu.memory_space<semaphore_mem>>)
      %mul3A_1179 = arith.constant 128 : i32
      %mul3A_1180 = arith.muli %sub3A_1160, %mul3A_1179 : i32
      %add3A_1181 = arith.addi %mul3A_4, %mul3A_1180 : i32
      %dma_start3A_1182 = arith.constant 2 : i32
      %dma_start3A_1183 = arith.constant 0 : i32
      %dma_start3A_1184 = tpu.memref_slice %arg6[%dma_start3A_1182, %dma_start3A_1183] : memref<4x128xi32, #tpu.memory_space<vmem>> -> memref<1x128xi32, #tpu.memory_space<vmem>>
      %dma_start3A_1185 = tpu.memref_squeeze %dma_start3A_1184 : memref<1x128xi32, #tpu.memory_space<vmem>> -> memref<128xi32, #tpu.memory_space<vmem>>
      %dma_start3A_1186 = arith.constant 0 : i32
      %dma_start3A_1187 = tpu.memref_slice %arg3[%scan3A_268, %dma_start3A_1186] : memref<2x323584xi32, #tpu.memory_space<hbm>> -> memref<1x323584xi32, #tpu.memory_space<hbm>>
      %dma_start3A_1188 = tpu.memref_squeeze %dma_start3A_1187 : memref<1x323584xi32, #tpu.memory_space<hbm>> -> memref<323584xi32, #tpu.memory_space<hbm>>
      %dma_start3A_1189 = tpu.memref_slice %dma_start3A_1188[%add3A_1181] : memref<323584xi32, #tpu.memory_space<hbm>> -> memref<128xi32, #tpu.memory_space<hbm>>
      %dma_start3A_1190 = arith.constant 0 : i32
      %dma_start3A_1191 = tpu.memref_slice %arg6[%dma_start3A_1182, %dma_start3A_1190] : memref<4x128xi32, #tpu.memory_space<vmem>> -> memref<1x128xi32, #tpu.memory_space<vmem>>
      %dma_start3A_1192 = tpu.memref_squeeze %dma_start3A_1191 : memref<1x128xi32, #tpu.memory_space<vmem>> -> memref<128xi32, #tpu.memory_space<vmem>>
      %dma_start3A_1193 = arith.constant 0 : i32
      %dma_start3A_1194 = tpu.memref_slice %arg3[%scan3A_268, %dma_start3A_1193] : memref<2x323584xi32, #tpu.memory_space<hbm>> -> memref<1x323584xi32, #tpu.memory_space<hbm>>
      %dma_start3A_1195 = tpu.memref_squeeze %dma_start3A_1194 : memref<1x323584xi32, #tpu.memory_space<hbm>> -> memref<323584xi32, #tpu.memory_space<hbm>>
      %dma_start3A_1196 = tpu.memref_slice %dma_start3A_1195[%add3A_1181] : memref<323584xi32, #tpu.memory_space<hbm>> -> memref<128xi32, #tpu.memory_space<hbm>>
      tpu.enqueue_dma source(%dma_start3A_1196 : memref<128xi32, #tpu.memory_space<hbm>>) target(%dma_start3A_1192 : memref<128xi32, #tpu.memory_space<vmem>>) target_semaphore(%arg15 : memref<!tpu.dma_semaphore, #tpu.memory_space<semaphore_mem>>)
      %mul3A_1197 = arith.constant 4 : i32
      %mul3A_1198 = arith.muli %mul3A_1197, %scan3A_825 : i32
      %add3A_1199 = arith.constant 1 : i32
      %add3A_1200 = arith.addi %add3A_1199, %mul3A_1198 : i32
      %add3A_1201 = arith.constant 3 : i32
      %add3A_1202 = arith.addi %add3A_1200, %add3A_1201 : i32
      %add3A_1203 = arith.constant 1 : i32
      %add3A_1204 = arith.addi %add3A_1202, %add3A_1203 : i32
      %mul3A_1205 = arith.constant 128 : i32
      %mul3A_1206 = arith.muli %add3A_1204, %mul3A_1205 : i32
      %add3A_1207 = arith.addi %mul3A_4, %mul3A_1206 : i32
      %dma_wait3A_1208 = arith.constant 1 : i32
      %dma_wait3A_1209 = arith.constant 0 : i32
      %dma_wait3A_1210 = tpu.memref_slice %arg5[%dma_wait3A_1208, %dma_wait3A_1209] : memref<4x128xi32, #tpu.memory_space<vmem>> -> memref<1x128xi32, #tpu.memory_space<vmem>>
      %dma_wait3A_1211 = tpu.memref_squeeze %dma_wait3A_1210 : memref<1x128xi32, #tpu.memory_space<vmem>> -> memref<128xi32, #tpu.memory_space<vmem>>
      %dma_wait3A_1212 = arith.constant 0 : i32
      %dma_wait3A_1213 = tpu.memref_slice %arg3[%scan3A_267, %dma_wait3A_1212] : memref<2x323584xi32, #tpu.memory_space<hbm>> -> memref<1x323584xi32, #tpu.memory_space<hbm>>
      %dma_wait3A_1214 = tpu.memref_squeeze %dma_wait3A_1213 : memref<1x323584xi32, #tpu.memory_space<hbm>> -> memref<323584xi32, #tpu.memory_space<hbm>>
      %dma_wait3A_1215 = tpu.memref_slice %dma_wait3A_1214[%add3A_1207] : memref<323584xi32, #tpu.memory_space<hbm>> -> memref<128xi32, #tpu.memory_space<hbm>>
      %dma_wait3A_1216 = arith.constant 0 : i32
      %dma_wait3A_1217 = tpu.memref_slice %arg5[%dma_wait3A_1208, %dma_wait3A_1216] : memref<4x128xi32, #tpu.memory_space<vmem>> -> memref<1x128xi32, #tpu.memory_space<vmem>>
      %dma_wait3A_1218 = tpu.memref_squeeze %dma_wait3A_1217 : memref<1x128xi32, #tpu.memory_space<vmem>> -> memref<128xi32, #tpu.memory_space<vmem>>
      %dma_wait3A_1219 = arith.constant 0 : i32
      %dma_wait3A_1220 = tpu.memref_slice %arg3[%scan3A_267, %dma_wait3A_1219] : memref<2x323584xi32, #tpu.memory_space<hbm>> -> memref<1x323584xi32, #tpu.memory_space<hbm>>
      %dma_wait3A_1221 = tpu.memref_squeeze %dma_wait3A_1220 : memref<1x323584xi32, #tpu.memory_space<hbm>> -> memref<323584xi32, #tpu.memory_space<hbm>>
      %dma_wait3A_1222 = tpu.memref_slice %dma_wait3A_1221[%add3A_1207] : memref<323584xi32, #tpu.memory_space<hbm>> -> memref<128xi32, #tpu.memory_space<hbm>>
      tpu.wait_dma2 semaphore(%arg10 : memref<!tpu.dma_semaphore, #tpu.memory_space<semaphore_mem>>) src(%dma_wait3A_1222 : memref<128xi32, #tpu.memory_space<hbm>>) dst(%dma_wait3A_1218 : memref<128xi32, #tpu.memory_space<vmem>>)
      %dma_wait3A_1223 = arith.constant 3 : i32
      %dma_wait3A_1224 = arith.constant 128 : i32
      %dma_wait3A_1225 = arith.constant 0 : i32
      %dma_wait3A_1226 = tpu.memref_slice %arg7[%dma_wait3A_1224, %dma_wait3A_1225] : memref<256x128xf32, #tpu.memory_space<vmem>> -> memref<128x128xf32, #tpu.memory_space<vmem>>
      %dma_wait3A_1227 = arith.constant 0 : i32
      %dma_wait3A_1228 = tpu.memref_slice %arg6[%dma_wait3A_1223, %dma_wait3A_1227] : memref<4x128xi32, #tpu.memory_space<vmem>> -> memref<1x128xi32, #tpu.memory_space<vmem>>
      %dma_wait3A_1229 = tpu.memref_squeeze %dma_wait3A_1228 : memref<1x128xi32, #tpu.memory_space<vmem>> -> memref<128xi32, #tpu.memory_space<vmem>>
      %dma_wait3A_1230 = arith.constant 0 : i32
      %dma_wait3A_1231 = arith.constant 0 : i32
      %dma_wait3A_1232 = tpu.memref_slice %arg8[%dma_wait3A_1230, %dma_wait3A_1231] : memref<10240x128xf32, #tpu.memory_space<vmem_shared>> -> memref<10240x128xf32, #tpu.memory_space<vmem_shared>>
      tpu.wait_indirect_dma semaphore(%arg20 : memref<!tpu.dma_semaphore, #tpu.memory_space<semaphore_mem>>) src(%dma_wait3A_1226 : memref<128x128xf32, #tpu.memory_space<vmem>>) dst(%dma_wait3A_1232 : memref<10240x128xf32, #tpu.memory_space<vmem_shared>>)
      %dma_start3A_1233 = arith.constant 1 : i32
      %dma_start3A_1234 = arith.constant 128 : i32
      %dma_start3A_1235 = arith.constant 0 : i32
      %dma_start3A_1236 = tpu.memref_slice %arg7[%dma_start3A_1234, %dma_start3A_1235] : memref<256x128xf32, #tpu.memory_space<vmem>> -> memref<128x128xf32, #tpu.memory_space<vmem>>
      %dma_start3A_1237 = arith.constant 0 : i32
      %dma_start3A_1238 = tpu.memref_slice %arg5[%dma_start3A_1233, %dma_start3A_1237] : memref<4x128xi32, #tpu.memory_space<vmem>> -> memref<1x128xi32, #tpu.memory_space<vmem>>
      %dma_start3A_1239 = tpu.memref_squeeze %dma_start3A_1238 : memref<1x128xi32, #tpu.memory_space<vmem>> -> memref<128xi32, #tpu.memory_space<vmem>>
      %dma_start3A_1240 = arith.constant 0 : i32
      %dma_start3A_1241 = arith.constant 0 : i32
      %dma_start3A_1242 = tpu.memref_slice %arg2[%dma_start3A_1240, %dma_start3A_1241] : memref<10000x128xf32, #tpu.memory_space<hbm>> -> memref<10000x128xf32, #tpu.memory_space<hbm>>
      tpu.enqueue_indirect_dma source(%dma_start3A_1242 : memref<10000x128xf32, #tpu.memory_space<hbm>>) target(%dma_start3A_1236 : memref<128x128xf32, #tpu.memory_space<vmem>>) offsets(%dma_start3A_1239 : memref<128xi32, #tpu.memory_space<vmem>>) semaphore(%arg18 : memref<!tpu.dma_semaphore, #tpu.memory_space<semaphore_mem>>)
      %dma_wait3A_1243 = arith.constant 0 : i32
      %dma_wait3A_1244 = arith.constant 0 : i32
      %dma_wait3A_1245 = arith.constant 0 : i32
      %dma_wait3A_1246 = tpu.memref_slice %arg7[%dma_wait3A_1244, %dma_wait3A_1245] : memref<256x128xf32, #tpu.memory_space<vmem>> -> memref<128x128xf32, #tpu.memory_space<vmem>>
      %dma_wait3A_1247 = arith.constant 0 : i32
      %dma_wait3A_1248 = tpu.memref_slice %arg5[%dma_wait3A_1243, %dma_wait3A_1247] : memref<4x128xi32, #tpu.memory_space<vmem>> -> memref<1x128xi32, #tpu.memory_space<vmem>>
      %dma_wait3A_1249 = tpu.memref_squeeze %dma_wait3A_1248 : memref<1x128xi32, #tpu.memory_space<vmem>> -> memref<128xi32, #tpu.memory_space<vmem>>
      %dma_wait3A_1250 = arith.constant 0 : i32
      %dma_wait3A_1251 = arith.constant 0 : i32
      %dma_wait3A_1252 = tpu.memref_slice %arg2[%dma_wait3A_1250, %dma_wait3A_1251] : memref<10000x128xf32, #tpu.memory_space<hbm>> -> memref<10000x128xf32, #tpu.memory_space<hbm>>
      tpu.wait_indirect_dma semaphore(%arg17 : memref<!tpu.dma_semaphore, #tpu.memory_space<semaphore_mem>>) src(%dma_wait3A_1252 : memref<10000x128xf32, #tpu.memory_space<hbm>>) dst(%dma_wait3A_1246 : memref<128x128xf32, #tpu.memory_space<vmem>>)
      %mul3A_1253 = arith.constant 128 : i32
      %mul3A_1254 = arith.muli %add3A_1202, %mul3A_1253 : i32
      %add3A_1255 = arith.addi %mul3A_4, %mul3A_1254 : i32
      %dma_wait3A_1256 = arith.constant 0 : i32
      %dma_wait3A_1257 = arith.constant 0 : i32
      %dma_wait3A_1258 = tpu.memref_slice %arg6[%dma_wait3A_1256, %dma_wait3A_1257] : memref<4x128xi32, #tpu.memory_space<vmem>> -> memref<1x128xi32, #tpu.memory_space<vmem>>
      %dma_wait3A_1259 = tpu.memref_squeeze %dma_wait3A_1258 : memref<1x128xi32, #tpu.memory_space<vmem>> -> memref<128xi32, #tpu.memory_space<vmem>>
      %dma_wait3A_1260 = arith.constant 0 : i32
      %dma_wait3A_1261 = tpu.memref_slice %arg3[%scan3A_268, %dma_wait3A_1260] : memref<2x323584xi32, #tpu.memory_space<hbm>> -> memref<1x323584xi32, #tpu.memory_space<hbm>>
      %dma_wait3A_1262 = tpu.memref_squeeze %dma_wait3A_1261 : memref<1x323584xi32, #tpu.memory_space<hbm>> -> memref<323584xi32, #tpu.memory_space<hbm>>
      %dma_wait3A_1263 = tpu.memref_slice %dma_wait3A_1262[%add3A_1255] : memref<323584xi32, #tpu.memory_space<hbm>> -> memref<128xi32, #tpu.memory_space<hbm>>
      %dma_wait3A_1264 = arith.constant 0 : i32
      %dma_wait3A_1265 = tpu.memref_slice %arg6[%dma_wait3A_1256, %dma_wait3A_1264] : memref<4x128xi32, #tpu.memory_space<vmem>> -> memref<1x128xi32, #tpu.memory_space<vmem>>
      %dma_wait3A_1266 = tpu.memref_squeeze %dma_wait3A_1265 : memref<1x128xi32, #tpu.memory_space<vmem>> -> memref<128xi32, #tpu.memory_space<vmem>>
      %dma_wait3A_1267 = arith.constant 0 : i32
      %dma_wait3A_1268 = tpu.memref_slice %arg3[%scan3A_268, %dma_wait3A_1267] : memref<2x323584xi32, #tpu.memory_space<hbm>> -> memref<1x323584xi32, #tpu.memory_space<hbm>>
      %dma_wait3A_1269 = tpu.memref_squeeze %dma_wait3A_1268 : memref<1x323584xi32, #tpu.memory_space<hbm>> -> memref<323584xi32, #tpu.memory_space<hbm>>
      %dma_wait3A_1270 = tpu.memref_slice %dma_wait3A_1269[%add3A_1255] : memref<323584xi32, #tpu.memory_space<hbm>> -> memref<128xi32, #tpu.memory_space<hbm>>
      tpu.wait_dma2 semaphore(%arg13 : memref<!tpu.dma_semaphore, #tpu.memory_space<semaphore_mem>>) src(%dma_wait3A_1270 : memref<128xi32, #tpu.memory_space<hbm>>) dst(%dma_wait3A_1266 : memref<128xi32, #tpu.memory_space<vmem>>)
      %dma_start3A_1271 = arith.constant 0 : i32
      %dma_start3A_1272 = arith.constant 0 : i32
      %dma_start3A_1273 = arith.constant 0 : i32
      %dma_start3A_1274 = tpu.memref_slice %arg7[%dma_start3A_1272, %dma_start3A_1273] : memref<256x128xf32, #tpu.memory_space<vmem>> -> memref<128x128xf32, #tpu.memory_space<vmem>>
      %dma_start3A_1275 = arith.constant 0 : i32
      %dma_start3A_1276 = tpu.memref_slice %arg6[%dma_start3A_1271, %dma_start3A_1275] : memref<4x128xi32, #tpu.memory_space<vmem>> -> memref<1x128xi32, #tpu.memory_space<vmem>>
      %dma_start3A_1277 = tpu.memref_squeeze %dma_start3A_1276 : memref<1x128xi32, #tpu.memory_space<vmem>> -> memref<128xi32, #tpu.memory_space<vmem>>
      %dma_start3A_1278 = arith.constant 0 : i32
      %dma_start3A_1279 = arith.constant 0 : i32
      %dma_start3A_1280 = tpu.memref_slice %arg8[%dma_start3A_1278, %dma_start3A_1279] : memref<10240x128xf32, #tpu.memory_space<vmem_shared>> -> memref<10240x128xf32, #tpu.memory_space<vmem_shared>>
      tpu.enqueue_indirect_dma source(%dma_start3A_1274 : memref<128x128xf32, #tpu.memory_space<vmem>>) target(%dma_start3A_1280 : memref<10240x128xf32, #tpu.memory_space<vmem_shared>>) offsets(%dma_start3A_1277 : memref<128xi32, #tpu.memory_space<vmem>>) semaphore(%arg19 : memref<!tpu.dma_semaphore, #tpu.memory_space<semaphore_mem>>) {add = true}
      %add3A_1281 = arith.constant 4 : i32
      %add3A_1282 = arith.addi %add3A_1202, %add3A_1281 : i32
      %sub3A_1283 = arith.constant 1 : i32
      %sub3A_1284 = arith.subi %add3A_1282, %sub3A_1283 : i32
      %mul3A_1285 = arith.constant 128 : i32
      %mul3A_1286 = arith.muli %sub3A_1284, %mul3A_1285 : i32
      %add3A_1287 = arith.addi %mul3A_4, %mul3A_1286 : i32
      %dma_start3A_1288 = arith.constant 3 : i32
      %dma_start3A_1289 = arith.constant 0 : i32
      %dma_start3A_1290 = tpu.memref_slice %arg5[%dma_start3A_1288, %dma_start3A_1289] : memref<4x128xi32, #tpu.memory_space<vmem>> -> memref<1x128xi32, #tpu.memory_space<vmem>>
      %dma_start3A_1291 = tpu.memref_squeeze %dma_start3A_1290 : memref<1x128xi32, #tpu.memory_space<vmem>> -> memref<128xi32, #tpu.memory_space<vmem>>
      %dma_start3A_1292 = arith.constant 0 : i32
      %dma_start3A_1293 = tpu.memref_slice %arg3[%scan3A_267, %dma_start3A_1292] : memref<2x323584xi32, #tpu.memory_space<hbm>> -> memref<1x323584xi32, #tpu.memory_space<hbm>>
      %dma_start3A_1294 = tpu.memref_squeeze %dma_start3A_1293 : memref<1x323584xi32, #tpu.memory_space<hbm>> -> memref<323584xi32, #tpu.memory_space<hbm>>
      %dma_start3A_1295 = tpu.memref_slice %dma_start3A_1294[%add3A_1287] : memref<323584xi32, #tpu.memory_space<hbm>> -> memref<128xi32, #tpu.memory_space<hbm>>
      %dma_start3A_1296 = arith.constant 0 : i32
      %dma_start3A_1297 = tpu.memref_slice %arg5[%dma_start3A_1288, %dma_start3A_1296] : memref<4x128xi32, #tpu.memory_space<vmem>> -> memref<1x128xi32, #tpu.memory_space<vmem>>
      %dma_start3A_1298 = tpu.memref_squeeze %dma_start3A_1297 : memref<1x128xi32, #tpu.memory_space<vmem>> -> memref<128xi32, #tpu.memory_space<vmem>>
      %dma_start3A_1299 = arith.constant 0 : i32
      %dma_start3A_1300 = tpu.memref_slice %arg3[%scan3A_267, %dma_start3A_1299] : memref<2x323584xi32, #tpu.memory_space<hbm>> -> memref<1x323584xi32, #tpu.memory_space<hbm>>
      %dma_start3A_1301 = tpu.memref_squeeze %dma_start3A_1300 : memref<1x323584xi32, #tpu.memory_space<hbm>> -> memref<323584xi32, #tpu.memory_space<hbm>>
      %dma_start3A_1302 = tpu.memref_slice %dma_start3A_1301[%add3A_1287] : memref<323584xi32, #tpu.memory_space<hbm>> -> memref<128xi32, #tpu.memory_space<hbm>>
      tpu.enqueue_dma source(%dma_start3A_1302 : memref<128xi32, #tpu.memory_space<hbm>>) target(%dma_start3A_1298 : memref<128xi32, #tpu.memory_space<vmem>>) target_semaphore(%arg12 : memref<!tpu.dma_semaphore, #tpu.memory_space<semaphore_mem>>)
      %mul3A_1303 = arith.constant 128 : i32
      %mul3A_1304 = arith.muli %sub3A_1284, %mul3A_1303 : i32
      %add3A_1305 = arith.addi %mul3A_4, %mul3A_1304 : i32
      %dma_start3A_1306 = arith.constant 3 : i32
      %dma_start3A_1307 = arith.constant 0 : i32
      %dma_start3A_1308 = tpu.memref_slice %arg6[%dma_start3A_1306, %dma_start3A_1307] : memref<4x128xi32, #tpu.memory_space<vmem>> -> memref<1x128xi32, #tpu.memory_space<vmem>>
      %dma_start3A_1309 = tpu.memref_squeeze %dma_start3A_1308 : memref<1x128xi32, #tpu.memory_space<vmem>> -> memref<128xi32, #tpu.memory_space<vmem>>
      %dma_start3A_1310 = arith.constant 0 : i32
      %dma_start3A_1311 = tpu.memref_slice %arg3[%scan3A_268, %dma_start3A_1310] : memref<2x323584xi32, #tpu.memory_space<hbm>> -> memref<1x323584xi32, #tpu.memory_space<hbm>>
      %dma_start3A_1312 = tpu.memref_squeeze %dma_start3A_1311 : memref<1x323584xi32, #tpu.memory_space<hbm>> -> memref<323584xi32, #tpu.memory_space<hbm>>
      %dma_start3A_1313 = tpu.memref_slice %dma_start3A_1312[%add3A_1305] : memref<323584xi32, #tpu.memory_space<hbm>> -> memref<128xi32, #tpu.memory_space<hbm>>
      %dma_start3A_1314 = arith.constant 0 : i32
      %dma_start3A_1315 = tpu.memref_slice %arg6[%dma_start3A_1306, %dma_start3A_1314] : memref<4x128xi32, #tpu.memory_space<vmem>> -> memref<1x128xi32, #tpu.memory_space<vmem>>
      %dma_start3A_1316 = tpu.memref_squeeze %dma_start3A_1315 : memref<1x128xi32, #tpu.memory_space<vmem>> -> memref<128xi32, #tpu.memory_space<vmem>>
      %dma_start3A_1317 = arith.constant 0 : i32
      %dma_start3A_1318 = tpu.memref_slice %arg3[%scan3A_268, %dma_start3A_1317] : memref<2x323584xi32, #tpu.memory_space<hbm>> -> memref<1x323584xi32, #tpu.memory_space<hbm>>
      %dma_start3A_1319 = tpu.memref_squeeze %dma_start3A_1318 : memref<1x323584xi32, #tpu.memory_space<hbm>> -> memref<323584xi32, #tpu.memory_space<hbm>>
      %dma_start3A_1320 = tpu.memref_slice %dma_start3A_1319[%add3A_1305] : memref<323584xi32, #tpu.memory_space<hbm>> -> memref<128xi32, #tpu.memory_space<hbm>>
      tpu.enqueue_dma source(%dma_start3A_1320 : memref<128xi32, #tpu.memory_space<hbm>>) target(%dma_start3A_1316 : memref<128xi32, #tpu.memory_space<vmem>>) target_semaphore(%arg16 : memref<!tpu.dma_semaphore, #tpu.memory_space<semaphore_mem>>)
    }
    %scan3A_273 = arith.constant 18 : i32
    %add3A_274 = arith.constant 9472 : i32
    %add3A_275 = arith.addi %mul3A_4, %add3A_274 : i32
    %dma_wait3A_276 = arith.constant 0 : i32
    %dma_wait3A_277 = arith.constant 2 : i32
    %dma_wait3A_278 = arith.constant 0 : i32
    %dma_wait3A_279 = tpu.memref_slice %arg5[%dma_wait3A_277, %dma_wait3A_278] : memref<4x128xi32, #tpu.memory_space<vmem>> -> memref<1x128xi32, #tpu.memory_space<vmem>>
    %dma_wait3A_280 = tpu.memref_squeeze %dma_wait3A_279 : memref<1x128xi32, #tpu.memory_space<vmem>> -> memref<128xi32, #tpu.memory_space<vmem>>
    %dma_wait3A_281 = arith.constant 0 : i32
    %dma_wait3A_282 = tpu.memref_slice %arg3[%dma_wait3A_276, %dma_wait3A_281] : memref<2x323584xi32, #tpu.memory_space<hbm>> -> memref<1x323584xi32, #tpu.memory_space<hbm>>
    %dma_wait3A_283 = tpu.memref_squeeze %dma_wait3A_282 : memref<1x323584xi32, #tpu.memory_space<hbm>> -> memref<323584xi32, #tpu.memory_space<hbm>>
    %dma_wait3A_284 = tpu.memref_slice %dma_wait3A_283[%add3A_275] : memref<323584xi32, #tpu.memory_space<hbm>> -> memref<128xi32, #tpu.memory_space<hbm>>
    %dma_wait3A_285 = arith.constant 0 : i32
    %dma_wait3A_286 = tpu.memref_slice %arg5[%dma_wait3A_277, %dma_wait3A_285] : memref<4x128xi32, #tpu.memory_space<vmem>> -> memref<1x128xi32, #tpu.memory_space<vmem>>
    %dma_wait3A_287 = tpu.memref_squeeze %dma_wait3A_286 : memref<1x128xi32, #tpu.memory_space<vmem>> -> memref<128xi32, #tpu.memory_space<vmem>>
    %dma_wait3A_288 = arith.constant 0 : i32
    %dma_wait3A_289 = tpu.memref_slice %arg3[%dma_wait3A_276, %dma_wait3A_288] : memref<2x323584xi32, #tpu.memory_space<hbm>> -> memref<1x323584xi32, #tpu.memory_space<hbm>>
    %dma_wait3A_290 = tpu.memref_squeeze %dma_wait3A_289 : memref<1x323584xi32, #tpu.memory_space<hbm>> -> memref<323584xi32, #tpu.memory_space<hbm>>
    %dma_wait3A_291 = tpu.memref_slice %dma_wait3A_290[%add3A_275] : memref<323584xi32, #tpu.memory_space<hbm>> -> memref<128xi32, #tpu.memory_space<hbm>>
    tpu.wait_dma2 semaphore(%arg11 : memref<!tpu.dma_semaphore, #tpu.memory_space<semaphore_mem>>) src(%dma_wait3A_291 : memref<128xi32, #tpu.memory_space<hbm>>) dst(%dma_wait3A_287 : memref<128xi32, #tpu.memory_space<vmem>>)
    %dma_wait3A_292 = arith.constant 0 : i32
    %dma_wait3A_293 = arith.constant 0 : i32
    %dma_wait3A_294 = arith.constant 0 : i32
    %dma_wait3A_295 = tpu.memref_slice %arg7[%dma_wait3A_293, %dma_wait3A_294] : memref<256x128xf32, #tpu.memory_space<vmem>> -> memref<128x128xf32, #tpu.memory_space<vmem>>
    %dma_wait3A_296 = arith.constant 0 : i32
    %dma_wait3A_297 = tpu.memref_slice %arg6[%dma_wait3A_292, %dma_wait3A_296] : memref<4x128xi32, #tpu.memory_space<vmem>> -> memref<1x128xi32, #tpu.memory_space<vmem>>
    %dma_wait3A_298 = tpu.memref_squeeze %dma_wait3A_297 : memref<1x128xi32, #tpu.memory_space<vmem>> -> memref<128xi32, #tpu.memory_space<vmem>>
    %dma_wait3A_299 = arith.constant 0 : i32
    %dma_wait3A_300 = arith.constant 0 : i32
    %dma_wait3A_301 = tpu.memref_slice %arg8[%dma_wait3A_299, %dma_wait3A_300] : memref<10240x128xf32, #tpu.memory_space<vmem_shared>> -> memref<10240x128xf32, #tpu.memory_space<vmem_shared>>
    tpu.wait_indirect_dma semaphore(%arg19 : memref<!tpu.dma_semaphore, #tpu.memory_space<semaphore_mem>>) src(%dma_wait3A_295 : memref<128x128xf32, #tpu.memory_space<vmem>>) dst(%dma_wait3A_301 : memref<10240x128xf32, #tpu.memory_space<vmem_shared>>)
    %dma_start3A_302 = arith.constant 2 : i32
    %dma_start3A_303 = arith.constant 0 : i32
    %dma_start3A_304 = arith.constant 0 : i32
    %dma_start3A_305 = tpu.memref_slice %arg7[%dma_start3A_303, %dma_start3A_304] : memref<256x128xf32, #tpu.memory_space<vmem>> -> memref<128x128xf32, #tpu.memory_space<vmem>>
    %dma_start3A_306 = arith.constant 0 : i32
    %dma_start3A_307 = tpu.memref_slice %arg5[%dma_start3A_302, %dma_start3A_306] : memref<4x128xi32, #tpu.memory_space<vmem>> -> memref<1x128xi32, #tpu.memory_space<vmem>>
    %dma_start3A_308 = tpu.memref_squeeze %dma_start3A_307 : memref<1x128xi32, #tpu.memory_space<vmem>> -> memref<128xi32, #tpu.memory_space<vmem>>
    %dma_start3A_309 = arith.constant 0 : i32
    %dma_start3A_310 = arith.constant 0 : i32
    %dma_start3A_311 = tpu.memref_slice %arg2[%dma_start3A_309, %dma_start3A_310] : memref<10000x128xf32, #tpu.memory_space<hbm>> -> memref<10000x128xf32, #tpu.memory_space<hbm>>
    tpu.enqueue_indirect_dma source(%dma_start3A_311 : memref<10000x128xf32, #tpu.memory_space<hbm>>) target(%dma_start3A_305 : memref<128x128xf32, #tpu.memory_space<vmem>>) offsets(%dma_start3A_308 : memref<128xi32, #tpu.memory_space<vmem>>) semaphore(%arg17 : memref<!tpu.dma_semaphore, #tpu.memory_space<semaphore_mem>>)
    %dma_wait3A_312 = arith.constant 1 : i32
    %dma_wait3A_313 = arith.constant 128 : i32
    %dma_wait3A_314 = arith.constant 0 : i32
    %dma_wait3A_315 = tpu.memref_slice %arg7[%dma_wait3A_313, %dma_wait3A_314] : memref<256x128xf32, #tpu.memory_space<vmem>> -> memref<128x128xf32, #tpu.memory_space<vmem>>
    %dma_wait3A_316 = arith.constant 0 : i32
    %dma_wait3A_317 = tpu.memref_slice %arg5[%dma_wait3A_312, %dma_wait3A_316] : memref<4x128xi32, #tpu.memory_space<vmem>> -> memref<1x128xi32, #tpu.memory_space<vmem>>
    %dma_wait3A_318 = tpu.memref_squeeze %dma_wait3A_317 : memref<1x128xi32, #tpu.memory_space<vmem>> -> memref<128xi32, #tpu.memory_space<vmem>>
    %dma_wait3A_319 = arith.constant 0 : i32
    %dma_wait3A_320 = arith.constant 0 : i32
    %dma_wait3A_321 = tpu.memref_slice %arg2[%dma_wait3A_319, %dma_wait3A_320] : memref<10000x128xf32, #tpu.memory_space<hbm>> -> memref<10000x128xf32, #tpu.memory_space<hbm>>
    tpu.wait_indirect_dma semaphore(%arg18 : memref<!tpu.dma_semaphore, #tpu.memory_space<semaphore_mem>>) src(%dma_wait3A_321 : memref<10000x128xf32, #tpu.memory_space<hbm>>) dst(%dma_wait3A_315 : memref<128x128xf32, #tpu.memory_space<vmem>>)
    %add3A_322 = arith.constant 9344 : i32
    %add3A_323 = arith.addi %mul3A_4, %add3A_322 : i32
    %dma_wait3A_324 = arith.constant 1 : i32
    %dma_wait3A_325 = arith.constant 1 : i32
    %dma_wait3A_326 = arith.constant 0 : i32
    %dma_wait3A_327 = tpu.memref_slice %arg6[%dma_wait3A_325, %dma_wait3A_326] : memref<4x128xi32, #tpu.memory_space<vmem>> -> memref<1x128xi32, #tpu.memory_space<vmem>>
    %dma_wait3A_328 = tpu.memref_squeeze %dma_wait3A_327 : memref<1x128xi32, #tpu.memory_space<vmem>> -> memref<128xi32, #tpu.memory_space<vmem>>
    %dma_wait3A_329 = arith.constant 0 : i32
    %dma_wait3A_330 = tpu.memref_slice %arg3[%dma_wait3A_324, %dma_wait3A_329] : memref<2x323584xi32, #tpu.memory_space<hbm>> -> memref<1x323584xi32, #tpu.memory_space<hbm>>
    %dma_wait3A_331 = tpu.memref_squeeze %dma_wait3A_330 : memref<1x323584xi32, #tpu.memory_space<hbm>> -> memref<323584xi32, #tpu.memory_space<hbm>>
    %dma_wait3A_332 = tpu.memref_slice %dma_wait3A_331[%add3A_323] : memref<323584xi32, #tpu.memory_space<hbm>> -> memref<128xi32, #tpu.memory_space<hbm>>
    %dma_wait3A_333 = arith.constant 0 : i32
    %dma_wait3A_334 = tpu.memref_slice %arg6[%dma_wait3A_325, %dma_wait3A_333] : memref<4x128xi32, #tpu.memory_space<vmem>> -> memref<1x128xi32, #tpu.memory_space<vmem>>
    %dma_wait3A_335 = tpu.memref_squeeze %dma_wait3A_334 : memref<1x128xi32, #tpu.memory_space<vmem>> -> memref<128xi32, #tpu.memory_space<vmem>>
    %dma_wait3A_336 = arith.constant 0 : i32
    %dma_wait3A_337 = tpu.memref_slice %arg3[%dma_wait3A_324, %dma_wait3A_336] : memref<2x323584xi32, #tpu.memory_space<hbm>> -> memref<1x323584xi32, #tpu.memory_space<hbm>>
    %dma_wait3A_338 = tpu.memref_squeeze %dma_wait3A_337 : memref<1x323584xi32, #tpu.memory_space<hbm>> -> memref<323584xi32, #tpu.memory_space<hbm>>
    %dma_wait3A_339 = tpu.memref_slice %dma_wait3A_338[%add3A_323] : memref<323584xi32, #tpu.memory_space<hbm>> -> memref<128xi32, #tpu.memory_space<hbm>>
    tpu.wait_dma2 semaphore(%arg14 : memref<!tpu.dma_semaphore, #tpu.memory_space<semaphore_mem>>) src(%dma_wait3A_339 : memref<128xi32, #tpu.memory_space<hbm>>) dst(%dma_wait3A_335 : memref<128xi32, #tpu.memory_space<vmem>>)
    %dma_start3A_340 = arith.constant 1 : i32
    %dma_start3A_341 = arith.constant 128 : i32
    %dma_start3A_342 = arith.constant 0 : i32
    %dma_start3A_343 = tpu.memref_slice %arg7[%dma_start3A_341, %dma_start3A_342] : memref<256x128xf32, #tpu.memory_space<vmem>> -> memref<128x128xf32, #tpu.memory_space<vmem>>
    %dma_start3A_344 = arith.constant 0 : i32
    %dma_start3A_345 = tpu.memref_slice %arg6[%dma_start3A_340, %dma_start3A_344] : memref<4x128xi32, #tpu.memory_space<vmem>> -> memref<1x128xi32, #tpu.memory_space<vmem>>
    %dma_start3A_346 = tpu.memref_squeeze %dma_start3A_345 : memref<1x128xi32, #tpu.memory_space<vmem>> -> memref<128xi32, #tpu.memory_space<vmem>>
    %dma_start3A_347 = arith.constant 0 : i32
    %dma_start3A_348 = arith.constant 0 : i32
    %dma_start3A_349 = tpu.memref_slice %arg8[%dma_start3A_347, %dma_start3A_348] : memref<10240x128xf32, #tpu.memory_space<vmem_shared>> -> memref<10240x128xf32, #tpu.memory_space<vmem_shared>>
    tpu.enqueue_indirect_dma source(%dma_start3A_343 : memref<128x128xf32, #tpu.memory_space<vmem>>) target(%dma_start3A_349 : memref<10240x128xf32, #tpu.memory_space<vmem_shared>>) offsets(%dma_start3A_346 : memref<128xi32, #tpu.memory_space<vmem>>) semaphore(%arg20 : memref<!tpu.dma_semaphore, #tpu.memory_space<semaphore_mem>>) {add = true}
    %add3A_350 = arith.constant 9728 : i32
    %add3A_351 = arith.addi %mul3A_4, %add3A_350 : i32
    %dma_start3A_352 = arith.constant 0 : i32
    %dma_start3A_353 = arith.constant 0 : i32
    %dma_start3A_354 = arith.constant 0 : i32
    %dma_start3A_355 = tpu.memref_slice %arg5[%dma_start3A_353, %dma_start3A_354] : memref<4x128xi32, #tpu.memory_space<vmem>> -> memref<1x128xi32, #tpu.memory_space<vmem>>
    %dma_start3A_356 = tpu.memref_squeeze %dma_start3A_355 : memref<1x128xi32, #tpu.memory_space<vmem>> -> memref<128xi32, #tpu.memory_space<vmem>>
    %dma_start3A_357 = arith.constant 0 : i32
    %dma_start3A_358 = tpu.memref_slice %arg3[%dma_start3A_352, %dma_start3A_357] : memref<2x323584xi32, #tpu.memory_space<hbm>> -> memref<1x323584xi32, #tpu.memory_space<hbm>>
    %dma_start3A_359 = tpu.memref_squeeze %dma_start3A_358 : memref<1x323584xi32, #tpu.memory_space<hbm>> -> memref<323584xi32, #tpu.memory_space<hbm>>
    %dma_start3A_360 = tpu.memref_slice %dma_start3A_359[%add3A_351] : memref<323584xi32, #tpu.memory_space<hbm>> -> memref<128xi32, #tpu.memory_space<hbm>>
    %dma_start3A_361 = arith.constant 0 : i32
    %dma_start3A_362 = tpu.memref_slice %arg5[%dma_start3A_353, %dma_start3A_361] : memref<4x128xi32, #tpu.memory_space<vmem>> -> memref<1x128xi32, #tpu.memory_space<vmem>>
    %dma_start3A_363 = tpu.memref_squeeze %dma_start3A_362 : memref<1x128xi32, #tpu.memory_space<vmem>> -> memref<128xi32, #tpu.memory_space<vmem>>
    %dma_start3A_364 = arith.constant 0 : i32
    %dma_start3A_365 = tpu.memref_slice %arg3[%dma_start3A_352, %dma_start3A_364] : memref<2x323584xi32, #tpu.memory_space<hbm>> -> memref<1x323584xi32, #tpu.memory_space<hbm>>
    %dma_start3A_366 = tpu.memref_squeeze %dma_start3A_365 : memref<1x323584xi32, #tpu.memory_space<hbm>> -> memref<323584xi32, #tpu.memory_space<hbm>>
    %dma_start3A_367 = tpu.memref_slice %dma_start3A_366[%add3A_351] : memref<323584xi32, #tpu.memory_space<hbm>> -> memref<128xi32, #tpu.memory_space<hbm>>
    tpu.enqueue_dma source(%dma_start3A_367 : memref<128xi32, #tpu.memory_space<hbm>>) target(%dma_start3A_363 : memref<128xi32, #tpu.memory_space<vmem>>) target_semaphore(%arg9 : memref<!tpu.dma_semaphore, #tpu.memory_space<semaphore_mem>>)
    %add3A_368 = arith.constant 9728 : i32
    %add3A_369 = arith.addi %mul3A_4, %add3A_368 : i32
    %dma_start3A_370 = arith.constant 1 : i32
    %dma_start3A_371 = arith.constant 0 : i32
    %dma_start3A_372 = arith.constant 0 : i32
    %dma_start3A_373 = tpu.memref_slice %arg6[%dma_start3A_371, %dma_start3A_372] : memref<4x128xi32, #tpu.memory_space<vmem>> -> memref<1x128xi32, #tpu.memory_space<vmem>>
    %dma_start3A_374 = tpu.memref_squeeze %dma_start3A_373 : memref<1x128xi32, #tpu.memory_space<vmem>> -> memref<128xi32, #tpu.memory_space<vmem>>
    %dma_start3A_375 = arith.constant 0 : i32
    %dma_start3A_376 = tpu.memref_slice %arg3[%dma_start3A_370, %dma_start3A_375] : memref<2x323584xi32, #tpu.memory_space<hbm>> -> memref<1x323584xi32, #tpu.memory_space<hbm>>
    %dma_start3A_377 = tpu.memref_squeeze %dma_start3A_376 : memref<1x323584xi32, #tpu.memory_space<hbm>> -> memref<323584xi32, #tpu.memory_space<hbm>>
    %dma_start3A_378 = tpu.memref_slice %dma_start3A_377[%add3A_369] : memref<323584xi32, #tpu.memory_space<hbm>> -> memref<128xi32, #tpu.memory_space<hbm>>
    %dma_start3A_379 = arith.constant 0 : i32
    %dma_start3A_380 = tpu.memref_slice %arg6[%dma_start3A_371, %dma_start3A_379] : memref<4x128xi32, #tpu.memory_space<vmem>> -> memref<1x128xi32, #tpu.memory_space<vmem>>
    %dma_start3A_381 = tpu.memref_squeeze %dma_start3A_380 : memref<1x128xi32, #tpu.memory_space<vmem>> -> memref<128xi32, #tpu.memory_space<vmem>>
    %dma_start3A_382 = arith.constant 0 : i32
    %dma_start3A_383 = tpu.memref_slice %arg3[%dma_start3A_370, %dma_start3A_382] : memref<2x323584xi32, #tpu.memory_space<hbm>> -> memref<1x323584xi32, #tpu.memory_space<hbm>>
    %dma_start3A_384 = tpu.memref_squeeze %dma_start3A_383 : memref<1x323584xi32, #tpu.memory_space<hbm>> -> memref<323584xi32, #tpu.memory_space<hbm>>
    %dma_start3A_385 = tpu.memref_slice %dma_start3A_384[%add3A_369] : memref<323584xi32, #tpu.memory_space<hbm>> -> memref<128xi32, #tpu.memory_space<hbm>>
    tpu.enqueue_dma source(%dma_start3A_385 : memref<128xi32, #tpu.memory_space<hbm>>) target(%dma_start3A_381 : memref<128xi32, #tpu.memory_space<vmem>>) target_semaphore(%arg13 : memref<!tpu.dma_semaphore, #tpu.memory_space<semaphore_mem>>)
    %add3A_386 = arith.constant 9600 : i32
    %add3A_387 = arith.addi %mul3A_4, %add3A_386 : i32
    %dma_wait3A_388 = arith.constant 0 : i32
    %dma_wait3A_389 = arith.constant 3 : i32
    %dma_wait3A_390 = arith.constant 0 : i32
    %dma_wait3A_391 = tpu.memref_slice %arg5[%dma_wait3A_389, %dma_wait3A_390] : memref<4x128xi32, #tpu.memory_space<vmem>> -> memref<1x128xi32, #tpu.memory_space<vmem>>
    %dma_wait3A_392 = tpu.memref_squeeze %dma_wait3A_391 : memref<1x128xi32, #tpu.memory_space<vmem>> -> memref<128xi32, #tpu.memory_space<vmem>>
    %dma_wait3A_393 = arith.constant 0 : i32
    %dma_wait3A_394 = tpu.memref_slice %arg3[%dma_wait3A_388, %dma_wait3A_393] : memref<2x323584xi32, #tpu.memory_space<hbm>> -> memref<1x323584xi32, #tpu.memory_space<hbm>>
    %dma_wait3A_395 = tpu.memref_squeeze %dma_wait3A_394 : memref<1x323584xi32, #tpu.memory_space<hbm>> -> memref<323584xi32, #tpu.memory_space<hbm>>
    %dma_wait3A_396 = tpu.memref_slice %dma_wait3A_395[%add3A_387] : memref<323584xi32, #tpu.memory_space<hbm>> -> memref<128xi32, #tpu.memory_space<hbm>>
    %dma_wait3A_397 = arith.constant 0 : i32
    %dma_wait3A_398 = tpu.memref_slice %arg5[%dma_wait3A_389, %dma_wait3A_397] : memref<4x128xi32, #tpu.memory_space<vmem>> -> memref<1x128xi32, #tpu.memory_space<vmem>>
    %dma_wait3A_399 = tpu.memref_squeeze %dma_wait3A_398 : memref<1x128xi32, #tpu.memory_space<vmem>> -> memref<128xi32, #tpu.memory_space<vmem>>
    %dma_wait3A_400 = arith.constant 0 : i32
    %dma_wait3A_401 = tpu.memref_slice %arg3[%dma_wait3A_388, %dma_wait3A_400] : memref<2x323584xi32, #tpu.memory_space<hbm>> -> memref<1x323584xi32, #tpu.memory_space<hbm>>
    %dma_wait3A_402 = tpu.memref_squeeze %dma_wait3A_401 : memref<1x323584xi32, #tpu.memory_space<hbm>> -> memref<323584xi32, #tpu.memory_space<hbm>>
    %dma_wait3A_403 = tpu.memref_slice %dma_wait3A_402[%add3A_387] : memref<323584xi32, #tpu.memory_space<hbm>> -> memref<128xi32, #tpu.memory_space<hbm>>
    tpu.wait_dma2 semaphore(%arg12 : memref<!tpu.dma_semaphore, #tpu.memory_space<semaphore_mem>>) src(%dma_wait3A_403 : memref<128xi32, #tpu.memory_space<hbm>>) dst(%dma_wait3A_399 : memref<128xi32, #tpu.memory_space<vmem>>)
    %dma_wait3A_404 = arith.constant 1 : i32
    %dma_wait3A_405 = arith.constant 128 : i32
    %dma_wait3A_406 = arith.constant 0 : i32
    %dma_wait3A_407 = tpu.memref_slice %arg7[%dma_wait3A_405, %dma_wait3A_406] : memref<256x128xf32, #tpu.memory_space<vmem>> -> memref<128x128xf32, #tpu.memory_space<vmem>>
    %dma_wait3A_408 = arith.constant 0 : i32
    %dma_wait3A_409 = tpu.memref_slice %arg6[%dma_wait3A_404, %dma_wait3A_408] : memref<4x128xi32, #tpu.memory_space<vmem>> -> memref<1x128xi32, #tpu.memory_space<vmem>>
    %dma_wait3A_410 = tpu.memref_squeeze %dma_wait3A_409 : memref<1x128xi32, #tpu.memory_space<vmem>> -> memref<128xi32, #tpu.memory_space<vmem>>
    %dma_wait3A_411 = arith.constant 0 : i32
    %dma_wait3A_412 = arith.constant 0 : i32
    %dma_wait3A_413 = tpu.memref_slice %arg8[%dma_wait3A_411, %dma_wait3A_412] : memref<10240x128xf32, #tpu.memory_space<vmem_shared>> -> memref<10240x128xf32, #tpu.memory_space<vmem_shared>>
    tpu.wait_indirect_dma semaphore(%arg20 : memref<!tpu.dma_semaphore, #tpu.memory_space<semaphore_mem>>) src(%dma_wait3A_407 : memref<128x128xf32, #tpu.memory_space<vmem>>) dst(%dma_wait3A_413 : memref<10240x128xf32, #tpu.memory_space<vmem_shared>>)
    %dma_start3A_414 = arith.constant 3 : i32
    %dma_start3A_415 = arith.constant 128 : i32
    %dma_start3A_416 = arith.constant 0 : i32
    %dma_start3A_417 = tpu.memref_slice %arg7[%dma_start3A_415, %dma_start3A_416] : memref<256x128xf32, #tpu.memory_space<vmem>> -> memref<128x128xf32, #tpu.memory_space<vmem>>
    %dma_start3A_418 = arith.constant 0 : i32
    %dma_start3A_419 = tpu.memref_slice %arg5[%dma_start3A_414, %dma_start3A_418] : memref<4x128xi32, #tpu.memory_space<vmem>> -> memref<1x128xi32, #tpu.memory_space<vmem>>
    %dma_start3A_420 = tpu.memref_squeeze %dma_start3A_419 : memref<1x128xi32, #tpu.memory_space<vmem>> -> memref<128xi32, #tpu.memory_space<vmem>>
    %dma_start3A_421 = arith.constant 0 : i32
    %dma_start3A_422 = arith.constant 0 : i32
    %dma_start3A_423 = tpu.memref_slice %arg2[%dma_start3A_421, %dma_start3A_422] : memref<10000x128xf32, #tpu.memory_space<hbm>> -> memref<10000x128xf32, #tpu.memory_space<hbm>>
    tpu.enqueue_indirect_dma source(%dma_start3A_423 : memref<10000x128xf32, #tpu.memory_space<hbm>>) target(%dma_start3A_417 : memref<128x128xf32, #tpu.memory_space<vmem>>) offsets(%dma_start3A_420 : memref<128xi32, #tpu.memory_space<vmem>>) semaphore(%arg18 : memref<!tpu.dma_semaphore, #tpu.memory_space<semaphore_mem>>)
    %dma_wait3A_424 = arith.constant 2 : i32
    %dma_wait3A_425 = arith.constant 0 : i32
    %dma_wait3A_426 = arith.constant 0 : i32
    %dma_wait3A_427 = tpu.memref_slice %arg7[%dma_wait3A_425, %dma_wait3A_426] : memref<256x128xf32, #tpu.memory_space<vmem>> -> memref<128x128xf32, #tpu.memory_space<vmem>>
    %dma_wait3A_428 = arith.constant 0 : i32
    %dma_wait3A_429 = tpu.memref_slice %arg5[%dma_wait3A_424, %dma_wait3A_428] : memref<4x128xi32, #tpu.memory_space<vmem>> -> memref<1x128xi32, #tpu.memory_space<vmem>>
    %dma_wait3A_430 = tpu.memref_squeeze %dma_wait3A_429 : memref<1x128xi32, #tpu.memory_space<vmem>> -> memref<128xi32, #tpu.memory_space<vmem>>
    %dma_wait3A_431 = arith.constant 0 : i32
    %dma_wait3A_432 = arith.constant 0 : i32
    %dma_wait3A_433 = tpu.memref_slice %arg2[%dma_wait3A_431, %dma_wait3A_432] : memref<10000x128xf32, #tpu.memory_space<hbm>> -> memref<10000x128xf32, #tpu.memory_space<hbm>>
    tpu.wait_indirect_dma semaphore(%arg17 : memref<!tpu.dma_semaphore, #tpu.memory_space<semaphore_mem>>) src(%dma_wait3A_433 : memref<10000x128xf32, #tpu.memory_space<hbm>>) dst(%dma_wait3A_427 : memref<128x128xf32, #tpu.memory_space<vmem>>)
    %add3A_434 = arith.constant 9472 : i32
    %add3A_435 = arith.addi %mul3A_4, %add3A_434 : i32
    %dma_wait3A_436 = arith.constant 1 : i32
    %dma_wait3A_437 = arith.constant 2 : i32
    %dma_wait3A_438 = arith.constant 0 : i32
    %dma_wait3A_439 = tpu.memref_slice %arg6[%dma_wait3A_437, %dma_wait3A_438] : memref<4x128xi32, #tpu.memory_space<vmem>> -> memref<1x128xi32, #tpu.memory_space<vmem>>
    %dma_wait3A_440 = tpu.memref_squeeze %dma_wait3A_439 : memref<1x128xi32, #tpu.memory_space<vmem>> -> memref<128xi32, #tpu.memory_space<vmem>>
    %dma_wait3A_441 = arith.constant 0 : i32
    %dma_wait3A_442 = tpu.memref_slice %arg3[%dma_wait3A_436, %dma_wait3A_441] : memref<2x323584xi32, #tpu.memory_space<hbm>> -> memref<1x323584xi32, #tpu.memory_space<hbm>>
    %dma_wait3A_443 = tpu.memref_squeeze %dma_wait3A_442 : memref<1x323584xi32, #tpu.memory_space<hbm>> -> memref<323584xi32, #tpu.memory_space<hbm>>
    %dma_wait3A_444 = tpu.memref_slice %dma_wait3A_443[%add3A_435] : memref<323584xi32, #tpu.memory_space<hbm>> -> memref<128xi32, #tpu.memory_space<hbm>>
    %dma_wait3A_445 = arith.constant 0 : i32
    %dma_wait3A_446 = tpu.memref_slice %arg6[%dma_wait3A_437, %dma_wait3A_445] : memref<4x128xi32, #tpu.memory_space<vmem>> -> memref<1x128xi32, #tpu.memory_space<vmem>>
    %dma_wait3A_447 = tpu.memref_squeeze %dma_wait3A_446 : memref<1x128xi32, #tpu.memory_space<vmem>> -> memref<128xi32, #tpu.memory_space<vmem>>
    %dma_wait3A_448 = arith.constant 0 : i32
    %dma_wait3A_449 = tpu.memref_slice %arg3[%dma_wait3A_436, %dma_wait3A_448] : memref<2x323584xi32, #tpu.memory_space<hbm>> -> memref<1x323584xi32, #tpu.memory_space<hbm>>
    %dma_wait3A_450 = tpu.memref_squeeze %dma_wait3A_449 : memref<1x323584xi32, #tpu.memory_space<hbm>> -> memref<323584xi32, #tpu.memory_space<hbm>>
    %dma_wait3A_451 = tpu.memref_slice %dma_wait3A_450[%add3A_435] : memref<323584xi32, #tpu.memory_space<hbm>> -> memref<128xi32, #tpu.memory_space<hbm>>
    tpu.wait_dma2 semaphore(%arg15 : memref<!tpu.dma_semaphore, #tpu.memory_space<semaphore_mem>>) src(%dma_wait3A_451 : memref<128xi32, #tpu.memory_space<hbm>>) dst(%dma_wait3A_447 : memref<128xi32, #tpu.memory_space<vmem>>)
    %dma_start3A_452 = arith.constant 2 : i32
    %dma_start3A_453 = arith.constant 0 : i32
    %dma_start3A_454 = arith.constant 0 : i32
    %dma_start3A_455 = tpu.memref_slice %arg7[%dma_start3A_453, %dma_start3A_454] : memref<256x128xf32, #tpu.memory_space<vmem>> -> memref<128x128xf32, #tpu.memory_space<vmem>>
    %dma_start3A_456 = arith.constant 0 : i32
    %dma_start3A_457 = tpu.memref_slice %arg6[%dma_start3A_452, %dma_start3A_456] : memref<4x128xi32, #tpu.memory_space<vmem>> -> memref<1x128xi32, #tpu.memory_space<vmem>>
    %dma_start3A_458 = tpu.memref_squeeze %dma_start3A_457 : memref<1x128xi32, #tpu.memory_space<vmem>> -> memref<128xi32, #tpu.memory_space<vmem>>
    %dma_start3A_459 = arith.constant 0 : i32
    %dma_start3A_460 = arith.constant 0 : i32
    %dma_start3A_461 = tpu.memref_slice %arg8[%dma_start3A_459, %dma_start3A_460] : memref<10240x128xf32, #tpu.memory_space<vmem_shared>> -> memref<10240x128xf32, #tpu.memory_space<vmem_shared>>
    tpu.enqueue_indirect_dma source(%dma_start3A_455 : memref<128x128xf32, #tpu.memory_space<vmem>>) target(%dma_start3A_461 : memref<10240x128xf32, #tpu.memory_space<vmem_shared>>) offsets(%dma_start3A_458 : memref<128xi32, #tpu.memory_space<vmem>>) semaphore(%arg19 : memref<!tpu.dma_semaphore, #tpu.memory_space<semaphore_mem>>) {add = true}
    %add3A_462 = arith.constant 9856 : i32
    %add3A_463 = arith.addi %mul3A_4, %add3A_462 : i32
    %dma_start3A_464 = arith.constant 0 : i32
    %dma_start3A_465 = arith.constant 1 : i32
    %dma_start3A_466 = arith.constant 0 : i32
    %dma_start3A_467 = tpu.memref_slice %arg5[%dma_start3A_465, %dma_start3A_466] : memref<4x128xi32, #tpu.memory_space<vmem>> -> memref<1x128xi32, #tpu.memory_space<vmem>>
    %dma_start3A_468 = tpu.memref_squeeze %dma_start3A_467 : memref<1x128xi32, #tpu.memory_space<vmem>> -> memref<128xi32, #tpu.memory_space<vmem>>
    %dma_start3A_469 = arith.constant 0 : i32
    %dma_start3A_470 = tpu.memref_slice %arg3[%dma_start3A_464, %dma_start3A_469] : memref<2x323584xi32, #tpu.memory_space<hbm>> -> memref<1x323584xi32, #tpu.memory_space<hbm>>
    %dma_start3A_471 = tpu.memref_squeeze %dma_start3A_470 : memref<1x323584xi32, #tpu.memory_space<hbm>> -> memref<323584xi32, #tpu.memory_space<hbm>>
    %dma_start3A_472 = tpu.memref_slice %dma_start3A_471[%add3A_463] : memref<323584xi32, #tpu.memory_space<hbm>> -> memref<128xi32, #tpu.memory_space<hbm>>
    %dma_start3A_473 = arith.constant 0 : i32
    %dma_start3A_474 = tpu.memref_slice %arg5[%dma_start3A_465, %dma_start3A_473] : memref<4x128xi32, #tpu.memory_space<vmem>> -> memref<1x128xi32, #tpu.memory_space<vmem>>
    %dma_start3A_475 = tpu.memref_squeeze %dma_start3A_474 : memref<1x128xi32, #tpu.memory_space<vmem>> -> memref<128xi32, #tpu.memory_space<vmem>>
    %dma_start3A_476 = arith.constant 0 : i32
    %dma_start3A_477 = tpu.memref_slice %arg3[%dma_start3A_464, %dma_start3A_476] : memref<2x323584xi32, #tpu.memory_space<hbm>> -> memref<1x323584xi32, #tpu.memory_space<hbm>>
    %dma_start3A_478 = tpu.memref_squeeze %dma_start3A_477 : memref<1x323584xi32, #tpu.memory_space<hbm>> -> memref<323584xi32, #tpu.memory_space<hbm>>
    %dma_start3A_479 = tpu.memref_slice %dma_start3A_478[%add3A_463] : memref<323584xi32, #tpu.memory_space<hbm>> -> memref<128xi32, #tpu.memory_space<hbm>>
    tpu.enqueue_dma source(%dma_start3A_479 : memref<128xi32, #tpu.memory_space<hbm>>) target(%dma_start3A_475 : memref<128xi32, #tpu.memory_space<vmem>>) target_semaphore(%arg10 : memref<!tpu.dma_semaphore, #tpu.memory_space<semaphore_mem>>)
    %add3A_480 = arith.constant 9856 : i32
    %add3A_481 = arith.addi %mul3A_4, %add3A_480 : i32
    %dma_start3A_482 = arith.constant 1 : i32
    %dma_start3A_483 = arith.constant 1 : i32
    %dma_start3A_484 = arith.constant 0 : i32
    %dma_start3A_485 = tpu.memref_slice %arg6[%dma_start3A_483, %dma_start3A_484] : memref<4x128xi32, #tpu.memory_space<vmem>> -> memref<1x128xi32, #tpu.memory_space<vmem>>
    %dma_start3A_486 = tpu.memref_squeeze %dma_start3A_485 : memref<1x128xi32, #tpu.memory_space<vmem>> -> memref<128xi32, #tpu.memory_space<vmem>>
    %dma_start3A_487 = arith.constant 0 : i32
    %dma_start3A_488 = tpu.memref_slice %arg3[%dma_start3A_482, %dma_start3A_487] : memref<2x323584xi32, #tpu.memory_space<hbm>> -> memref<1x323584xi32, #tpu.memory_space<hbm>>
    %dma_start3A_489 = tpu.memref_squeeze %dma_start3A_488 : memref<1x323584xi32, #tpu.memory_space<hbm>> -> memref<323584xi32, #tpu.memory_space<hbm>>
    %dma_start3A_490 = tpu.memref_slice %dma_start3A_489[%add3A_481] : memref<323584xi32, #tpu.memory_space<hbm>> -> memref<128xi32, #tpu.memory_space<hbm>>
    %dma_start3A_491 = arith.constant 0 : i32
    %dma_start3A_492 = tpu.memref_slice %arg6[%dma_start3A_483, %dma_start3A_491] : memref<4x128xi32, #tpu.memory_space<vmem>> -> memref<1x128xi32, #tpu.memory_space<vmem>>
    %dma_start3A_493 = tpu.memref_squeeze %dma_start3A_492 : memref<1x128xi32, #tpu.memory_space<vmem>> -> memref<128xi32, #tpu.memory_space<vmem>>
    %dma_start3A_494 = arith.constant 0 : i32
    %dma_start3A_495 = tpu.memref_slice %arg3[%dma_start3A_482, %dma_start3A_494] : memref<2x323584xi32, #tpu.memory_space<hbm>> -> memref<1x323584xi32, #tpu.memory_space<hbm>>
    %dma_start3A_496 = tpu.memref_squeeze %dma_start3A_495 : memref<1x323584xi32, #tpu.memory_space<hbm>> -> memref<323584xi32, #tpu.memory_space<hbm>>
    %dma_start3A_497 = tpu.memref_slice %dma_start3A_496[%add3A_481] : memref<323584xi32, #tpu.memory_space<hbm>> -> memref<128xi32, #tpu.memory_space<hbm>>
    tpu.enqueue_dma source(%dma_start3A_497 : memref<128xi32, #tpu.memory_space<hbm>>) target(%dma_start3A_493 : memref<128xi32, #tpu.memory_space<vmem>>) target_semaphore(%arg14 : memref<!tpu.dma_semaphore, #tpu.memory_space<semaphore_mem>>)
    %add3A_498 = arith.constant 9728 : i32
    %add3A_499 = arith.addi %mul3A_4, %add3A_498 : i32
    %dma_wait3A_500 = arith.constant 0 : i32
    %dma_wait3A_501 = arith.constant 0 : i32
    %dma_wait3A_502 = arith.constant 0 : i32
    %dma_wait3A_503 = tpu.memref_slice %arg5[%dma_wait3A_501, %dma_wait3A_502] : memref<4x128xi32, #tpu.memory_space<vmem>> -> memref<1x128xi32, #tpu.memory_space<vmem>>
    %dma_wait3A_504 = tpu.memref_squeeze %dma_wait3A_503 : memref<1x128xi32, #tpu.memory_space<vmem>> -> memref<128xi32, #tpu.memory_space<vmem>>
    %dma_wait3A_505 = arith.constant 0 : i32
    %dma_wait3A_506 = tpu.memref_slice %arg3[%dma_wait3A_500, %dma_wait3A_505] : memref<2x323584xi32, #tpu.memory_space<hbm>> -> memref<1x323584xi32, #tpu.memory_space<hbm>>
    %dma_wait3A_507 = tpu.memref_squeeze %dma_wait3A_506 : memref<1x323584xi32, #tpu.memory_space<hbm>> -> memref<323584xi32, #tpu.memory_space<hbm>>
    %dma_wait3A_508 = tpu.memref_slice %dma_wait3A_507[%add3A_499] : memref<323584xi32, #tpu.memory_space<hbm>> -> memref<128xi32, #tpu.memory_space<hbm>>
    %dma_wait3A_509 = arith.constant 0 : i32
    %dma_wait3A_510 = tpu.memref_slice %arg5[%dma_wait3A_501, %dma_wait3A_509] : memref<4x128xi32, #tpu.memory_space<vmem>> -> memref<1x128xi32, #tpu.memory_space<vmem>>
    %dma_wait3A_511 = tpu.memref_squeeze %dma_wait3A_510 : memref<1x128xi32, #tpu.memory_space<vmem>> -> memref<128xi32, #tpu.memory_space<vmem>>
    %dma_wait3A_512 = arith.constant 0 : i32
    %dma_wait3A_513 = tpu.memref_slice %arg3[%dma_wait3A_500, %dma_wait3A_512] : memref<2x323584xi32, #tpu.memory_space<hbm>> -> memref<1x323584xi32, #tpu.memory_space<hbm>>
    %dma_wait3A_514 = tpu.memref_squeeze %dma_wait3A_513 : memref<1x323584xi32, #tpu.memory_space<hbm>> -> memref<323584xi32, #tpu.memory_space<hbm>>
    %dma_wait3A_515 = tpu.memref_slice %dma_wait3A_514[%add3A_499] : memref<323584xi32, #tpu.memory_space<hbm>> -> memref<128xi32, #tpu.memory_space<hbm>>
    tpu.wait_dma2 semaphore(%arg9 : memref<!tpu.dma_semaphore, #tpu.memory_space<semaphore_mem>>) src(%dma_wait3A_515 : memref<128xi32, #tpu.memory_space<hbm>>) dst(%dma_wait3A_511 : memref<128xi32, #tpu.memory_space<vmem>>)
    %dma_wait3A_516 = arith.constant 2 : i32
    %dma_wait3A_517 = arith.constant 0 : i32
    %dma_wait3A_518 = arith.constant 0 : i32
    %dma_wait3A_519 = tpu.memref_slice %arg7[%dma_wait3A_517, %dma_wait3A_518] : memref<256x128xf32, #tpu.memory_space<vmem>> -> memref<128x128xf32, #tpu.memory_space<vmem>>
    %dma_wait3A_520 = arith.constant 0 : i32
    %dma_wait3A_521 = tpu.memref_slice %arg6[%dma_wait3A_516, %dma_wait3A_520] : memref<4x128xi32, #tpu.memory_space<vmem>> -> memref<1x128xi32, #tpu.memory_space<vmem>>
    %dma_wait3A_522 = tpu.memref_squeeze %dma_wait3A_521 : memref<1x128xi32, #tpu.memory_space<vmem>> -> memref<128xi32, #tpu.memory_space<vmem>>
    %dma_wait3A_523 = arith.constant 0 : i32
    %dma_wait3A_524 = arith.constant 0 : i32
    %dma_wait3A_525 = tpu.memref_slice %arg8[%dma_wait3A_523, %dma_wait3A_524] : memref<10240x128xf32, #tpu.memory_space<vmem_shared>> -> memref<10240x128xf32, #tpu.memory_space<vmem_shared>>
    tpu.wait_indirect_dma semaphore(%arg19 : memref<!tpu.dma_semaphore, #tpu.memory_space<semaphore_mem>>) src(%dma_wait3A_519 : memref<128x128xf32, #tpu.memory_space<vmem>>) dst(%dma_wait3A_525 : memref<10240x128xf32, #tpu.memory_space<vmem_shared>>)
    %dma_start3A_526 = arith.constant 0 : i32
    %dma_start3A_527 = arith.constant 0 : i32
    %dma_start3A_528 = arith.constant 0 : i32
    %dma_start3A_529 = tpu.memref_slice %arg7[%dma_start3A_527, %dma_start3A_528] : memref<256x128xf32, #tpu.memory_space<vmem>> -> memref<128x128xf32, #tpu.memory_space<vmem>>
    %dma_start3A_530 = arith.constant 0 : i32
    %dma_start3A_531 = tpu.memref_slice %arg5[%dma_start3A_526, %dma_start3A_530] : memref<4x128xi32, #tpu.memory_space<vmem>> -> memref<1x128xi32, #tpu.memory_space<vmem>>
    %dma_start3A_532 = tpu.memref_squeeze %dma_start3A_531 : memref<1x128xi32, #tpu.memory_space<vmem>> -> memref<128xi32, #tpu.memory_space<vmem>>
    %dma_start3A_533 = arith.constant 0 : i32
    %dma_start3A_534 = arith.constant 0 : i32
    %dma_start3A_535 = tpu.memref_slice %arg2[%dma_start3A_533, %dma_start3A_534] : memref<10000x128xf32, #tpu.memory_space<hbm>> -> memref<10000x128xf32, #tpu.memory_space<hbm>>
    tpu.enqueue_indirect_dma source(%dma_start3A_535 : memref<10000x128xf32, #tpu.memory_space<hbm>>) target(%dma_start3A_529 : memref<128x128xf32, #tpu.memory_space<vmem>>) offsets(%dma_start3A_532 : memref<128xi32, #tpu.memory_space<vmem>>) semaphore(%arg17 : memref<!tpu.dma_semaphore, #tpu.memory_space<semaphore_mem>>)
    %dma_wait3A_536 = arith.constant 3 : i32
    %dma_wait3A_537 = arith.constant 128 : i32
    %dma_wait3A_538 = arith.constant 0 : i32
    %dma_wait3A_539 = tpu.memref_slice %arg7[%dma_wait3A_537, %dma_wait3A_538] : memref<256x128xf32, #tpu.memory_space<vmem>> -> memref<128x128xf32, #tpu.memory_space<vmem>>
    %dma_wait3A_540 = arith.constant 0 : i32
    %dma_wait3A_541 = tpu.memref_slice %arg5[%dma_wait3A_536, %dma_wait3A_540] : memref<4x128xi32, #tpu.memory_space<vmem>> -> memref<1x128xi32, #tpu.memory_space<vmem>>
    %dma_wait3A_542 = tpu.memref_squeeze %dma_wait3A_541 : memref<1x128xi32, #tpu.memory_space<vmem>> -> memref<128xi32, #tpu.memory_space<vmem>>
    %dma_wait3A_543 = arith.constant 0 : i32
    %dma_wait3A_544 = arith.constant 0 : i32
    %dma_wait3A_545 = tpu.memref_slice %arg2[%dma_wait3A_543, %dma_wait3A_544] : memref<10000x128xf32, #tpu.memory_space<hbm>> -> memref<10000x128xf32, #tpu.memory_space<hbm>>
    tpu.wait_indirect_dma semaphore(%arg18 : memref<!tpu.dma_semaphore, #tpu.memory_space<semaphore_mem>>) src(%dma_wait3A_545 : memref<10000x128xf32, #tpu.memory_space<hbm>>) dst(%dma_wait3A_539 : memref<128x128xf32, #tpu.memory_space<vmem>>)
    %add3A_546 = arith.constant 9600 : i32
    %add3A_547 = arith.addi %mul3A_4, %add3A_546 : i32
    %dma_wait3A_548 = arith.constant 1 : i32
    %dma_wait3A_549 = arith.constant 3 : i32
    %dma_wait3A_550 = arith.constant 0 : i32
    %dma_wait3A_551 = tpu.memref_slice %arg6[%dma_wait3A_549, %dma_wait3A_550] : memref<4x128xi32, #tpu.memory_space<vmem>> -> memref<1x128xi32, #tpu.memory_space<vmem>>
    %dma_wait3A_552 = tpu.memref_squeeze %dma_wait3A_551 : memref<1x128xi32, #tpu.memory_space<vmem>> -> memref<128xi32, #tpu.memory_space<vmem>>
    %dma_wait3A_553 = arith.constant 0 : i32
    %dma_wait3A_554 = tpu.memref_slice %arg3[%dma_wait3A_548, %dma_wait3A_553] : memref<2x323584xi32, #tpu.memory_space<hbm>> -> memref<1x323584xi32, #tpu.memory_space<hbm>>
    %dma_wait3A_555 = tpu.memref_squeeze %dma_wait3A_554 : memref<1x323584xi32, #tpu.memory_space<hbm>> -> memref<323584xi32, #tpu.memory_space<hbm>>
    %dma_wait3A_556 = tpu.memref_slice %dma_wait3A_555[%add3A_547] : memref<323584xi32, #tpu.memory_space<hbm>> -> memref<128xi32, #tpu.memory_space<hbm>>
    %dma_wait3A_557 = arith.constant 0 : i32
    %dma_wait3A_558 = tpu.memref_slice %arg6[%dma_wait3A_549, %dma_wait3A_557] : memref<4x128xi32, #tpu.memory_space<vmem>> -> memref<1x128xi32, #tpu.memory_space<vmem>>
    %dma_wait3A_559 = tpu.memref_squeeze %dma_wait3A_558 : memref<1x128xi32, #tpu.memory_space<vmem>> -> memref<128xi32, #tpu.memory_space<vmem>>
    %dma_wait3A_560 = arith.constant 0 : i32
    %dma_wait3A_561 = tpu.memref_slice %arg3[%dma_wait3A_548, %dma_wait3A_560] : memref<2x323584xi32, #tpu.memory_space<hbm>> -> memref<1x323584xi32, #tpu.memory_space<hbm>>
    %dma_wait3A_562 = tpu.memref_squeeze %dma_wait3A_561 : memref<1x323584xi32, #tpu.memory_space<hbm>> -> memref<323584xi32, #tpu.memory_space<hbm>>
    %dma_wait3A_563 = tpu.memref_slice %dma_wait3A_562[%add3A_547] : memref<323584xi32, #tpu.memory_space<hbm>> -> memref<128xi32, #tpu.memory_space<hbm>>
    tpu.wait_dma2 semaphore(%arg16 : memref<!tpu.dma_semaphore, #tpu.memory_space<semaphore_mem>>) src(%dma_wait3A_563 : memref<128xi32, #tpu.memory_space<hbm>>) dst(%dma_wait3A_559 : memref<128xi32, #tpu.memory_space<vmem>>)
    %dma_start3A_564 = arith.constant 3 : i32
    %dma_start3A_565 = arith.constant 128 : i32
    %dma_start3A_566 = arith.constant 0 : i32
    %dma_start3A_567 = tpu.memref_slice %arg7[%dma_start3A_565, %dma_start3A_566] : memref<256x128xf32, #tpu.memory_space<vmem>> -> memref<128x128xf32, #tpu.memory_space<vmem>>
    %dma_start3A_568 = arith.constant 0 : i32
    %dma_start3A_569 = tpu.memref_slice %arg6[%dma_start3A_564, %dma_start3A_568] : memref<4x128xi32, #tpu.memory_space<vmem>> -> memref<1x128xi32, #tpu.memory_space<vmem>>
    %dma_start3A_570 = tpu.memref_squeeze %dma_start3A_569 : memref<1x128xi32, #tpu.memory_space<vmem>> -> memref<128xi32, #tpu.memory_space<vmem>>
    %dma_start3A_571 = arith.constant 0 : i32
    %dma_start3A_572 = arith.constant 0 : i32
    %dma_start3A_573 = tpu.memref_slice %arg8[%dma_start3A_571, %dma_start3A_572] : memref<10240x128xf32, #tpu.memory_space<vmem_shared>> -> memref<10240x128xf32, #tpu.memory_space<vmem_shared>>
    tpu.enqueue_indirect_dma source(%dma_start3A_567 : memref<128x128xf32, #tpu.memory_space<vmem>>) target(%dma_start3A_573 : memref<10240x128xf32, #tpu.memory_space<vmem_shared>>) offsets(%dma_start3A_570 : memref<128xi32, #tpu.memory_space<vmem>>) semaphore(%arg20 : memref<!tpu.dma_semaphore, #tpu.memory_space<semaphore_mem>>) {add = true}
    %add3A_574 = arith.constant 9984 : i32
    %add3A_575 = arith.addi %mul3A_4, %add3A_574 : i32
    %dma_start3A_576 = arith.constant 0 : i32
    %dma_start3A_577 = arith.constant 2 : i32
    %dma_start3A_578 = arith.constant 0 : i32
    %dma_start3A_579 = tpu.memref_slice %arg5[%dma_start3A_577, %dma_start3A_578] : memref<4x128xi32, #tpu.memory_space<vmem>> -> memref<1x128xi32, #tpu.memory_space<vmem>>
    %dma_start3A_580 = tpu.memref_squeeze %dma_start3A_579 : memref<1x128xi32, #tpu.memory_space<vmem>> -> memref<128xi32, #tpu.memory_space<vmem>>
    %dma_start3A_581 = arith.constant 0 : i32
    %dma_start3A_582 = tpu.memref_slice %arg3[%dma_start3A_576, %dma_start3A_581] : memref<2x323584xi32, #tpu.memory_space<hbm>> -> memref<1x323584xi32, #tpu.memory_space<hbm>>
    %dma_start3A_583 = tpu.memref_squeeze %dma_start3A_582 : memref<1x323584xi32, #tpu.memory_space<hbm>> -> memref<323584xi32, #tpu.memory_space<hbm>>
    %dma_start3A_584 = tpu.memref_slice %dma_start3A_583[%add3A_575] : memref<323584xi32, #tpu.memory_space<hbm>> -> memref<128xi32, #tpu.memory_space<hbm>>
    %dma_start3A_585 = arith.constant 0 : i32
    %dma_start3A_586 = tpu.memref_slice %arg5[%dma_start3A_577, %dma_start3A_585] : memref<4x128xi32, #tpu.memory_space<vmem>> -> memref<1x128xi32, #tpu.memory_space<vmem>>
    %dma_start3A_587 = tpu.memref_squeeze %dma_start3A_586 : memref<1x128xi32, #tpu.memory_space<vmem>> -> memref<128xi32, #tpu.memory_space<vmem>>
    %dma_start3A_588 = arith.constant 0 : i32
    %dma_start3A_589 = tpu.memref_slice %arg3[%dma_start3A_576, %dma_start3A_588] : memref<2x323584xi32, #tpu.memory_space<hbm>> -> memref<1x323584xi32, #tpu.memory_space<hbm>>
    %dma_start3A_590 = tpu.memref_squeeze %dma_start3A_589 : memref<1x323584xi32, #tpu.memory_space<hbm>> -> memref<323584xi32, #tpu.memory_space<hbm>>
    %dma_start3A_591 = tpu.memref_slice %dma_start3A_590[%add3A_575] : memref<323584xi32, #tpu.memory_space<hbm>> -> memref<128xi32, #tpu.memory_space<hbm>>
    tpu.enqueue_dma source(%dma_start3A_591 : memref<128xi32, #tpu.memory_space<hbm>>) target(%dma_start3A_587 : memref<128xi32, #tpu.memory_space<vmem>>) target_semaphore(%arg11 : memref<!tpu.dma_semaphore, #tpu.memory_space<semaphore_mem>>)
    %add3A_592 = arith.constant 9984 : i32
    %add3A_593 = arith.addi %mul3A_4, %add3A_592 : i32
    %dma_start3A_594 = arith.constant 1 : i32
    %dma_start3A_595 = arith.constant 2 : i32
    %dma_start3A_596 = arith.constant 0 : i32
    %dma_start3A_597 = tpu.memref_slice %arg6[%dma_start3A_595, %dma_start3A_596] : memref<4x128xi32, #tpu.memory_space<vmem>> -> memref<1x128xi32, #tpu.memory_space<vmem>>
    %dma_start3A_598 = tpu.memref_squeeze %dma_start3A_597 : memref<1x128xi32, #tpu.memory_space<vmem>> -> memref<128xi32, #tpu.memory_space<vmem>>
    %dma_start3A_599 = arith.constant 0 : i32
    %dma_start3A_600 = tpu.memref_slice %arg3[%dma_start3A_594, %dma_start3A_599] : memref<2x323584xi32, #tpu.memory_space<hbm>> -> memref<1x323584xi32, #tpu.memory_space<hbm>>
    %dma_start3A_601 = tpu.memref_squeeze %dma_start3A_600 : memref<1x323584xi32, #tpu.memory_space<hbm>> -> memref<323584xi32, #tpu.memory_space<hbm>>
    %dma_start3A_602 = tpu.memref_slice %dma_start3A_601[%add3A_593] : memref<323584xi32, #tpu.memory_space<hbm>> -> memref<128xi32, #tpu.memory_space<hbm>>
    %dma_start3A_603 = arith.constant 0 : i32
    %dma_start3A_604 = tpu.memref_slice %arg6[%dma_start3A_595, %dma_start3A_603] : memref<4x128xi32, #tpu.memory_space<vmem>> -> memref<1x128xi32, #tpu.memory_space<vmem>>
    %dma_start3A_605 = tpu.memref_squeeze %dma_start3A_604 : memref<1x128xi32, #tpu.memory_space<vmem>> -> memref<128xi32, #tpu.memory_space<vmem>>
    %dma_start3A_606 = arith.constant 0 : i32
    %dma_start3A_607 = tpu.memref_slice %arg3[%dma_start3A_594, %dma_start3A_606] : memref<2x323584xi32, #tpu.memory_space<hbm>> -> memref<1x323584xi32, #tpu.memory_space<hbm>>
    %dma_start3A_608 = tpu.memref_squeeze %dma_start3A_607 : memref<1x323584xi32, #tpu.memory_space<hbm>> -> memref<323584xi32, #tpu.memory_space<hbm>>
    %dma_start3A_609 = tpu.memref_slice %dma_start3A_608[%add3A_593] : memref<323584xi32, #tpu.memory_space<hbm>> -> memref<128xi32, #tpu.memory_space<hbm>>
    tpu.enqueue_dma source(%dma_start3A_609 : memref<128xi32, #tpu.memory_space<hbm>>) target(%dma_start3A_605 : memref<128xi32, #tpu.memory_space<vmem>>) target_semaphore(%arg15 : memref<!tpu.dma_semaphore, #tpu.memory_space<semaphore_mem>>)
    %add3A_610 = arith.constant 9856 : i32
    %add3A_611 = arith.addi %mul3A_4, %add3A_610 : i32
    %dma_wait3A_612 = arith.constant 0 : i32
    %dma_wait3A_613 = arith.constant 1 : i32
    %dma_wait3A_614 = arith.constant 0 : i32
    %dma_wait3A_615 = tpu.memref_slice %arg5[%dma_wait3A_613, %dma_wait3A_614] : memref<4x128xi32, #tpu.memory_space<vmem>> -> memref<1x128xi32, #tpu.memory_space<vmem>>
    %dma_wait3A_616 = tpu.memref_squeeze %dma_wait3A_615 : memref<1x128xi32, #tpu.memory_space<vmem>> -> memref<128xi32, #tpu.memory_space<vmem>>
    %dma_wait3A_617 = arith.constant 0 : i32
    %dma_wait3A_618 = tpu.memref_slice %arg3[%dma_wait3A_612, %dma_wait3A_617] : memref<2x323584xi32, #tpu.memory_space<hbm>> -> memref<1x323584xi32, #tpu.memory_space<hbm>>
    %dma_wait3A_619 = tpu.memref_squeeze %dma_wait3A_618 : memref<1x323584xi32, #tpu.memory_space<hbm>> -> memref<323584xi32, #tpu.memory_space<hbm>>
    %dma_wait3A_620 = tpu.memref_slice %dma_wait3A_619[%add3A_611] : memref<323584xi32, #tpu.memory_space<hbm>> -> memref<128xi32, #tpu.memory_space<hbm>>
    %dma_wait3A_621 = arith.constant 0 : i32
    %dma_wait3A_622 = tpu.memref_slice %arg5[%dma_wait3A_613, %dma_wait3A_621] : memref<4x128xi32, #tpu.memory_space<vmem>> -> memref<1x128xi32, #tpu.memory_space<vmem>>
    %dma_wait3A_623 = tpu.memref_squeeze %dma_wait3A_622 : memref<1x128xi32, #tpu.memory_space<vmem>> -> memref<128xi32, #tpu.memory_space<vmem>>
    %dma_wait3A_624 = arith.constant 0 : i32
    %dma_wait3A_625 = tpu.memref_slice %arg3[%dma_wait3A_612, %dma_wait3A_624] : memref<2x323584xi32, #tpu.memory_space<hbm>> -> memref<1x323584xi32, #tpu.memory_space<hbm>>
    %dma_wait3A_626 = tpu.memref_squeeze %dma_wait3A_625 : memref<1x323584xi32, #tpu.memory_space<hbm>> -> memref<323584xi32, #tpu.memory_space<hbm>>
    %dma_wait3A_627 = tpu.memref_slice %dma_wait3A_626[%add3A_611] : memref<323584xi32, #tpu.memory_space<hbm>> -> memref<128xi32, #tpu.memory_space<hbm>>
    tpu.wait_dma2 semaphore(%arg10 : memref<!tpu.dma_semaphore, #tpu.memory_space<semaphore_mem>>) src(%dma_wait3A_627 : memref<128xi32, #tpu.memory_space<hbm>>) dst(%dma_wait3A_623 : memref<128xi32, #tpu.memory_space<vmem>>)
    %dma_wait3A_628 = arith.constant 3 : i32
    %dma_wait3A_629 = arith.constant 128 : i32
    %dma_wait3A_630 = arith.constant 0 : i32
    %dma_wait3A_631 = tpu.memref_slice %arg7[%dma_wait3A_629, %dma_wait3A_630] : memref<256x128xf32, #tpu.memory_space<vmem>> -> memref<128x128xf32, #tpu.memory_space<vmem>>
    %dma_wait3A_632 = arith.constant 0 : i32
    %dma_wait3A_633 = tpu.memref_slice %arg6[%dma_wait3A_628, %dma_wait3A_632] : memref<4x128xi32, #tpu.memory_space<vmem>> -> memref<1x128xi32, #tpu.memory_space<vmem>>
    %dma_wait3A_634 = tpu.memref_squeeze %dma_wait3A_633 : memref<1x128xi32, #tpu.memory_space<vmem>> -> memref<128xi32, #tpu.memory_space<vmem>>
    %dma_wait3A_635 = arith.constant 0 : i32
    %dma_wait3A_636 = arith.constant 0 : i32
    %dma_wait3A_637 = tpu.memref_slice %arg8[%dma_wait3A_635, %dma_wait3A_636] : memref<10240x128xf32, #tpu.memory_space<vmem_shared>> -> memref<10240x128xf32, #tpu.memory_space<vmem_shared>>
    tpu.wait_indirect_dma semaphore(%arg20 : memref<!tpu.dma_semaphore, #tpu.memory_space<semaphore_mem>>) src(%dma_wait3A_631 : memref<128x128xf32, #tpu.memory_space<vmem>>) dst(%dma_wait3A_637 : memref<10240x128xf32, #tpu.memory_space<vmem_shared>>)
    %dma_start3A_638 = arith.constant 1 : i32
    %dma_start3A_639 = arith.constant 128 : i32
    %dma_start3A_640 = arith.constant 0 : i32
    %dma_start3A_641 = tpu.memref_slice %arg7[%dma_start3A_639, %dma_start3A_640] : memref<256x128xf32, #tpu.memory_space<vmem>> -> memref<128x128xf32, #tpu.memory_space<vmem>>
    %dma_start3A_642 = arith.constant 0 : i32
    %dma_start3A_643 = tpu.memref_slice %arg5[%dma_start3A_638, %dma_start3A_642] : memref<4x128xi32, #tpu.memory_space<vmem>> -> memref<1x128xi32, #tpu.memory_space<vmem>>
    %dma_start3A_644 = tpu.memref_squeeze %dma_start3A_643 : memref<1x128xi32, #tpu.memory_space<vmem>> -> memref<128xi32, #tpu.memory_space<vmem>>
    %dma_start3A_645 = arith.constant 0 : i32
    %dma_start3A_646 = arith.constant 0 : i32
    %dma_start3A_647 = tpu.memref_slice %arg2[%dma_start3A_645, %dma_start3A_646] : memref<10000x128xf32, #tpu.memory_space<hbm>> -> memref<10000x128xf32, #tpu.memory_space<hbm>>
    tpu.enqueue_indirect_dma source(%dma_start3A_647 : memref<10000x128xf32, #tpu.memory_space<hbm>>) target(%dma_start3A_641 : memref<128x128xf32, #tpu.memory_space<vmem>>) offsets(%dma_start3A_644 : memref<128xi32, #tpu.memory_space<vmem>>) semaphore(%arg18 : memref<!tpu.dma_semaphore, #tpu.memory_space<semaphore_mem>>)
    %dma_wait3A_648 = arith.constant 0 : i32
    %dma_wait3A_649 = arith.constant 0 : i32
    %dma_wait3A_650 = arith.constant 0 : i32
    %dma_wait3A_651 = tpu.memref_slice %arg7[%dma_wait3A_649, %dma_wait3A_650] : memref<256x128xf32, #tpu.memory_space<vmem>> -> memref<128x128xf32, #tpu.memory_space<vmem>>
    %dma_wait3A_652 = arith.constant 0 : i32
    %dma_wait3A_653 = tpu.memref_slice %arg5[%dma_wait3A_648, %dma_wait3A_652] : memref<4x128xi32, #tpu.memory_space<vmem>> -> memref<1x128xi32, #tpu.memory_space<vmem>>
    %dma_wait3A_654 = tpu.memref_squeeze %dma_wait3A_653 : memref<1x128xi32, #tpu.memory_space<vmem>> -> memref<128xi32, #tpu.memory_space<vmem>>
    %dma_wait3A_655 = arith.constant 0 : i32
    %dma_wait3A_656 = arith.constant 0 : i32
    %dma_wait3A_657 = tpu.memref_slice %arg2[%dma_wait3A_655, %dma_wait3A_656] : memref<10000x128xf32, #tpu.memory_space<hbm>> -> memref<10000x128xf32, #tpu.memory_space<hbm>>
    tpu.wait_indirect_dma semaphore(%arg17 : memref<!tpu.dma_semaphore, #tpu.memory_space<semaphore_mem>>) src(%dma_wait3A_657 : memref<10000x128xf32, #tpu.memory_space<hbm>>) dst(%dma_wait3A_651 : memref<128x128xf32, #tpu.memory_space<vmem>>)
    %add3A_658 = arith.constant 9728 : i32
    %add3A_659 = arith.addi %mul3A_4, %add3A_658 : i32
    %dma_wait3A_660 = arith.constant 1 : i32
    %dma_wait3A_661 = arith.constant 0 : i32
    %dma_wait3A_662 = arith.constant 0 : i32
    %dma_wait3A_663 = tpu.memref_slice %arg6[%dma_wait3A_661, %dma_wait3A_662] : memref<4x128xi32, #tpu.memory_space<vmem>> -> memref<1x128xi32, #tpu.memory_space<vmem>>
    %dma_wait3A_664 = tpu.memref_squeeze %dma_wait3A_663 : memref<1x128xi32, #tpu.memory_space<vmem>> -> memref<128xi32, #tpu.memory_space<vmem>>
    %dma_wait3A_665 = arith.constant 0 : i32
    %dma_wait3A_666 = tpu.memref_slice %arg3[%dma_wait3A_660, %dma_wait3A_665] : memref<2x323584xi32, #tpu.memory_space<hbm>> -> memref<1x323584xi32, #tpu.memory_space<hbm>>
    %dma_wait3A_667 = tpu.memref_squeeze %dma_wait3A_666 : memref<1x323584xi32, #tpu.memory_space<hbm>> -> memref<323584xi32, #tpu.memory_space<hbm>>
    %dma_wait3A_668 = tpu.memref_slice %dma_wait3A_667[%add3A_659] : memref<323584xi32, #tpu.memory_space<hbm>> -> memref<128xi32, #tpu.memory_space<hbm>>
    %dma_wait3A_669 = arith.constant 0 : i32
    %dma_wait3A_670 = tpu.memref_slice %arg6[%dma_wait3A_661, %dma_wait3A_669] : memref<4x128xi32, #tpu.memory_space<vmem>> -> memref<1x128xi32, #tpu.memory_space<vmem>>
    %dma_wait3A_671 = tpu.memref_squeeze %dma_wait3A_670 : memref<1x128xi32, #tpu.memory_space<vmem>> -> memref<128xi32, #tpu.memory_space<vmem>>
    %dma_wait3A_672 = arith.constant 0 : i32
    %dma_wait3A_673 = tpu.memref_slice %arg3[%dma_wait3A_660, %dma_wait3A_672] : memref<2x323584xi32, #tpu.memory_space<hbm>> -> memref<1x323584xi32, #tpu.memory_space<hbm>>
    %dma_wait3A_674 = tpu.memref_squeeze %dma_wait3A_673 : memref<1x323584xi32, #tpu.memory_space<hbm>> -> memref<323584xi32, #tpu.memory_space<hbm>>
    %dma_wait3A_675 = tpu.memref_slice %dma_wait3A_674[%add3A_659] : memref<323584xi32, #tpu.memory_space<hbm>> -> memref<128xi32, #tpu.memory_space<hbm>>
    tpu.wait_dma2 semaphore(%arg13 : memref<!tpu.dma_semaphore, #tpu.memory_space<semaphore_mem>>) src(%dma_wait3A_675 : memref<128xi32, #tpu.memory_space<hbm>>) dst(%dma_wait3A_671 : memref<128xi32, #tpu.memory_space<vmem>>)
    %dma_start3A_676 = arith.constant 0 : i32
    %dma_start3A_677 = arith.constant 0 : i32
    %dma_start3A_678 = arith.constant 0 : i32
    %dma_start3A_679 = tpu.memref_slice %arg7[%dma_start3A_677, %dma_start3A_678] : memref<256x128xf32, #tpu.memory_space<vmem>> -> memref<128x128xf32, #tpu.memory_space<vmem>>
    %dma_start3A_680 = arith.constant 0 : i32
    %dma_start3A_681 = tpu.memref_slice %arg6[%dma_start3A_676, %dma_start3A_680] : memref<4x128xi32, #tpu.memory_space<vmem>> -> memref<1x128xi32, #tpu.memory_space<vmem>>
    %dma_start3A_682 = tpu.memref_squeeze %dma_start3A_681 : memref<1x128xi32, #tpu.memory_space<vmem>> -> memref<128xi32, #tpu.memory_space<vmem>>
    %dma_start3A_683 = arith.constant 0 : i32
    %dma_start3A_684 = arith.constant 0 : i32
    %dma_start3A_685 = tpu.memref_slice %arg8[%dma_start3A_683, %dma_start3A_684] : memref<10240x128xf32, #tpu.memory_space<vmem_shared>> -> memref<10240x128xf32, #tpu.memory_space<vmem_shared>>
    tpu.enqueue_indirect_dma source(%dma_start3A_679 : memref<128x128xf32, #tpu.memory_space<vmem>>) target(%dma_start3A_685 : memref<10240x128xf32, #tpu.memory_space<vmem_shared>>) offsets(%dma_start3A_682 : memref<128xi32, #tpu.memory_space<vmem>>) semaphore(%arg19 : memref<!tpu.dma_semaphore, #tpu.memory_space<semaphore_mem>>) {add = true}
    %add3A_686 = arith.constant 9984 : i32
    %add3A_687 = arith.addi %mul3A_4, %add3A_686 : i32
    %dma_wait3A_688 = arith.constant 0 : i32
    %dma_wait3A_689 = arith.constant 2 : i32
    %dma_wait3A_690 = arith.constant 0 : i32
    %dma_wait3A_691 = tpu.memref_slice %arg5[%dma_wait3A_689, %dma_wait3A_690] : memref<4x128xi32, #tpu.memory_space<vmem>> -> memref<1x128xi32, #tpu.memory_space<vmem>>
    %dma_wait3A_692 = tpu.memref_squeeze %dma_wait3A_691 : memref<1x128xi32, #tpu.memory_space<vmem>> -> memref<128xi32, #tpu.memory_space<vmem>>
    %dma_wait3A_693 = arith.constant 0 : i32
    %dma_wait3A_694 = tpu.memref_slice %arg3[%dma_wait3A_688, %dma_wait3A_693] : memref<2x323584xi32, #tpu.memory_space<hbm>> -> memref<1x323584xi32, #tpu.memory_space<hbm>>
    %dma_wait3A_695 = tpu.memref_squeeze %dma_wait3A_694 : memref<1x323584xi32, #tpu.memory_space<hbm>> -> memref<323584xi32, #tpu.memory_space<hbm>>
    %dma_wait3A_696 = tpu.memref_slice %dma_wait3A_695[%add3A_687] : memref<323584xi32, #tpu.memory_space<hbm>> -> memref<128xi32, #tpu.memory_space<hbm>>
    %dma_wait3A_697 = arith.constant 0 : i32
    %dma_wait3A_698 = tpu.memref_slice %arg5[%dma_wait3A_689, %dma_wait3A_697] : memref<4x128xi32, #tpu.memory_space<vmem>> -> memref<1x128xi32, #tpu.memory_space<vmem>>
    %dma_wait3A_699 = tpu.memref_squeeze %dma_wait3A_698 : memref<1x128xi32, #tpu.memory_space<vmem>> -> memref<128xi32, #tpu.memory_space<vmem>>
    %dma_wait3A_700 = arith.constant 0 : i32
    %dma_wait3A_701 = tpu.memref_slice %arg3[%dma_wait3A_688, %dma_wait3A_700] : memref<2x323584xi32, #tpu.memory_space<hbm>> -> memref<1x323584xi32, #tpu.memory_space<hbm>>
    %dma_wait3A_702 = tpu.memref_squeeze %dma_wait3A_701 : memref<1x323584xi32, #tpu.memory_space<hbm>> -> memref<323584xi32, #tpu.memory_space<hbm>>
    %dma_wait3A_703 = tpu.memref_slice %dma_wait3A_702[%add3A_687] : memref<323584xi32, #tpu.memory_space<hbm>> -> memref<128xi32, #tpu.memory_space<hbm>>
    tpu.wait_dma2 semaphore(%arg11 : memref<!tpu.dma_semaphore, #tpu.memory_space<semaphore_mem>>) src(%dma_wait3A_703 : memref<128xi32, #tpu.memory_space<hbm>>) dst(%dma_wait3A_699 : memref<128xi32, #tpu.memory_space<vmem>>)
    %dma_wait3A_704 = arith.constant 0 : i32
    %dma_wait3A_705 = arith.constant 0 : i32
    %dma_wait3A_706 = arith.constant 0 : i32
    %dma_wait3A_707 = tpu.memref_slice %arg7[%dma_wait3A_705, %dma_wait3A_706] : memref<256x128xf32, #tpu.memory_space<vmem>> -> memref<128x128xf32, #tpu.memory_space<vmem>>
    %dma_wait3A_708 = arith.constant 0 : i32
    %dma_wait3A_709 = tpu.memref_slice %arg6[%dma_wait3A_704, %dma_wait3A_708] : memref<4x128xi32, #tpu.memory_space<vmem>> -> memref<1x128xi32, #tpu.memory_space<vmem>>
    %dma_wait3A_710 = tpu.memref_squeeze %dma_wait3A_709 : memref<1x128xi32, #tpu.memory_space<vmem>> -> memref<128xi32, #tpu.memory_space<vmem>>
    %dma_wait3A_711 = arith.constant 0 : i32
    %dma_wait3A_712 = arith.constant 0 : i32
    %dma_wait3A_713 = tpu.memref_slice %arg8[%dma_wait3A_711, %dma_wait3A_712] : memref<10240x128xf32, #tpu.memory_space<vmem_shared>> -> memref<10240x128xf32, #tpu.memory_space<vmem_shared>>
    tpu.wait_indirect_dma semaphore(%arg19 : memref<!tpu.dma_semaphore, #tpu.memory_space<semaphore_mem>>) src(%dma_wait3A_707 : memref<128x128xf32, #tpu.memory_space<vmem>>) dst(%dma_wait3A_713 : memref<10240x128xf32, #tpu.memory_space<vmem_shared>>)
    %dma_start3A_714 = arith.constant 2 : i32
    %dma_start3A_715 = arith.constant 0 : i32
    %dma_start3A_716 = arith.constant 0 : i32
    %dma_start3A_717 = tpu.memref_slice %arg7[%dma_start3A_715, %dma_start3A_716] : memref<256x128xf32, #tpu.memory_space<vmem>> -> memref<128x128xf32, #tpu.memory_space<vmem>>
    %dma_start3A_718 = arith.constant 0 : i32
    %dma_start3A_719 = tpu.memref_slice %arg5[%dma_start3A_714, %dma_start3A_718] : memref<4x128xi32, #tpu.memory_space<vmem>> -> memref<1x128xi32, #tpu.memory_space<vmem>>
    %dma_start3A_720 = tpu.memref_squeeze %dma_start3A_719 : memref<1x128xi32, #tpu.memory_space<vmem>> -> memref<128xi32, #tpu.memory_space<vmem>>
    %dma_start3A_721 = arith.constant 0 : i32
    %dma_start3A_722 = arith.constant 0 : i32
    %dma_start3A_723 = tpu.memref_slice %arg2[%dma_start3A_721, %dma_start3A_722] : memref<10000x128xf32, #tpu.memory_space<hbm>> -> memref<10000x128xf32, #tpu.memory_space<hbm>>
    tpu.enqueue_indirect_dma source(%dma_start3A_723 : memref<10000x128xf32, #tpu.memory_space<hbm>>) target(%dma_start3A_717 : memref<128x128xf32, #tpu.memory_space<vmem>>) offsets(%dma_start3A_720 : memref<128xi32, #tpu.memory_space<vmem>>) semaphore(%arg17 : memref<!tpu.dma_semaphore, #tpu.memory_space<semaphore_mem>>)
    %dma_wait3A_724 = arith.constant 1 : i32
    %dma_wait3A_725 = arith.constant 128 : i32
    %dma_wait3A_726 = arith.constant 0 : i32
    %dma_wait3A_727 = tpu.memref_slice %arg7[%dma_wait3A_725, %dma_wait3A_726] : memref<256x128xf32, #tpu.memory_space<vmem>> -> memref<128x128xf32, #tpu.memory_space<vmem>>
    %dma_wait3A_728 = arith.constant 0 : i32
    %dma_wait3A_729 = tpu.memref_slice %arg5[%dma_wait3A_724, %dma_wait3A_728] : memref<4x128xi32, #tpu.memory_space<vmem>> -> memref<1x128xi32, #tpu.memory_space<vmem>>
    %dma_wait3A_730 = tpu.memref_squeeze %dma_wait3A_729 : memref<1x128xi32, #tpu.memory_space<vmem>> -> memref<128xi32, #tpu.memory_space<vmem>>
    %dma_wait3A_731 = arith.constant 0 : i32
    %dma_wait3A_732 = arith.constant 0 : i32
    %dma_wait3A_733 = tpu.memref_slice %arg2[%dma_wait3A_731, %dma_wait3A_732] : memref<10000x128xf32, #tpu.memory_space<hbm>> -> memref<10000x128xf32, #tpu.memory_space<hbm>>
    tpu.wait_indirect_dma semaphore(%arg18 : memref<!tpu.dma_semaphore, #tpu.memory_space<semaphore_mem>>) src(%dma_wait3A_733 : memref<10000x128xf32, #tpu.memory_space<hbm>>) dst(%dma_wait3A_727 : memref<128x128xf32, #tpu.memory_space<vmem>>)
    %add3A_734 = arith.constant 9856 : i32
    %add3A_735 = arith.addi %mul3A_4, %add3A_734 : i32
    %dma_wait3A_736 = arith.constant 1 : i32
    %dma_wait3A_737 = arith.constant 1 : i32
    %dma_wait3A_738 = arith.constant 0 : i32
    %dma_wait3A_739 = tpu.memref_slice %arg6[%dma_wait3A_737, %dma_wait3A_738] : memref<4x128xi32, #tpu.memory_space<vmem>> -> memref<1x128xi32, #tpu.memory_space<vmem>>
    %dma_wait3A_740 = tpu.memref_squeeze %dma_wait3A_739 : memref<1x128xi32, #tpu.memory_space<vmem>> -> memref<128xi32, #tpu.memory_space<vmem>>
    %dma_wait3A_741 = arith.constant 0 : i32
    %dma_wait3A_742 = tpu.memref_slice %arg3[%dma_wait3A_736, %dma_wait3A_741] : memref<2x323584xi32, #tpu.memory_space<hbm>> -> memref<1x323584xi32, #tpu.memory_space<hbm>>
    %dma_wait3A_743 = tpu.memref_squeeze %dma_wait3A_742 : memref<1x323584xi32, #tpu.memory_space<hbm>> -> memref<323584xi32, #tpu.memory_space<hbm>>
    %dma_wait3A_744 = tpu.memref_slice %dma_wait3A_743[%add3A_735] : memref<323584xi32, #tpu.memory_space<hbm>> -> memref<128xi32, #tpu.memory_space<hbm>>
    %dma_wait3A_745 = arith.constant 0 : i32
    %dma_wait3A_746 = tpu.memref_slice %arg6[%dma_wait3A_737, %dma_wait3A_745] : memref<4x128xi32, #tpu.memory_space<vmem>> -> memref<1x128xi32, #tpu.memory_space<vmem>>
    %dma_wait3A_747 = tpu.memref_squeeze %dma_wait3A_746 : memref<1x128xi32, #tpu.memory_space<vmem>> -> memref<128xi32, #tpu.memory_space<vmem>>
    %dma_wait3A_748 = arith.constant 0 : i32
    %dma_wait3A_749 = tpu.memref_slice %arg3[%dma_wait3A_736, %dma_wait3A_748] : memref<2x323584xi32, #tpu.memory_space<hbm>> -> memref<1x323584xi32, #tpu.memory_space<hbm>>
    %dma_wait3A_750 = tpu.memref_squeeze %dma_wait3A_749 : memref<1x323584xi32, #tpu.memory_space<hbm>> -> memref<323584xi32, #tpu.memory_space<hbm>>
    %dma_wait3A_751 = tpu.memref_slice %dma_wait3A_750[%add3A_735] : memref<323584xi32, #tpu.memory_space<hbm>> -> memref<128xi32, #tpu.memory_space<hbm>>
    tpu.wait_dma2 semaphore(%arg14 : memref<!tpu.dma_semaphore, #tpu.memory_space<semaphore_mem>>) src(%dma_wait3A_751 : memref<128xi32, #tpu.memory_space<hbm>>) dst(%dma_wait3A_747 : memref<128xi32, #tpu.memory_space<vmem>>)
    %dma_start3A_752 = arith.constant 1 : i32
    %dma_start3A_753 = arith.constant 128 : i32
    %dma_start3A_754 = arith.constant 0 : i32
    %dma_start3A_755 = tpu.memref_slice %arg7[%dma_start3A_753, %dma_start3A_754] : memref<256x128xf32, #tpu.memory_space<vmem>> -> memref<128x128xf32, #tpu.memory_space<vmem>>
    %dma_start3A_756 = arith.constant 0 : i32
    %dma_start3A_757 = tpu.memref_slice %arg6[%dma_start3A_752, %dma_start3A_756] : memref<4x128xi32, #tpu.memory_space<vmem>> -> memref<1x128xi32, #tpu.memory_space<vmem>>
    %dma_start3A_758 = tpu.memref_squeeze %dma_start3A_757 : memref<1x128xi32, #tpu.memory_space<vmem>> -> memref<128xi32, #tpu.memory_space<vmem>>
    %dma_start3A_759 = arith.constant 0 : i32
    %dma_start3A_760 = arith.constant 0 : i32
    %dma_start3A_761 = tpu.memref_slice %arg8[%dma_start3A_759, %dma_start3A_760] : memref<10240x128xf32, #tpu.memory_space<vmem_shared>> -> memref<10240x128xf32, #tpu.memory_space<vmem_shared>>
    tpu.enqueue_indirect_dma source(%dma_start3A_755 : memref<128x128xf32, #tpu.memory_space<vmem>>) target(%dma_start3A_761 : memref<10240x128xf32, #tpu.memory_space<vmem_shared>>) offsets(%dma_start3A_758 : memref<128xi32, #tpu.memory_space<vmem>>) semaphore(%arg20 : memref<!tpu.dma_semaphore, #tpu.memory_space<semaphore_mem>>) {add = true}
    %dma_wait3A_762 = arith.constant 1 : i32
    %dma_wait3A_763 = arith.constant 128 : i32
    %dma_wait3A_764 = arith.constant 0 : i32
    %dma_wait3A_765 = tpu.memref_slice %arg7[%dma_wait3A_763, %dma_wait3A_764] : memref<256x128xf32, #tpu.memory_space<vmem>> -> memref<128x128xf32, #tpu.memory_space<vmem>>
    %dma_wait3A_766 = arith.constant 0 : i32
    %dma_wait3A_767 = tpu.memref_slice %arg6[%dma_wait3A_762, %dma_wait3A_766] : memref<4x128xi32, #tpu.memory_space<vmem>> -> memref<1x128xi32, #tpu.memory_space<vmem>>
    %dma_wait3A_768 = tpu.memref_squeeze %dma_wait3A_767 : memref<1x128xi32, #tpu.memory_space<vmem>> -> memref<128xi32, #tpu.memory_space<vmem>>
    %dma_wait3A_769 = arith.constant 0 : i32
    %dma_wait3A_770 = arith.constant 0 : i32
    %dma_wait3A_771 = tpu.memref_slice %arg8[%dma_wait3A_769, %dma_wait3A_770] : memref<10240x128xf32, #tpu.memory_space<vmem_shared>> -> memref<10240x128xf32, #tpu.memory_space<vmem_shared>>
    tpu.wait_indirect_dma semaphore(%arg20 : memref<!tpu.dma_semaphore, #tpu.memory_space<semaphore_mem>>) src(%dma_wait3A_765 : memref<128x128xf32, #tpu.memory_space<vmem>>) dst(%dma_wait3A_771 : memref<10240x128xf32, #tpu.memory_space<vmem_shared>>)
    %dma_wait3A_772 = arith.constant 2 : i32
    %dma_wait3A_773 = arith.constant 0 : i32
    %dma_wait3A_774 = arith.constant 0 : i32
    %dma_wait3A_775 = tpu.memref_slice %arg7[%dma_wait3A_773, %dma_wait3A_774] : memref<256x128xf32, #tpu.memory_space<vmem>> -> memref<128x128xf32, #tpu.memory_space<vmem>>
    %dma_wait3A_776 = arith.constant 0 : i32
    %dma_wait3A_777 = tpu.memref_slice %arg5[%dma_wait3A_772, %dma_wait3A_776] : memref<4x128xi32, #tpu.memory_space<vmem>> -> memref<1x128xi32, #tpu.memory_space<vmem>>
    %dma_wait3A_778 = tpu.memref_squeeze %dma_wait3A_777 : memref<1x128xi32, #tpu.memory_space<vmem>> -> memref<128xi32, #tpu.memory_space<vmem>>
    %dma_wait3A_779 = arith.constant 0 : i32
    %dma_wait3A_780 = arith.constant 0 : i32
    %dma_wait3A_781 = tpu.memref_slice %arg2[%dma_wait3A_779, %dma_wait3A_780] : memref<10000x128xf32, #tpu.memory_space<hbm>> -> memref<10000x128xf32, #tpu.memory_space<hbm>>
    tpu.wait_indirect_dma semaphore(%arg17 : memref<!tpu.dma_semaphore, #tpu.memory_space<semaphore_mem>>) src(%dma_wait3A_781 : memref<10000x128xf32, #tpu.memory_space<hbm>>) dst(%dma_wait3A_775 : memref<128x128xf32, #tpu.memory_space<vmem>>)
    %add3A_782 = arith.constant 9984 : i32
    %add3A_783 = arith.addi %mul3A_4, %add3A_782 : i32
    %dma_wait3A_784 = arith.constant 1 : i32
    %dma_wait3A_785 = arith.constant 2 : i32
    %dma_wait3A_786 = arith.constant 0 : i32
    %dma_wait3A_787 = tpu.memref_slice %arg6[%dma_wait3A_785, %dma_wait3A_786] : memref<4x128xi32, #tpu.memory_space<vmem>> -> memref<1x128xi32, #tpu.memory_space<vmem>>
    %dma_wait3A_788 = tpu.memref_squeeze %dma_wait3A_787 : memref<1x128xi32, #tpu.memory_space<vmem>> -> memref<128xi32, #tpu.memory_space<vmem>>
    %dma_wait3A_789 = arith.constant 0 : i32
    %dma_wait3A_790 = tpu.memref_slice %arg3[%dma_wait3A_784, %dma_wait3A_789] : memref<2x323584xi32, #tpu.memory_space<hbm>> -> memref<1x323584xi32, #tpu.memory_space<hbm>>
    %dma_wait3A_791 = tpu.memref_squeeze %dma_wait3A_790 : memref<1x323584xi32, #tpu.memory_space<hbm>> -> memref<323584xi32, #tpu.memory_space<hbm>>
    %dma_wait3A_792 = tpu.memref_slice %dma_wait3A_791[%add3A_783] : memref<323584xi32, #tpu.memory_space<hbm>> -> memref<128xi32, #tpu.memory_space<hbm>>
    %dma_wait3A_793 = arith.constant 0 : i32
    %dma_wait3A_794 = tpu.memref_slice %arg6[%dma_wait3A_785, %dma_wait3A_793] : memref<4x128xi32, #tpu.memory_space<vmem>> -> memref<1x128xi32, #tpu.memory_space<vmem>>
    %dma_wait3A_795 = tpu.memref_squeeze %dma_wait3A_794 : memref<1x128xi32, #tpu.memory_space<vmem>> -> memref<128xi32, #tpu.memory_space<vmem>>
    %dma_wait3A_796 = arith.constant 0 : i32
    %dma_wait3A_797 = tpu.memref_slice %arg3[%dma_wait3A_784, %dma_wait3A_796] : memref<2x323584xi32, #tpu.memory_space<hbm>> -> memref<1x323584xi32, #tpu.memory_space<hbm>>
    %dma_wait3A_798 = tpu.memref_squeeze %dma_wait3A_797 : memref<1x323584xi32, #tpu.memory_space<hbm>> -> memref<323584xi32, #tpu.memory_space<hbm>>
    %dma_wait3A_799 = tpu.memref_slice %dma_wait3A_798[%add3A_783] : memref<323584xi32, #tpu.memory_space<hbm>> -> memref<128xi32, #tpu.memory_space<hbm>>
    tpu.wait_dma2 semaphore(%arg15 : memref<!tpu.dma_semaphore, #tpu.memory_space<semaphore_mem>>) src(%dma_wait3A_799 : memref<128xi32, #tpu.memory_space<hbm>>) dst(%dma_wait3A_795 : memref<128xi32, #tpu.memory_space<vmem>>)
    %dma_start3A_800 = arith.constant 2 : i32
    %dma_start3A_801 = arith.constant 0 : i32
    %dma_start3A_802 = arith.constant 0 : i32
    %dma_start3A_803 = tpu.memref_slice %arg7[%dma_start3A_801, %dma_start3A_802] : memref<256x128xf32, #tpu.memory_space<vmem>> -> memref<128x128xf32, #tpu.memory_space<vmem>>
    %dma_start3A_804 = arith.constant 0 : i32
    %dma_start3A_805 = tpu.memref_slice %arg6[%dma_start3A_800, %dma_start3A_804] : memref<4x128xi32, #tpu.memory_space<vmem>> -> memref<1x128xi32, #tpu.memory_space<vmem>>
    %dma_start3A_806 = tpu.memref_squeeze %dma_start3A_805 : memref<1x128xi32, #tpu.memory_space<vmem>> -> memref<128xi32, #tpu.memory_space<vmem>>
    %dma_start3A_807 = arith.constant 0 : i32
    %dma_start3A_808 = arith.constant 0 : i32
    %dma_start3A_809 = tpu.memref_slice %arg8[%dma_start3A_807, %dma_start3A_808] : memref<10240x128xf32, #tpu.memory_space<vmem_shared>> -> memref<10240x128xf32, #tpu.memory_space<vmem_shared>>
    tpu.enqueue_indirect_dma source(%dma_start3A_803 : memref<128x128xf32, #tpu.memory_space<vmem>>) target(%dma_start3A_809 : memref<10240x128xf32, #tpu.memory_space<vmem_shared>>) offsets(%dma_start3A_806 : memref<128xi32, #tpu.memory_space<vmem>>) semaphore(%arg19 : memref<!tpu.dma_semaphore, #tpu.memory_space<semaphore_mem>>) {add = true}
    %dma_wait3A_810 = arith.constant 2 : i32
    %dma_wait3A_811 = arith.constant 0 : i32
    %dma_wait3A_812 = arith.constant 0 : i32
    %dma_wait3A_813 = tpu.memref_slice %arg7[%dma_wait3A_811, %dma_wait3A_812] : memref<256x128xf32, #tpu.memory_space<vmem>> -> memref<128x128xf32, #tpu.memory_space<vmem>>
    %dma_wait3A_814 = arith.constant 0 : i32
    %dma_wait3A_815 = tpu.memref_slice %arg6[%dma_wait3A_810, %dma_wait3A_814] : memref<4x128xi32, #tpu.memory_space<vmem>> -> memref<1x128xi32, #tpu.memory_space<vmem>>
    %dma_wait3A_816 = tpu.memref_squeeze %dma_wait3A_815 : memref<1x128xi32, #tpu.memory_space<vmem>> -> memref<128xi32, #tpu.memory_space<vmem>>
    %dma_wait3A_817 = arith.constant 0 : i32
    %dma_wait3A_818 = arith.constant 0 : i32
    %dma_wait3A_819 = tpu.memref_slice %arg8[%dma_wait3A_817, %dma_wait3A_818] : memref<10240x128xf32, #tpu.memory_space<vmem_shared>> -> memref<10240x128xf32, #tpu.memory_space<vmem_shared>>
    tpu.wait_indirect_dma semaphore(%arg19 : memref<!tpu.dma_semaphore, #tpu.memory_space<semaphore_mem>>) src(%dma_wait3A_813 : memref<128x128xf32, #tpu.memory_space<vmem>>) dst(%dma_wait3A_819 : memref<10240x128xf32, #tpu.memory_space<vmem_shared>>)
    %barrier3A_820 = arith.constant 0 : index
    tpu.barrier barrier_id(%barrier3A_820)
    %mul3A_821 = arith.constant 640 : i32
    %mul3A_822 = arith.muli %arg1, %mul3A_821 : i32
    %mul3A_823 = arith.constant 640 : i32
    %mul3A_824 = arith.muli %arg1, %mul3A_823 : i32
    "tpu.region"() ({
      %run_scoped3A = tpu.sem_alloc : memref<!tpu.dma_semaphore, #tpu.memory_space<semaphore_mem>>
      %dma_start3A_825 = arith.constant 0 : i32
      %dma_start3A_826 = arith.constant 0 : i32
      %dma_start3A_827 = tpu.memref_slice %arg4[%arg0, %dma_start3A_825, %dma_start3A_826] : memref<2x10240x128xf32, #tpu.memory_space<hbm>> -> memref<1x10240x128xf32, #tpu.memory_space<hbm>>
      %dma_start3A_828 = tpu.memref_squeeze %dma_start3A_827 : memref<1x10240x128xf32, #tpu.memory_space<hbm>> -> memref<10240x128xf32, #tpu.memory_space<hbm>>
      %dma_start3A_829 = arith.constant 0 : i32
      %dma_start3A_830 = tpu.memref_slice %dma_start3A_828[%mul3A_824, %dma_start3A_829] : memref<10240x128xf32, #tpu.memory_space<hbm>> -> memref<640x128xf32, #tpu.memory_space<hbm>>
      %dma_start3A_831 = arith.constant 0 : i32
      %dma_start3A_832 = tpu.memref_slice %arg8[%mul3A_822, %dma_start3A_831] : memref<10240x128xf32, #tpu.memory_space<vmem_shared>> -> memref<640x128xf32, #tpu.memory_space<vmem_shared>>
      tpu.enqueue_dma source(%dma_start3A_832 : memref<640x128xf32, #tpu.memory_space<vmem_shared>>) target(%dma_start3A_830 : memref<640x128xf32, #tpu.memory_space<hbm>>) target_semaphore(%run_scoped3A : memref<!tpu.dma_semaphore, #tpu.memory_space<semaphore_mem>>)
      %dma_wait3A_833 = arith.constant 0 : i32
      %dma_wait3A_834 = arith.constant 0 : i32
      %dma_wait3A_835 = tpu.memref_slice %arg4[%arg0, %dma_wait3A_833, %dma_wait3A_834] : memref<2x10240x128xf32, #tpu.memory_space<hbm>> -> memref<1x10240x128xf32, #tpu.memory_space<hbm>>
      %dma_wait3A_836 = tpu.memref_squeeze %dma_wait3A_835 : memref<1x10240x128xf32, #tpu.memory_space<hbm>> -> memref<10240x128xf32, #tpu.memory_space<hbm>>
      %dma_wait3A_837 = arith.constant 0 : i32
      %dma_wait3A_838 = tpu.memref_slice %dma_wait3A_836[%mul3A_824, %dma_wait3A_837] : memref<10240x128xf32, #tpu.memory_space<hbm>> -> memref<640x128xf32, #tpu.memory_space<hbm>>
      %dma_wait3A_839 = arith.constant 0 : i32
      %dma_wait3A_840 = tpu.memref_slice %arg8[%mul3A_822, %dma_wait3A_839] : memref<10240x128xf32, #tpu.memory_space<vmem_shared>> -> memref<640x128xf32, #tpu.memory_space<vmem_shared>>
      tpu.wait_dma2 semaphore(%run_scoped3A : memref<!tpu.dma_semaphore, #tpu.memory_space<semaphore_mem>>) src(%dma_wait3A_840 : memref<640x128xf32, #tpu.memory_space<vmem_shared>>) dst(%dma_wait3A_838 : memref<640x128xf32, #tpu.memory_space<hbm>>)
      tpu.yield
    }) : () -> ()
    return
  }
}

module attributes {stable_mosaic.version = 14 : i64} {
  func.func @_matmul_body(%arg0: i32, %arg1: memref<1000x128xf32, #tpu.memory_space<vmem>>, %arg2: memref<128x128xf32, #tpu.memory_space<vmem>>, %arg3: memref<1000x128xf32, #tpu.memory_space<vmem>>) attributes {dimension_semantics = [#tpu.dimension_semantics<arbitrary>], iteration_bounds = array<i64: 10>, scalar_prefetch = 0 : i64, scratch_operands = 0 : i64, tpu.core_type = #tpu.core_type<tc>, window_params = [{transform_indices = @transform_0, window_bounds = array<i64: 1000, 128>}, {pipeline_mode = #tpu.pipeline_mode<synchronous>, transform_indices = @transform_1, window_bounds = array<i64: 128, 128>}, {transform_indices = @transform_2, window_bounds = array<i64: 1000, 128>}]} {
    %get3A = arith.constant 0 : index
    %get3A_0 = arith.constant 0 : index
    %get3A_1 = vector.load %arg1[%get3A, %get3A_0] : memref<1000x128xf32, #tpu.memory_space<vmem>>, vector<1000x128xf32>
    %get3A_2 = arith.constant 0 : index
    %get3A_3 = arith.constant 0 : index
    %get3A_4 = vector.load %arg2[%get3A_2, %get3A_3] : memref<128x128xf32, #tpu.memory_space<vmem>>, vector<128x128xf32>
    %dot_general3A = arith.constant dense<0.000000e+00> : vector<1000x128xf32>
    %dot_general3A_5 = tpu.matmul %get3A_1, %get3A_4, %dot_general3A {dimension_numbers = #tpu.dot_dimension_numbers<[1], [0], [0], [1], [0, 0, 1, 1], [], []>, transpose_lhs_hint = false} : vector<1000x128xf32>, vector<128x128xf32>, vector<1000x128xf32> -> vector<1000x128xf32>
    %swap3A = arith.constant 0 : index
    %swap3A_6 = arith.constant 0 : index
    %swap3A_7 = vector.load %arg3[%swap3A, %swap3A_6] : memref<1000x128xf32, #tpu.memory_space<vmem>>, vector<1000x128xf32>
    tpu.vector_store %arg3[%swap3A, %swap3A_6], %dot_general3A_5 {strides = array<i32>} : memref<1000x128xf32, #tpu.memory_space<vmem>>, vector<1000x128xf32>,
    return
  }
  func.func @transform_0(%arg0: i32) -> (i32, i32) {
    %c0_i32 = arith.constant 0 : i32
    %c0_i32_0 = arith.constant 0 : i32
    return %arg0, %c0_i32 : i32, i32
  }
  func.func @transform_1(%arg0: i32) -> (i32, i32) {
    %c0_i32 = arith.constant 0 : i32
    %c0_i32_0 = arith.constant 0 : i32
    %c0_i32_1 = arith.constant 0 : i32
    return %c0_i32, %c0_i32_0 : i32, i32
  }
  func.func @transform_2(%arg0: i32) -> (i32, i32) {
    %c0_i32 = arith.constant 0 : i32
    %c0_i32_0 = arith.constant 0 : i32
    return %arg0, %c0_i32 : i32, i32
  }
}

module attributes {stable_mosaic.version = 14 : i64} {
  func.func @_prep_body(%arg0: i32, %arg1: memref<1000x128xf32, #tpu.memory_space<vmem>>, %arg2: memref<1000x2xf32, #tpu.memory_space<vmem>>, %arg3: memref<1000x128xf32, #tpu.memory_space<vmem>>, %arg4: memref<1000x1xf32, #tpu.memory_space<vmem>>) attributes {dimension_semantics = [#tpu.dimension_semantics<arbitrary>], iteration_bounds = array<i64: 10>, scalar_prefetch = 0 : i64, scratch_operands = 0 : i64, tpu.core_type = #tpu.core_type<tc>, window_params = [{transform_indices = @transform_0, window_bounds = array<i64: 1000, 128>}, {transform_indices = @transform_1, window_bounds = array<i64: 1000, 2>}, {transform_indices = @transform_2, window_bounds = array<i64: 1000, 128>}, {transform_indices = @transform_3, window_bounds = array<i64: 1000, 1>}]} {
    %get3A = arith.constant 0 : index
    %get3A_0 = arith.constant 0 : index
    %get3A_1 = vector.load %arg2[%get3A, %get3A_0] : memref<1000x2xf32, #tpu.memory_space<vmem>>, vector<1000x2xf32>
    %slice3A = vector.extract_strided_slice %get3A_1 {offsets = [0, 0], sizes = [1000, 1], strides = [1, 1]} : vector<1000x2xf32> to vector<1000x1xf32>
    %slice3A_2 = vector.extract_strided_slice %get3A_1 {offsets = [0, 1], sizes = [1000, 1], strides = [1, 1]} : vector<1000x2xf32> to vector<1000x1xf32>
    %add3A = arith.addf %slice3A, %slice3A_2 : vector<1000x1xf32>
    %add3A_3 = arith.constant 1.000000e+00 : f32
    %add3A_4 = vector.broadcast %add3A_3 : f32 to vector<1000x1xf32>
    %add3A_5 = arith.addf %add3A, %add3A_4 : vector<1000x1xf32>
    %rsqrt3A = math.rsqrt %add3A_5 : vector<1000x1xf32>
    %get3A_6 = arith.constant 0 : index
    %get3A_7 = arith.constant 0 : index
    %get3A_8 = vector.load %arg1[%get3A_6, %get3A_7] : memref<1000x128xf32, #tpu.memory_space<vmem>>, vector<1000x128xf32>
    %mul3A = vector.broadcast %rsqrt3A : vector<1000x1xf32> to vector<1000x128xf32>
    %mul3A_9 = arith.mulf %get3A_8, %mul3A : vector<1000x128xf32>
    %swap3A = arith.constant 0 : index
    %swap3A_10 = arith.constant 0 : index
    %swap3A_11 = vector.load %arg3[%swap3A, %swap3A_10] : memref<1000x128xf32, #tpu.memory_space<vmem>>, vector<1000x128xf32>
    tpu.vector_store %arg3[%swap3A, %swap3A_10], %mul3A_9 {strides = array<i32>} : memref<1000x128xf32, #tpu.memory_space<vmem>>, vector<1000x128xf32>,
    %swap3A_12 = arith.constant 0 : index
    %swap3A_13 = arith.constant 0 : index
    %swap3A_14 = vector.load %arg4[%swap3A_12, %swap3A_13] : memref<1000x1xf32, #tpu.memory_space<vmem>>, vector<1000x1xf32>
    tpu.vector_store %arg4[%swap3A_12, %swap3A_13], %rsqrt3A {strides = array<i32>} : memref<1000x1xf32, #tpu.memory_space<vmem>>, vector<1000x1xf32>,
    return
  }
  func.func @transform_0(%arg0: i32) -> (i32, i32) {
    %c0_i32 = arith.constant 0 : i32
    %c0_i32_0 = arith.constant 0 : i32
    return %arg0, %c0_i32 : i32, i32
  }
  func.func @transform_1(%arg0: i32) -> (i32, i32) {
    %c0_i32 = arith.constant 0 : i32
    %c0_i32_0 = arith.constant 0 : i32
    return %arg0, %c0_i32 : i32, i32
  }
  func.func @transform_2(%arg0: i32) -> (i32, i32) {
    %c0_i32 = arith.constant 0 : i32
    %c0_i32_0 = arith.constant 0 : i32
    return %arg0, %c0_i32 : i32, i32
  }
  func.func @transform_3(%arg0: i32) -> (i32, i32) {
    %c0_i32 = arith.constant 0 : i32
    %c0_i32_0 = arith.constant 0 : i32
    return %arg0, %c0_i32 : i32, i32
  }
}

module attributes {stable_mosaic.version = 14 : i64} {
  func.func @_final_body(%arg0: i32, %arg1: memref<2x1000x128xf32, #tpu.memory_space<vmem>>, %arg2: memref<1000x128xf32, #tpu.memory_space<vmem>>, %arg3: memref<1000x1xf32, #tpu.memory_space<vmem>>, %arg4: memref<1x128xf32, #tpu.memory_space<vmem>>, %arg5: memref<1000x128xf32, #tpu.memory_space<vmem>>) attributes {dimension_semantics = [#tpu.dimension_semantics<arbitrary>], iteration_bounds = array<i64: 10>, scalar_prefetch = 0 : i64, scratch_operands = 0 : i64, tpu.core_type = #tpu.core_type<tc>, window_params = [{transform_indices = @transform_0, window_bounds = array<i64: 2, 1000, 128>}, {transform_indices = @transform_1, window_bounds = array<i64: 1000, 128>}, {transform_indices = @transform_2, window_bounds = array<i64: 1000, 1>}, {pipeline_mode = #tpu.pipeline_mode<synchronous>, transform_indices = @transform_3, window_bounds = array<i64: 1, 128>}, {transform_indices = @transform_4, window_bounds = array<i64: 1000, 128>}]} {
    %get3A = arith.constant 0 : index
    %get3A_0 = arith.constant 0 : index
    %get3A_1 = arith.constant 0 : index
    %get3A_2 = vector.load %arg1[%get3A, %get3A_0, %get3A_1] : memref<2x1000x128xf32, #tpu.memory_space<vmem>>, vector<1x1000x128xf32>
    %get3A_3 = vector.shape_cast %get3A_2 : vector<1x1000x128xf32> to vector<1000x128xf32>
    %get3A_4 = arith.constant 1 : index
    %get3A_5 = arith.constant 0 : index
    %get3A_6 = arith.constant 0 : index
    %get3A_7 = vector.load %arg1[%get3A_4, %get3A_5, %get3A_6] : memref<2x1000x128xf32, #tpu.memory_space<vmem>>, vector<1x1000x128xf32>
    %get3A_8 = vector.shape_cast %get3A_7 : vector<1x1000x128xf32> to vector<1000x128xf32>
    %add3A = arith.addf %get3A_3, %get3A_8 : vector<1000x128xf32>
    %get3A_9 = arith.constant 0 : index
    %get3A_10 = arith.constant 0 : index
    %get3A_11 = vector.load %arg2[%get3A_9, %get3A_10] : memref<1000x128xf32, #tpu.memory_space<vmem>>, vector<1000x128xf32>
    %add3A_12 = arith.addf %add3A, %get3A_11 : vector<1000x128xf32>
    %get3A_13 = arith.constant 0 : index
    %get3A_14 = arith.constant 0 : index
    %get3A_15 = vector.load %arg3[%get3A_13, %get3A_14] : memref<1000x1xf32, #tpu.memory_space<vmem>>, vector<1000x1xf32>
    %mul3A = vector.broadcast %get3A_15 : vector<1000x1xf32> to vector<1000x128xf32>
    %mul3A_16 = arith.mulf %add3A_12, %mul3A : vector<1000x128xf32>
    %get3A_17 = arith.constant 0 : index
    %get3A_18 = arith.constant 0 : index
    %get3A_19 = vector.load %arg4[%get3A_17, %get3A_18] : memref<1x128xf32, #tpu.memory_space<vmem>>, vector<1x128xf32>
    %add3A_20 = vector.broadcast %get3A_19 : vector<1x128xf32> to vector<1000x128xf32>
    %add3A_21 = arith.addf %mul3A_16, %add3A_20 : vector<1000x128xf32>
    %swap3A = arith.constant 0 : index
    %swap3A_22 = arith.constant 0 : index
    %swap3A_23 = vector.load %arg5[%swap3A, %swap3A_22] : memref<1000x128xf32, #tpu.memory_space<vmem>>, vector<1000x128xf32>
    tpu.vector_store %arg5[%swap3A, %swap3A_22], %add3A_21 {strides = array<i32>} : memref<1000x128xf32, #tpu.memory_space<vmem>>, vector<1000x128xf32>,
    return
  }
  func.func @transform_0(%arg0: i32) -> (i32, i32, i32) {
    %c0_i32 = arith.constant 0 : i32
    %c0_i32_0 = arith.constant 0 : i32
    %c0_i32_1 = arith.constant 0 : i32
    return %c0_i32, %arg0, %c0_i32_0 : i32, i32, i32
  }
  func.func @transform_1(%arg0: i32) -> (i32, i32) {
    %c0_i32 = arith.constant 0 : i32
    %c0_i32_0 = arith.constant 0 : i32
    return %arg0, %c0_i32 : i32, i32
  }
  func.func @transform_2(%arg0: i32) -> (i32, i32) {
    %c0_i32 = arith.constant 0 : i32
    %c0_i32_0 = arith.constant 0 : i32
    return %arg0, %c0_i32 : i32, i32
  }
  func.func @transform_3(%arg0: i32) -> (i32, i32) {
    %c0_i32 = arith.constant 0 : i32
    %c0_i32_0 = arith.constant 0 : i32
    %c0_i32_1 = arith.constant 0 : i32
    return %c0_i32, %c0_i32_0 : i32, i32
  }
  func.func @transform_4(%arg0: i32) -> (i32, i32) {
    %c0_i32 = arith.constant 0 : i32
    %c0_i32_0 = arith.constant 0 : i32
    return %arg0, %c0_i32 : i32, i32
  }
}

</mosaic_0001>

<sc_bundles>
// kernel: kernel.10.cloned.1.call-start
scs
__scs_entry_jumppad:
0x0: {  	(pc) =	sbr.rel $0x88, $3  }
0x1: {  	(tag) =	ssettag $0x0;
	lr =	simm.s32 $0x1  }
0x2: {  	[smem:$0x3F9D] =	sst lr;
	_ =	strace $0xD0000000  }
0x3: {  	_ = 	snop  }
0x4: {  	_ = 	snop  }
0x5: {  	_ = 	snop  }
0x6: {  	_ = 	snop  }
0x7: {  	_ = 	snop  }
__scs_overlays_trampoline_lowered:
0x8: {  	[smem:$0x3FAC] =	sst s0  }
0x9: {  	[smem:$0x3FAD] =	sst s1  }
0xa: {  	[smem:$0x3FAE] =	sst s2  }
0xb: {  	[smem:$0x3FAF] =	sst s3  }
0xc: {  	[smem:$0x3FB0] =	sst s4  }
0xd: {  	[smem:$0x3FB1] =	sst s5  }
0xe: {  	[smem:$0x3FB2] =	sst s6  }
0xf: {  	[smem:$0x3FB3] =	sst s7  }
0x10: {  	[smem:$0x3FB4] =	sst s8  }
0x11: {  	[smem:$0x3FB5] =	sst s9;
	s0 =	simm.s32 @!p0 $0x0  }
0x12: {  	s1 =	sld [smem:$0x3F9B];
	s0 =	simm.s32 @p0 $0x1  }
0x13: {  	[smem:$0x3FB6] =	sst s0;
	s0 =	simm.s32 @!p1 $0x0  }
0x14: {  	s2 =	sld [smem:$0x3F9A];
	s0 =	simm.s32 @p1 $0x1  }
0x15: {  	[smem:$0x3FB7] =	sst s0;
	s0 =	simm.s32 @!p2 $0x0  }
0x16: {  	s3 =	sld [smem:$0x3FDB];
	s0 =	simm.s32 @p2 $0x1  }
0x17: {  	s4 =	simm.s32 $0x1BF5;
	[smem:$0x3FB9] =	sst s0  }
0x18: {  	s0 =	sld [smem:$0x3F9C];
	_ =	swait.ge [sflag:s4], $0x0  }
0x19: {  	s7 =	sld [smem:$0x3F9D]  }
0x1a: {  	s8 =	sadd.s32 $0xFFFFE003, lr  }
0x1b: {  	s9 =	sadd.s32 $0xFFFFFEF7, lr;
	s5 =	simm.s32 $0xFFFFFFFF;
	p2 =	slt.u32 s8, $0xFFFFF086  }
0x1c: {  	p1 =	slt.u32 s9, $0xF7A;
	s5 =	simm.s32 @!p2 $0x0  }
0x1d: {  	s5 =	simm.s32 @p1 $0x1;
	p0 =	seq.s32 s7, s2  }
0x1e: {  	s7 =	smul.u32 @!p0 $0xF7A, s2;
	p2 =	seq.s32 @!p0 s5, $0x0  }
0x1f: {  	s9 =	smul.u32 $0xF7A, s1;
	s8 =	simm.s32 @!p0 $0x1BF5;
	p2 =	por !p2, p0  }
0x20: {  	[sflag:s8] =	ssyncset.s32 @!p0 $0xFFFFF086;
	s6 =	sadd.s32 @!p0 s3, s7;
	s7 =	simm.s32 @!p0 $0x108  }
0x21: {  	s3 =	sadd.s32 s3, s9;
	s6 =	sadd.s32 @!p0 $0x88, s6;
	s7 =	simm.s32 @p2 $0x1082  }
0x22: {  	[simem:s7], [sflag:s8] =	dma.local @!p0 [hbm:s6], $0xF7A  }
0x23: {  	s9 =	sor.u32 $0xD0000000, s2;
	s6 =	simm.s32 $0x108;
	_ =	swait.ge @!p0 [sflag:s8], $0x0  }
0x24: {  	s3 =	sadd.s32 $0x88, s3;
	s6 =	simm.s32 @!p1 $0x1082;
	[sflag:s4] =	ssyncset.s32 $0xFFFFF086  }
0x25: {  	[simem:s6], [sflag:s4] =	dma.local [hbm:s3], $0xF7A  }
0x26: {  	[smem:$0x3F9D] =	sst s1;
	(tag) =	ssettag s2;
	_ =	strace s9  }
0x27: {  	s1 =	sld [smem:$0x3FAD]  }
0x28: {  	s2 =	sld [smem:$0x3FAE]  }
0x29: {  	s4 =	sld [smem:$0x3FB0]  }
0x2a: {  	p0 =	seq.s32 s5, $0x0;
	s5 =	sld [smem:$0x3FB1]  }
0x2b: {  	s6 =	sld [smem:$0x3FB2]  }
0x2c: {  	s7 =	sld [smem:$0x3FB3]  }
0x2d: {  	s3 =	simm.s32 $0x108;
	s8 =	sld [smem:$0x3FB4]  }
0x2e: {  	s3 =	simm.s32 @!p0 $0x1082;
	s9 =	sld [smem:$0x3FB5]  }
0x2f: {  	lr =	sadd.s32 s0, s3;
	s0 =	sld [smem:$0x3FAC]  }
0x30: {  	s3 =	sld [smem:$0x3FAF]  }
0x31: {  	[smem:$0x3FB8] =	sst s10  }
0x32: {  	s10 =	sld [smem:$0x3FB6];
	_ =	sdelay $0x3  }
0x33: {  	p0 =	seq.s32 s10, $0x1;
	s10 =	sld [smem:$0x3FB8];
	_ =	sdelay $0x3  }
0x34: {  	[smem:$0x3FB8] =	sst s10  }
0x35: {  	s10 =	sld [smem:$0x3FB7];
	_ =	sdelay $0x3  }
0x36: {  	p1 =	seq.s32 s10, $0x1;
	s10 =	sld [smem:$0x3FB8];
	_ =	sdelay $0x3  }
0x37: {  	[smem:$0x3FB8] =	sst s10  }
0x38: {  	s10 =	sld [smem:$0x3FB9]  }
0x39: {  	_ = 	snop;
	(pc) =	sbr.ind lr, $3  }
0x3a: {  	_ = 	snop  }
0x3b: {  	_ = 	snop  }
0x3c: {  	p2 =	seq.s32 s10, $0x1;
	s10 =	sld [smem:$0x3FB8]  }
0x3d: {  	_ =	shalt  }
0x3e: {  	_ =	shalt  }
0x3f: {  	_ =	shalt  }
0x40: {  	_ =	shalt  }
0x41: {  	_ =	shalt  }
0x42: {  	_ =	shalt  }
0x43: {  	_ =	shalt  }
0x44: {  	_ =	shalt  }
0x45: {  	_ =	shalt  }
0x46: {  	_ =	shalt  }
0x47: {  	_ =	shalt  }
0x48: {  	_ =	shalt  }
0x49: {  	_ =	shalt  }
0x4a: {  	_ =	shalt  }
0x4b: {  	_ =	shalt  }
0x4c: {  	_ =	shalt  }
0x4d: {  	_ =	shalt  }
0x4e: {  	_ =	shalt  }
0x4f: {  	_ =	shalt  }
0x50: {  	_ =	shalt  }
0x51: {  	_ =	shalt  }
0x52: {  	_ =	shalt  }
0x53: {  	_ =	shalt  }
0x54: {  	_ =	shalt  }
0x55: {  	_ =	shalt  }
0x56: {  	_ =	shalt  }
0x57: {  	_ =	shalt  }
0x58: {  	_ =	shalt  }
0x59: {  	_ =	shalt  }
0x5a: {  	_ =	shalt  }
0x5b: {  	_ =	shalt  }
0x5c: {  	_ =	shalt  }
0x5d: {  	_ =	shalt  }
0x5e: {  	_ =	shalt  }
0x5f: {  	_ =	shalt  }
0x60: {  	_ =	shalt  }
0x61: {  	_ =	shalt  }
0x62: {  	_ =	shalt  }
0x63: {  	_ =	shalt  }
0x64: {  	_ =	shalt  }
0x65: {  	_ =	shalt  }
0x66: {  	_ =	shalt  }
0x67: {  	_ =	shalt  }
0x68: {  	_ =	shalt  }
0x69: {  	_ =	shalt  }
0x6a: {  	_ =	shalt  }
0x6b: {  	_ =	shalt  }
0x6c: {  	_ =	shalt  }
0x6d: {  	_ =	shalt  }
0x6e: {  	_ =	shalt  }
0x6f: {  	_ =	shalt  }
0x70: {  	_ =	shalt  }
0x71: {  	_ =	shalt  }
0x72: {  	_ =	shalt  }
0x73: {  	_ =	shalt  }
0x74: {  	_ =	shalt  }
0x75: {  	_ =	shalt  }
0x76: {  	_ =	shalt  }
0x77: {  	_ =	shalt  }
0x78: {  	_ =	shalt  }
0x79: {  	_ =	shalt  }
0x7a: {  	_ =	shalt  }
0x7b: {  	_ =	shalt  }
0x7c: {  	_ =	shalt  }
0x7d: {  	_ =	shalt  }
0x7e: {  	_ =	shalt  }
0x7f: {  	_ =	shalt  }
0x80: {  	_ =	shalt  }
0x81: {  	_ =	shalt  }
0x82: {  	_ =	shalt  }
0x83: {  	_ =	shalt  }
0x84: {  	_ =	shalt  }
0x85: {  	_ =	shalt  }
0x86: {  	_ =	shalt  }
0x87: {  	_ =	shalt  }
.Lfunc_end0:
.L_simem_size_0:
called_computation.1_lowered:
.L_overlay_start_0:
0x88: {  	s2 =	sld [smem:$0x3FD9]  }
0x89: {  	s3 =	sld [smem:$0x3FFE];
	_ =	sdelay $0x1  }
0x8a: {  	s1 =	srdreg.scid  }
0x8b: {  	s0 =	sand.u32 $0x1, s1  }
0x8c: {  	s17 =	sshll.u32 s0, $0xA;
	s2 =	sadd.s32 s3, s2  }
0x8d: {  	s2 =	sadd.s32 s2, s17  }
0x8e: {  	[smem:$0x3FC4] =	sst s2  }
0x8f: {  	_ = 	snop  }
0x90: {  	s2 =	sld [smem:$0x3FD0];
	(tm) =	ssettm $0x1  }
0x91: {  	s18 =	sld [smem:$0x3FFB];
	_ =	sdelay $0x3  }
0x92: {  	_ =	strace s18  }
0x93: {  	s3 =	sld [smem:$0x3FFC];
	_ =	sdelay $0x3  }
0x94: {  	_ =	strace s3  }
0x95: {  	s3 =	sld [smem:$0x3FFD];
	_ =	sdelay $0x3  }
0x96: {  	_ =	strace s3  }
0x97: {  	_ =	strace $0x8FFFFFFF  }
0x98: {  	s19 =	sld [smem:$0x3FDB];
	_ =	sdelay $0x1  }
0x99: {  	s4 =	simm.s32 $_scs_section_size  }
0x9a: {  	s5 =	simm.s32 $_size__tile_overlayer_lowered;
	s6 =	simm.s32 $_tile_overlayer_lowered  }
0x9b: {  	s22 =	simm.s32 $0x1BFF;
	s21 =	sshll.u32 s6, $0x1;
	s3 =	sadd.s32 s4, s19  }
0x9c: {  	s7 =	simm.s32 $0x0;
	s20 =	sshll.u32 s5, $0x1;
	s5 =	sadd.s32 s21, s3  }
0x9d: {  	[timem:s7], [sflag:s22] =	dma.local [hbm:s5], s20  }
0x9e: {  	_ =	swait.ge [sflag:s22], s20  }
0x9f: {  	s4 =	ssub.s32 $0x0, s20;
	[sflag:s22] =	ssyncset.done $0x0  }
0xa0: {  	[sflag:s22] =	ssyncadd.s32 s4;
	_ =	sdelay $0x1  }
0xa1: {  	s23 =	simm.s32 $0x1B8B  }
0xa2: {  	_ =	swait.ge [sflag:s23], $0x1  }
0xa3: {  	[sflag:s23] =	ssyncset.done $0x0  }
0xa4: {  	s25 =	simm.s32 $0x1B8E;
	s24 =	sld [smem:$0x3FFE];
	[sflag:s23] =	ssyncadd.s32 $0xFFFFFFFF  }
0xa5: {  	s26 =	simm.s32 $execute0_lowered;
	[smem:$0x3FD2] =	sst s25  }
0xa6: {  	s5 =	sshll.u32 s26, $0x1;
	_ =	strace $0x80000049;
	[dreg:$0x1] =	wrdreg $0xFFFFFFFF  }
0xa7: {  	s28 =	simm.s32 $_size_execute0_lowered;
	s3 =	sadd.s32 s3, s5;
	[dreg:$0x0] =	wrdreg $0x0  }
0xa8: {  	s5 =	sshll.u32 s28, $0x1;
	[dreg:$0x2] =	wrdreg s3  }
0xa9: {  	[dreg:$0x3] =	wrdreg s5  }
0xaa: {  	[dreg:$0x4] =	wrdreg $0xC0  }
0xab: {  	_ =	task [dreg:s7], $0x5FFFF  }
0xac: {  	[dreg:$0x1] =	wrdreg $0xFFFFFFFF  }
0xad: {  	[dreg:$0x0] =	wrdreg $0x60  }
0xae: {  	[dreg:$0x2] =	wrdreg s2  }
0xaf: {  	[dreg:$0x3] =	wrdreg s24  }
0xb0: {  	[dreg:$0x4] =	wrdreg $0x84000  }
0xb1: {  	[dreg:$0x5] =	wrdreg $0x9  }
0xb2: {  	_ =	task.clear_ibuf [dreg:s7], $0x6FFFF;
	_ =	strace $0x90000049  }
0xb3: {  	s29 =	simm.s32 $0x9;
	_ =	strace $0x8000004B  }
0xb4: {  	_ =	swait.ge [sflag:s29], $0x1  }
0xb5: {  	[sflag:s29] =	ssyncadd.s32 $0xFFFFFFFF  }
0xb6: {  	_ =	strace $0x9000004B  }
0xb7: {  	_ =	sfence  }
0xb8: {  	s30 =	sld [smem:$0x0];
	_ =	sdelay $0x2  }
0xb9: {  	s31 =	sshll.u32 s1, $0xD;
	s1 =	sshrl.u32 s1, $0x2  }
0xba: {  	s3 =	sand.u32 $0x4000, s31;
	s1 =	sadd.s32 s1, s30  }
0xbb: {  	s0 =	sor.u32 s3, s0;
	s1 =	sshll.u32 s1, $0x11  }
0xbc: {  	s0 =	sor.u32 s1, s0  }
0xbd: {  	s0 =	sadd.s32 $0x8F2B, s0  }
0xbe: {  	[sflag:s0] =	ssyncadd.remote.s32 $0x1  }
0xbf: {  	_ =	sfence.sel $0xFFFF  }
0xc0: {  	[dreg:$0x0] =	wrdreg $0xFFFFFFFF;
	(pc) =	sbr.abs _section_cstart, $3  }
0xc1: {  	[dreg:$0x1] =	wrdreg $0xFFFFFFFF  }
0xc2: {  	_ =	task.clear_ibuf [dreg:s7], $0x2FFFF;
	_ =	strace $0x9FFFFFFF  }
0xc3: {  	(tm) =	ssettm $0x7FFFFFFF  }
tec
execute0_lowered:
.L_overlay_start_1:
0x0: {  	(tag) =	ssettag $0x1  }
0x1: {  	s1 =	rddreg [dreg:$0x0]  }
0x2: {  	s0 =	rddreg [dreg:$0x1]  }
0x3: {  	s2 =	rddreg [dreg:$0x2];
	s3 =	simm.s32 $0x0  }
0x4: {  	s4 =	srdreg.scid;
	s11 =	stileid.u32;
	s28 =	simm.s32 $0xB  }
0x5: {  	s29 =	simm.s32 $0xA;
	[smem:$0x7FF] =	sst s3;
	s8 =	smul.u32 $0x50000, s11  }
0x6: {  	s4 =	sand.u32 $0x1, s4;
	s5 =	sadd.s32 $0x2600, s0;
	s17 =	smul.u32 $0x2780, s11  }
0x7: {  	s13 =	sadd.s32 $0x2610, s0;
	s6 =	smul.u32 $0x28000, s4;
	_ =	strace $0x8000004A  }
0x8: {  	s7 =	sshll.u32 s4, $0x4;
	s9 =	ssub.s32 $0x2, s4;
	s8 =	sshrl.u32 s8, $0x2  }
0x9: {  	s4 =	smul.u32 $0x27800, s4;
	s7 =	sor.u32 s11, s7;
	s22 =	sadd.s32 s8, s2  }
0xa: {  	s10 =	sshrl.u32 s9, $0x1;
	s14 =	sadd.s32 $0x4000, s22;
	[dreg:$0xb] =	wrdreg s22  }
0xb: {  	s6 =	sadd.s32 s6, s0;
	s15 =	sadd.s32 $0x8000, s22;
	[dreg:$0xc] =	wrdreg s14  }
0xc: {  	s12 =	smul.u32 $0x9E0, s7;
	s16 =	sadd.s32 $0xC000, s22;
	[dreg:$0xd] =	wrdreg s15  }
0xd: {  	s0 =	sadd.s32 s17, s4;
	s18 =	sadd.s32 $0x10000, s22;
	[dreg:$0xe] =	wrdreg s16  }
0xe: {  	s8 =	ssub.s32 s9, s10;
	s4 =	sadd.s32 $0x380, s0;
	[dreg:$0xf] =	wrdreg s18  }
0xf: {  	s23 =	sadd.s32 $0x300, s0;
	s8 =	smax.u32 s8, $0x1;
	[dreg:$0xa] =	wrdreg s12  }
0x10: {  	s25 =	sadd.s32 $0x280, s0;
	s0 =	sadd.s32 $0x200, s0;
	[dreg:$0x1b] =	wrdreg s8  }
0x11: {  	s30 =	simm.s32 $0x6;
	s19 =	sadd.s32 s5, s12;
	[dreg:$0x1c] =	wrdreg s0  }
0x12: {  	s31 =	simm.s32 $0xC;
	s21 =	sshrl.u32 s4, $0x2;
	[dreg:$0x10] =	wrdreg s19  }
0x13: {  	s20 =	smul.u32 $0x2800, s11;
	s24 =	sshrl.u32 s23, $0x2;
	[dreg:$0x14] =	wrdreg s21  }
0x14: {  	s11 =	simm.s32 $0x280;
	s4 =	sshrl.u32 s25, $0x2;
	[dreg:$0x15] =	wrdreg s24  }
0x15: {  	s7 =	smul.u32 $0x4F00, s7;
	s10 =	sadd.s32 s21, s5;
	[dreg:$0x16] =	wrdreg s4  }
0x16: {  	s9 =	simm.s32 $0x200;
	s26 =	sadd.s32 s24, s5;
	[dreg:$0x4] =	wrdreg s10  }
0x17: {  	s16 =	sadd.s32 $0x16200, s6;
	s17 =	sadd.s32 s4, s5;
	[dreg:$0x5] =	wrdreg s26  }
0x18: {  	s7 =	sshrl.u32 s7, $0x3;
	s4 =	sadd.s32 s20, s16;
	[dreg:$0x6] =	wrdreg s17  }
0x19: {  	s8 =	simm.s32 $0xD;
	s12 =	sadd.s32 $0x20, s7;
	[dreg:$0x18] =	wrdreg s4  }
0x1a: {  	s6 =	simm.s32 $0x300;
	s14 =	sadd.s32 $0x40, s7;
	[dreg:$0x11] =	wrdreg s12  }
0x1b: {  	s0 =	simm.s32 $0x7;
	s15 =	sadd.s32 $0x60, s7;
	[dreg:$0x12] =	wrdreg s14  }
0x1c: {  	s18 =	sadd.s32 $0x980, s7;
	s19 =	sadd.s32 $0x9A0, s7;
	[dreg:$0x13] =	wrdreg s15  }
0x1d: {  	s7 =	sadd.s32 $0x9C0, s7;
	s16 =	simm.s32 $0x4400;
	[dreg:$0x17] =	wrdreg s18  }
0x1e: {  	s20 =	sadd.s32 s5, s12;
	s21 =	sadd.s32 s5, s14;
	[dreg:$0x19] =	wrdreg s19  }
0x1f: {  	s23 =	sadd.s32 s5, s15;
	s24 =	sadd.s32 s5, s18;
	[dreg:$0x1a] =	wrdreg s7  }
0x20: {  	s25 =	sadd.s32 s5, s19;
	s26 =	sadd.s32 s5, s7;
	[dreg:$0x1d] =	wrdreg s20  }
0x21: {  	s4 =	simm.s32 $0x400;
	s10 =	simm.s32 $0x80;
	[dreg:$0x1e] =	wrdreg s21  }
0x22: {  	s12 =	simm.s32 $0x100;
	s14 =	simm.s32 $0x1;
	[dreg:$0x1f] =	wrdreg s23  }
0x23: {  	s15 =	simm.s32 $0x2;
	s17 =	simm.s32 $0x5;
	[smem:$0x7FB] =	sst s24  }
0x24: {  	s18 =	simm.s32 $0x380;
	s19 =	simm.s32 $0x4;
	[smem:$0x7FC] =	sst s25  }
0x25: {  	[smem:$0x7FD] =	sst s26;
	s21 =	simm.s32 $0x9;
	s24 =	simm.s32 $0x180  }
0x26: {  	v0 =	vimm.f32 $0.0e+00;
	s26 =	simm.s32 $0x3;
	s20 =	simm.s32 $0x8;
	s23 =	simm.s32 $0x0  }
.LBB2_1:
0x27: {  	[smem:$0x7FA] =	sst s23;
	s7 =	simm.s32 $0x0;
	s23 =	simm.s32 $0x200  }
.LBB2_2:
0x28: {  	p0 =	sne.s32 s23, $0xFE00;
	[tilespmem:s7+$0x470] =	vst v0  }
0x29: {  	[tilespmem:s7+$0x400] =	vst v0  }
0x2a: {  	[tilespmem:s7+$0x410] =	vst v0  }
.Ltmp0:
0x2b: {  	[tilespmem:s7+$0x420] =	vst v0;
	(pc) =	sbr.rel @p0 .LBB2_2-.Ltmp0, $4  }
0x2c: {  	[tilespmem:s7+$0x430] =	vst v0  }
0x2d: {  	[tilespmem:s7+$0x440] =	vst v0  }
0x2e: {  	[tilespmem:s7+$0x450] =	vst v0  }
0x2f: {  	[tilespmem:s7+$0x460] =	vst v0;
	s7 =	sshra.s32 s23, $0x2;
	s23 =	sadd.s32 $0x200, s23  }
0x30: {  	[tilespmem:s7+$0x470] =	vst v0  }
0x31: {  	[tilespmem:s7+$0x400] =	vst v0  }
0x32: {  	[tilespmem:s7+$0x410] =	vst v0  }
0x33: {  	[tilespmem:s7+$0x420] =	vst v0  }
0x34: {  	[tilespmem:s7+$0x430] =	vst v0  }
0x35: {  	[tilespmem:s7+$0x440] =	vst v0  }
0x36: {  	[tilespmem:s7+$0x450] =	vst v0  }
0x37: {  	[tilespmem:s7+$0x460] =	vst v0  }
0x38: {  	[spmem:s22] =	stream.linear.scatter [tilespmem:s4], [sflag:$0xD], $0x4000, $0x38;
	[tilespmem:$0x1C400] =	vst v63  }
0x39: {  	_ =	swait.ge [sflag:s8], $0x4000  }
0x3a: {  	[sflag:s8] =	ssyncset.done $0x0  }
0x3b: {  	s23 =	rddreg [dreg:$0xc];
	[sflag:s8] =	ssyncadd.s32 $0xFFFFC000  }
0x3c: {  	[spmem:s23] =	stream.linear.scatter [tilespmem:s4], [sflag:$0xD], $0x4000, $0x38;
	[tilespmem:$0x1C400] =	vst v63  }
0x3d: {  	_ =	swait.ge [sflag:s8], $0x4000  }
0x3e: {  	[sflag:s8] =	ssyncset.done $0x0  }
0x3f: {  	s25 =	rddreg [dreg:$0xd];
	[sflag:s8] =	ssyncadd.s32 $0xFFFFC000  }
0x40: {  	[spmem:s25] =	stream.linear.scatter [tilespmem:s4], [sflag:$0xD], $0x4000, $0x38;
	[tilespmem:$0x1C400] =	vst v63  }
0x41: {  	_ =	swait.ge [sflag:s8], $0x4000  }
0x42: {  	[sflag:s8] =	ssyncset.done $0x0  }
0x43: {  	s22 =	rddreg [dreg:$0xe];
	[sflag:s8] =	ssyncadd.s32 $0xFFFFC000  }
0x44: {  	[spmem:s22] =	stream.linear.scatter [tilespmem:s4], [sflag:$0xD], $0x4000, $0x38;
	[tilespmem:$0x1C400] =	vst v63  }
0x45: {  	_ =	swait.ge [sflag:s8], $0x4000  }
0x46: {  	[sflag:s8] =	ssyncset.done $0x0  }
0x47: {  	s23 =	rddreg [dreg:$0xf];
	[sflag:s8] =	ssyncadd.s32 $0xFFFFC000  }
0x48: {  	[spmem:s23] =	stream.linear.scatter [tilespmem:s4], [sflag:$0xD], $0x4000, $0x38;
	[tilespmem:$0x1C400] =	vst v63  }
0x49: {  	_ =	swait.ge [sflag:s8], $0x4000  }
0x4a: {  	[sflag:s8] =	ssyncset.done $0x0  }
0x4b: {  	[sflag:s8] =	ssyncadd.s32 $0xFFFFC000  }
0x4c: {  	[bflag:$0x0] =	sbarrier.arrive $0xFFFF  }
0x4d: {  	s25 =	rddreg [dreg:$0x10]  }
0x4e: {  	s7 =	simm.s32 $0x0;
	s22 =	rddreg [dreg:$0xa]  }
0x4f: {  	[tilespmem:s7], [sflag:$0x1] =	stream.linear.gather [hbm4b:s25+s7], $0x80, $0x38;
	[tilespmem:$0x1C400] =	vst v63  }
0x50: {  	s23 =	sadd.s32 s22, s13;
	s25 =	rddreg [dreg:$0x11]  }
0x51: {  	[tilespmem:s9], [sflag:$0x5] =	stream.linear.gather [hbm4b:s23+s7], $0x80, $0x38;
	[tilespmem:$0x1C400] =	vst v63  }
0x52: {  	s23 =	rddreg [dreg:$0x1d]  }
0x53: {  	[tilespmem:s10], [sflag:$0x2] =	stream.linear.gather [hbm4b:s23+s7], $0x80, $0x38;
	[tilespmem:$0x1C400] =	vst v63  }
0x54: {  	s22 =	sadd.s32 s25, s13;
	s25 =	rddreg [dreg:$0x12]  }
0x55: {  	[tilespmem:s11], [sflag:$0x6] =	stream.linear.gather [hbm4b:s22+s7], $0x80, $0x38;
	[tilespmem:$0x1C400] =	vst v63  }
0x56: {  	s23 =	rddreg [dreg:$0x1e]  }
0x57: {  	[tilespmem:s12], [sflag:$0x3] =	stream.linear.gather [hbm4b:s23+s7], $0x80, $0x38;
	[tilespmem:$0x1C400] =	vst v63  }
0x58: {  	s8 =	sadd.s32 s25, s13  }
0x59: {  	[tilespmem:s6], [sflag:$0x7] =	stream.linear.gather [hbm4b:s8+s7], $0x80, $0x38;
	[tilespmem:$0x1C400] =	vst v63  }
0x5a: {  	_ =	swait.ge [sflag:s14], $0x80  }
0x5b: {  	[sflag:s14] =	ssyncset.done $0x0  }
0x5c: {  	[sflag:s14] =	ssyncadd.s32 $0xFFFFFF80  }
0x5d: {  	[tilespmem:s4], [sflag:$0x9] =	stream.indirect.gather [hbm4b:s1+s10], $0x80, s7, s10, $0xb8;
	[tilespmem:$0x1C400] =	vst v63  }
0x5e: {  	_ =	swait.ge [sflag:s15], $0x80  }
0x5f: {  	[sflag:s15] =	ssyncset.done $0x0  }
0x60: {  	[sflag:s15] =	ssyncadd.s32 $0xFFFFFF80  }
0x61: {  	[tilespmem:s16], [sflag:$0xA] =	stream.indirect.gather [hbm4b:s1+s10], $0x80, s10, s10, $0xb8;
	[tilespmem:$0x1C400] =	vst v63  }
0x62: {  	_ =	swait.ge [sflag:s21], $0x4000  }
0x63: {  	[sflag:s21] =	ssyncset.done $0x0  }
0x64: {  	[sflag:s21] =	ssyncadd.s32 $0xFFFFC000  }
0x65: {  	_ =	swait.ge [sflag:s17], $0x80  }
0x66: {  	[sflag:s17] =	ssyncset.done $0x0;
	s22 =	rddreg [dreg:$0x1f]  }
0x67: {  	s23 =	rddreg [dreg:$0x13];
	[sflag:s17] =	ssyncadd.s32 $0xFFFFFF80  }
0x68: {  	[spmem:s2] =	stream.indirect.scatter.add.f32 [tilespmem:s4], [sflag:$0xB], $0x80, s9, s10, $0xb8;
	[tilespmem:$0x1C400] =	vst v63  }
0x69: {  	s8 =	rddreg [dreg:$0x14]  }
0x6a: {  	[tilespmem:s24], [sflag:$0x4] =	stream.linear.gather [hbm4b:s22+s7], $0x80, $0x38;
	[tilespmem:$0x1C400] =	vst v63  }
0x6b: {  	s25 =	sadd.s32 s23, s13;
	s23 =	rddreg [dreg:$0x16]  }
0x6c: {  	[tilespmem:s18], [sflag:$0x8] =	stream.linear.gather [hbm4b:s25+s7], $0x80, $0x38;
	[tilespmem:$0x1C400] =	vst v63  }
0x6d: {  	s22 =	rddreg [dreg:$0x15];
	s7 =	sadd.s32 s13, s8  }
0x6e: {  	[dreg:$0x7] =	wrdreg s7;
	s7 =	sadd.s32 s13, s22  }
0x6f: {  	[dreg:$0x8] =	wrdreg s7;
	s7 =	sadd.s32 s13, s23  }
0x70: {  	[dreg:$0x9] =	wrdreg s7  }
0x71: {  	_ =	swait.ge [sflag:s26], $0x80  }
0x72: {  	[sflag:s26] =	ssyncset.done $0x0  }
0x73: {  	[sflag:s26] =	ssyncadd.s32 $0xFFFFFF80  }
0x74: {  	_ =	swait.ge [sflag:s28], $0x4000  }
0x75: {  	[sflag:s28] =	ssyncset.done $0x0  }
0x76: {  	[sflag:s28] =	ssyncadd.s32 $0xFFFFC000  }
0x77: {  	[tilespmem:s4], [sflag:$0x9] =	stream.indirect.gather [hbm4b:s1+s10], $0x80, s12, s10, $0xb8;
	[tilespmem:$0x1C400] =	vst v63  }
0x78: {  	_ =	swait.ge [sflag:s29], $0x4000  }
0x79: {  	[sflag:s29] =	ssyncset.done $0x0  }
0x7a: {  	[sflag:s29] =	ssyncadd.s32 $0xFFFFC000  }
0x7b: {  	_ =	swait.ge [sflag:s30], $0x80  }
0x7c: {  	[sflag:s30] =	ssyncset.done $0x0;
	s8 =	rddreg [dreg:$0x1c]  }
0x7d: {  	[sflag:s30] =	ssyncadd.s32 $0xFFFFFF80;
	s25 =	sshrl.u32 s8, $0x2  }
0x7e: {  	[spmem:s2] =	stream.indirect.scatter.add.f32 [tilespmem:s16], [sflag:$0xC], $0x80, s11, s10, $0xb8;
	[tilespmem:$0x1C400] =	vst v63  }
0x7f: {  	s22 =	sadd.s32 s5, s25  }
0x80: {  	[tilespmem:s3], [sflag:$0x1] =	stream.linear.gather [hbm4b:s22+s3], $0x80, $0x38;
	[tilespmem:$0x1C400] =	vst v63  }
0x81: {  	s7 =	sadd.s32 s13, s25  }
0x82: {  	[tilespmem:s9], [sflag:$0x5] =	stream.linear.gather [hbm4b:s7+s3], $0x80, $0x38;
	[tilespmem:$0x1C400] =	vst v63  }
0x83: {  	_ =	swait.ge [sflag:s19], $0x80  }
0x84: {  	[sflag:s19] =	ssyncset.done $0x0  }
0x85: {  	[sflag:s19] =	ssyncadd.s32 $0xFFFFFF80  }
0x86: {  	_ =	swait.ge [sflag:s31], $0x4000  }
0x87: {  	[sflag:s31] =	ssyncset.done $0x0  }
0x88: {  	[sflag:s31] =	ssyncadd.s32 $0xFFFFC000  }
0x89: {  	[tilespmem:s16], [sflag:$0xA] =	stream.indirect.gather [hbm4b:s1+s10], $0x80, s24, s10, $0xb8;
	[tilespmem:$0x1C400] =	vst v63  }
0x8a: {  	_ =	swait.ge [sflag:s21], $0x4000  }
0x8b: {  	[sflag:s21] =	ssyncset.done $0x0  }
0x8c: {  	[sflag:s21] =	ssyncadd.s32 $0xFFFFC000  }
0x8d: {  	_ =	swait.ge [sflag:s0], $0x80  }
0x8e: {  	[sflag:s0] =	ssyncset.done $0x0  }
0x8f: {  	s23 =	rddreg [dreg:$0x6];
	[sflag:s0] =	ssyncadd.s32 $0xFFFFFF80  }
0x90: {  	[spmem:s2] =	stream.indirect.scatter.add.f32 [tilespmem:s4], [sflag:$0xB], $0x80, s6, s10, $0xb8;
	[tilespmem:$0x1C400] =	vst v63  }
0x91: {  	s25 =	rddreg [dreg:$0x9];
	s7 =	sadd.s32 $0x0, s23  }
0x92: {  	[tilespmem:s10], [sflag:$0x2] =	stream.linear.gather [hbm4b:s7+s3], $0x80, $0x38;
	[tilespmem:$0x1C400] =	vst v63  }
0x93: {  	s22 =	sadd.s32 $0x0, s25  }
0x94: {  	[tilespmem:s11], [sflag:$0x6] =	stream.linear.gather [hbm4b:s22+s3], $0x80, $0x38;
	[tilespmem:$0x1C400] =	vst v63  }
0x95: {  	_ =	swait.ge [sflag:s14], $0x80  }
0x96: {  	[sflag:s14] =	ssyncset.done $0x0  }
0x97: {  	[sflag:s14] =	ssyncadd.s32 $0xFFFFFF80  }
0x98: {  	_ =	swait.ge [sflag:s28], $0x4000  }
0x99: {  	[sflag:s28] =	ssyncset.done $0x0  }
0x9a: {  	[sflag:s28] =	ssyncadd.s32 $0xFFFFC000  }
0x9b: {  	[tilespmem:s4], [sflag:$0x9] =	stream.indirect.gather [hbm4b:s1+s10], $0x80, s3, s10, $0xb8;
	[tilespmem:$0x1C400] =	vst v63  }
0x9c: {  	_ =	swait.ge [sflag:s29], $0x4000  }
0x9d: {  	[sflag:s29] =	ssyncset.done $0x0  }
0x9e: {  	[sflag:s29] =	ssyncadd.s32 $0xFFFFC000  }
0x9f: {  	_ =	swait.ge [sflag:s20], $0x80  }
0xa0: {  	[sflag:s20] =	ssyncset.done $0x0  }
0xa1: {  	s23 =	rddreg [dreg:$0x5];
	[sflag:s20] =	ssyncadd.s32 $0xFFFFFF80  }
0xa2: {  	[spmem:s2] =	stream.indirect.scatter.add.f32 [tilespmem:s16], [sflag:$0xC], $0x80, s18, s10, $0xb8;
	[tilespmem:$0x1C400] =	vst v63  }
0xa3: {  	s25 =	rddreg [dreg:$0x8];
	s7 =	sadd.s32 $0x0, s23  }
0xa4: {  	[tilespmem:s12], [sflag:$0x3] =	stream.linear.gather [hbm4b:s7+s3], $0x80, $0x38;
	[tilespmem:$0x1C400] =	vst v63  }
0xa5: {  	s22 =	sadd.s32 $0x0, s25  }
0xa6: {  	[tilespmem:s6], [sflag:$0x7] =	stream.linear.gather [hbm4b:s22+s3], $0x80, $0x38;
	[tilespmem:$0x1C400] =	vst v63  }
0xa7: {  	_ =	swait.ge [sflag:s15], $0x80  }
0xa8: {  	[sflag:s15] =	ssyncset.done $0x0  }
0xa9: {  	[sflag:s15] =	ssyncadd.s32 $0xFFFFFF80  }
0xaa: {  	_ =	swait.ge [sflag:s31], $0x4000  }
0xab: {  	[sflag:s31] =	ssyncset.done $0x0  }
0xac: {  	[sflag:s31] =	ssyncadd.s32 $0xFFFFC000  }
0xad: {  	[tilespmem:s16], [sflag:$0xA] =	stream.indirect.gather [hbm4b:s1+s10], $0x80, s10, s10, $0xb8;
	[tilespmem:$0x1C400] =	vst v63  }
0xae: {  	_ =	swait.ge [sflag:s21], $0x4000  }
0xaf: {  	[sflag:s21] =	ssyncset.done $0x0  }
0xb0: {  	[sflag:s21] =	ssyncadd.s32 $0xFFFFC000  }
0xb1: {  	_ =	swait.ge [sflag:s17], $0x80  }
0xb2: {  	[sflag:s17] =	ssyncset.done $0x0  }
0xb3: {  	s23 =	rddreg [dreg:$0x4];
	[sflag:s17] =	ssyncadd.s32 $0xFFFFFF80  }
0xb4: {  	[spmem:s2] =	stream.indirect.scatter.add.f32 [tilespmem:s4], [sflag:$0xB], $0x80, s9, s10, $0xb8;
	[tilespmem:$0x1C400] =	vst v63  }
0xb5: {  	s25 =	rddreg [dreg:$0x7];
	s7 =	sadd.s32 $0x0, s23  }
0xb6: {  	[tilespmem:s24], [sflag:$0x4] =	stream.linear.gather [hbm4b:s7+s3], $0x80, $0x38;
	[tilespmem:$0x1C400] =	vst v63  }
0xb7: {  	s23 =	simm.s32 $0x80;
	s25 =	sadd.s32 $0x0, s25;
	s7 =	sadd.s32 $0x200, s8  }
.LBB2_4:
0xb8: {  	[tilespmem:s18], [sflag:$0x8] =	stream.linear.gather [hbm4b:s25+s3], $0x80, $0x38;
	[tilespmem:$0x1C400] =	vst v63  }
0xb9: {  	_ =	swait.ge [sflag:s26], $0x80  }
0xba: {  	[sflag:s26] =	ssyncset.done $0x0  }
0xbb: {  	[sflag:s26] =	ssyncadd.s32 $0xFFFFFF80  }
0xbc: {  	_ =	swait.ge [sflag:s28], $0x4000  }
0xbd: {  	[sflag:s28] =	ssyncset.done $0x0  }
0xbe: {  	[sflag:s28] =	ssyncadd.s32 $0xFFFFC000  }
0xbf: {  	[tilespmem:s4], [sflag:$0x9] =	stream.indirect.gather [hbm4b:s1+s10], $0x80, s12, s10, $0xb8;
	[tilespmem:$0x1C400] =	vst v63  }
0xc0: {  	_ =	swait.ge [sflag:s29], $0x4000  }
0xc1: {  	[sflag:s29] =	ssyncset.done $0x0  }
0xc2: {  	[sflag:s29] =	ssyncadd.s32 $0xFFFFC000  }
0xc3: {  	_ =	swait.ge [sflag:s30], $0x80  }
0xc4: {  	[sflag:s30] =	ssyncset.done $0x0  }
0xc5: {  	s22 =	sshrl.u32 s7, $0x2;
	[sflag:s30] =	ssyncadd.s32 $0xFFFFFF80  }
0xc6: {  	[spmem:s2] =	stream.indirect.scatter.add.f32 [tilespmem:s16], [sflag:$0xC], $0x80, s11, s10, $0xb8;
	[tilespmem:$0x1C400] =	vst v63  }
0xc7: {  	s8 =	sadd.s32 s5, s22  }
0xc8: {  	[tilespmem:s3], [sflag:$0x1] =	stream.linear.gather [hbm4b:s8+s3], $0x80, $0x38;
	[tilespmem:$0x1C400] =	vst v63  }
0xc9: {  	s22 =	sadd.s32 s13, s22  }
0xca: {  	[tilespmem:s9], [sflag:$0x5] =	stream.linear.gather [hbm4b:s22+s3], $0x80, $0x38;
	[tilespmem:$0x1C400] =	vst v63  }
0xcb: {  	_ =	swait.ge [sflag:s19], $0x80  }
0xcc: {  	[sflag:s19] =	ssyncset.done $0x0  }
0xcd: {  	[sflag:s19] =	ssyncadd.s32 $0xFFFFFF80  }
0xce: {  	_ =	swait.ge [sflag:s31], $0x4000  }
0xcf: {  	[sflag:s31] =	ssyncset.done $0x0  }
0xd0: {  	[sflag:s31] =	ssyncadd.s32 $0xFFFFC000  }
0xd1: {  	[tilespmem:s16], [sflag:$0xA] =	stream.indirect.gather [hbm4b:s1+s10], $0x80, s24, s10, $0xb8;
	[tilespmem:$0x1C400] =	vst v63  }
0xd2: {  	_ =	swait.ge [sflag:s21], $0x4000  }
0xd3: {  	[sflag:s21] =	ssyncset.done $0x0  }
0xd4: {  	[sflag:s21] =	ssyncadd.s32 $0xFFFFC000  }
0xd5: {  	_ =	swait.ge [sflag:s0], $0x80  }
0xd6: {  	[sflag:s0] =	ssyncset.done $0x0  }
0xd7: {  	s25 =	smov.u32 s23;
	s8 =	rddreg [dreg:$0x6];
	[sflag:s0] =	ssyncadd.s32 $0xFFFFFF80  }
0xd8: {  	[spmem:s2] =	stream.indirect.scatter.add.f32 [tilespmem:s4], [sflag:$0xB], $0x80, s6, s10, $0xb8;
	[tilespmem:$0x1C400] =	vst v63  }
0xd9: {  	s22 =	rddreg [dreg:$0x9];
	s8 =	sadd.s32 s25, s8  }
0xda: {  	[tilespmem:s10], [sflag:$0x2] =	stream.linear.gather [hbm4b:s8+s3], $0x80, $0x38;
	[tilespmem:$0x1C400] =	vst v63  }
0xdb: {  	s22 =	sadd.s32 s25, s22  }
0xdc: {  	[tilespmem:s11], [sflag:$0x6] =	stream.linear.gather [hbm4b:s22+s3], $0x80, $0x38;
	[tilespmem:$0x1C400] =	vst v63  }
0xdd: {  	_ =	swait.ge [sflag:s14], $0x80  }
0xde: {  	[sflag:s14] =	ssyncset.done $0x0  }
0xdf: {  	[sflag:s14] =	ssyncadd.s32 $0xFFFFFF80  }
0xe0: {  	_ =	swait.ge [sflag:s28], $0x4000  }
0xe1: {  	[sflag:s28] =	ssyncset.done $0x0  }
0xe2: {  	[sflag:s28] =	ssyncadd.s32 $0xFFFFC000  }
0xe3: {  	[tilespmem:s4], [sflag:$0x9] =	stream.indirect.gather [hbm4b:s1+s10], $0x80, s3, s10, $0xb8;
	[tilespmem:$0x1C400] =	vst v63  }
0xe4: {  	_ =	swait.ge [sflag:s29], $0x4000  }
0xe5: {  	[sflag:s29] =	ssyncset.done $0x0  }
0xe6: {  	[sflag:s29] =	ssyncadd.s32 $0xFFFFC000  }
0xe7: {  	_ =	swait.ge [sflag:s20], $0x80  }
0xe8: {  	[sflag:s20] =	ssyncset.done $0x0  }
0xe9: {  	s8 =	rddreg [dreg:$0x5];
	[sflag:s20] =	ssyncadd.s32 $0xFFFFFF80  }
0xea: {  	[spmem:s2] =	stream.indirect.scatter.add.f32 [tilespmem:s16], [sflag:$0xC], $0x80, s18, s10, $0xb8;
	[tilespmem:$0x1C400] =	vst v63  }
0xeb: {  	s22 =	rddreg [dreg:$0x8];
	s8 =	sadd.s32 s25, s8  }
0xec: {  	[tilespmem:s12], [sflag:$0x3] =	stream.linear.gather [hbm4b:s8+s3], $0x80, $0x38;
	[tilespmem:$0x1C400] =	vst v63  }
0xed: {  	s22 =	sadd.s32 s25, s22  }
0xee: {  	[tilespmem:s6], [sflag:$0x7] =	stream.linear.gather [hbm4b:s22+s3], $0x80, $0x38;
	[tilespmem:$0x1C400] =	vst v63  }
0xef: {  	_ =	swait.ge [sflag:s15], $0x80  }
0xf0: {  	[sflag:s15] =	ssyncset.done $0x0  }
0xf1: {  	[sflag:s15] =	ssyncadd.s32 $0xFFFFFF80  }
0xf2: {  	_ =	swait.ge [sflag:s31], $0x4000  }
0xf3: {  	[sflag:s31] =	ssyncset.done $0x0  }
0xf4: {  	[sflag:s31] =	ssyncadd.s32 $0xFFFFC000  }
0xf5: {  	[tilespmem:s16], [sflag:$0xA] =	stream.indirect.gather [hbm4b:s1+s10], $0x80, s10, s10, $0xb8;
	[tilespmem:$0x1C400] =	vst v63  }
0xf6: {  	_ =	swait.ge [sflag:s21], $0x4000  }
0xf7: {  	[sflag:s21] =	ssyncset.done $0x0  }
0xf8: {  	[sflag:s21] =	ssyncadd.s32 $0xFFFFC000  }
0xf9: {  	p0 =	sne.s32 s23, $0x880;
	_ =	swait.ge [sflag:s17], $0x80  }
.Ltmp1:
0xfa: {  	[sflag:s17] =	ssyncset.done $0x0;
	s8 =	rddreg [dreg:$0x4];
	(pc) =	sbr.rel @p0 .LBB2_4-.Ltmp1, $4  }
0xfb: {  	s23 =	sadd.s32 $0x80, s23;
	s22 =	rddreg [dreg:$0x7];
	[sflag:s17] =	ssyncadd.s32 $0xFFFFFF80  }
0xfc: {  	[spmem:s2] =	stream.indirect.scatter.add.f32 [tilespmem:s4], [sflag:$0xB], $0x80, s9, s10, $0xb8;
	[tilespmem:$0x1C400] =	vst v63  }
0xfd: {  	s7 =	sadd.s32 $0x200, s7;
	s8 =	sadd.s32 s25, s8;
	s25 =	sadd.s32 s25, s22  }
0xfe: {  	[tilespmem:s24], [sflag:$0x4] =	stream.linear.gather [hbm4b:s8+s3], $0x80, $0x38;
	[tilespmem:$0x1C400] =	vst v63  }
0xff: {  	[tilespmem:s18], [sflag:$0x8] =	stream.linear.gather [hbm4b:s25+s3], $0x80, $0x38;
	[tilespmem:$0x1C400] =	vst v63  }
0x100: {  	_ =	swait.ge [sflag:s26], $0x80  }
0x101: {  	[sflag:s26] =	ssyncset.done $0x0  }
0x102: {  	[sflag:s26] =	ssyncadd.s32 $0xFFFFFF80  }
0x103: {  	_ =	swait.ge [sflag:s28], $0x4000  }
0x104: {  	[sflag:s28] =	ssyncset.done $0x0  }
0x105: {  	[sflag:s28] =	ssyncadd.s32 $0xFFFFC000  }
0x106: {  	[tilespmem:s4], [sflag:$0x9] =	stream.indirect.gather [hbm4b:s1+s10], $0x80, s12, s10, $0xb8;
	[tilespmem:$0x1C400] =	vst v63  }
0x107: {  	_ =	swait.ge [sflag:s29], $0x4000  }
0x108: {  	[sflag:s29] =	ssyncset.done $0x0  }
0x109: {  	[sflag:s29] =	ssyncadd.s32 $0xFFFFC000  }
0x10a: {  	_ =	swait.ge [sflag:s30], $0x80  }
0x10b: {  	[sflag:s30] =	ssyncset.done $0x0  }
0x10c: {  	s7 =	sld [smem:$0x7FB];
	[sflag:s30] =	ssyncadd.s32 $0xFFFFFF80  }
0x10d: {  	[spmem:s2] =	stream.indirect.scatter.add.f32 [tilespmem:s16], [sflag:$0xC], $0x80, s11, s10, $0xb8;
	[tilespmem:$0x1C400] =	vst v63  }
0x10e: {  	s23 =	rddreg [dreg:$0x17]  }
0x10f: {  	[tilespmem:s3], [sflag:$0x1] =	stream.linear.gather [hbm4b:s7+s3], $0x80, $0x38;
	[tilespmem:$0x1C400] =	vst v63  }
0x110: {  	s7 =	sadd.s32 s23, s13  }
0x111: {  	[tilespmem:s9], [sflag:$0x5] =	stream.linear.gather [hbm4b:s7+s3], $0x80, $0x38;
	[tilespmem:$0x1C400] =	vst v63  }
0x112: {  	_ =	swait.ge [sflag:s19], $0x80  }
0x113: {  	[sflag:s19] =	ssyncset.done $0x0  }
0x114: {  	[sflag:s19] =	ssyncadd.s32 $0xFFFFFF80  }
0x115: {  	_ =	swait.ge [sflag:s31], $0x4000  }
0x116: {  	[sflag:s31] =	ssyncset.done $0x0  }
0x117: {  	[sflag:s31] =	ssyncadd.s32 $0xFFFFC000  }
0x118: {  	[tilespmem:s16], [sflag:$0xA] =	stream.indirect.gather [hbm4b:s1+s10], $0x80, s24, s10, $0xb8;
	[tilespmem:$0x1C400] =	vst v63  }
0x119: {  	_ =	swait.ge [sflag:s21], $0x4000  }
0x11a: {  	[sflag:s21] =	ssyncset.done $0x0  }
0x11b: {  	[sflag:s21] =	ssyncadd.s32 $0xFFFFC000  }
0x11c: {  	_ =	swait.ge [sflag:s0], $0x80  }
0x11d: {  	[sflag:s0] =	ssyncset.done $0x0  }
0x11e: {  	s25 =	sld [smem:$0x7FC];
	[sflag:s0] =	ssyncadd.s32 $0xFFFFFF80  }
0x11f: {  	[spmem:s2] =	stream.indirect.scatter.add.f32 [tilespmem:s4], [sflag:$0xB], $0x80, s6, s10, $0xb8;
	[tilespmem:$0x1C400] =	vst v63  }
0x120: {  	s8 =	rddreg [dreg:$0x19]  }
0x121: {  	[tilespmem:s10], [sflag:$0x2] =	stream.linear.gather [hbm4b:s25+s3], $0x80, $0x38;
	[tilespmem:$0x1C400] =	vst v63  }
0x122: {  	s7 =	sadd.s32 s8, s13  }
0x123: {  	[tilespmem:s11], [sflag:$0x6] =	stream.linear.gather [hbm4b:s7+s3], $0x80, $0x38;
	[tilespmem:$0x1C400] =	vst v63  }
0x124: {  	_ =	swait.ge [sflag:s14], $0x80  }
0x125: {  	[sflag:s14] =	ssyncset.done $0x0  }
0x126: {  	[sflag:s14] =	ssyncadd.s32 $0xFFFFFF80  }
0x127: {  	_ =	swait.ge [sflag:s28], $0x4000  }
0x128: {  	[sflag:s28] =	ssyncset.done $0x0  }
0x129: {  	[sflag:s28] =	ssyncadd.s32 $0xFFFFC000  }
0x12a: {  	[tilespmem:s4], [sflag:$0x9] =	stream.indirect.gather [hbm4b:s1+s10], $0x80, s3, s10, $0xb8;
	[tilespmem:$0x1C400] =	vst v63  }
0x12b: {  	_ =	swait.ge [sflag:s29], $0x4000  }
0x12c: {  	[sflag:s29] =	ssyncset.done $0x0  }
0x12d: {  	[sflag:s29] =	ssyncadd.s32 $0xFFFFC000  }
0x12e: {  	_ =	swait.ge [sflag:s20], $0x80  }
0x12f: {  	[sflag:s20] =	ssyncset.done $0x0  }
0x130: {  	s22 =	sld [smem:$0x7FD];
	[sflag:s20] =	ssyncadd.s32 $0xFFFFFF80  }
0x131: {  	[spmem:s2] =	stream.indirect.scatter.add.f32 [tilespmem:s16], [sflag:$0xC], $0x80, s18, s10, $0xb8;
	[tilespmem:$0x1C400] =	vst v63  }
0x132: {  	s23 =	rddreg [dreg:$0x1a]  }
0x133: {  	[tilespmem:s12], [sflag:$0x3] =	stream.linear.gather [hbm4b:s22+s3], $0x80, $0x38;
	[tilespmem:$0x1C400] =	vst v63  }
0x134: {  	s7 =	sadd.s32 s23, s13  }
0x135: {  	[tilespmem:s6], [sflag:$0x7] =	stream.linear.gather [hbm4b:s7+s3], $0x80, $0x38;
	[tilespmem:$0x1C400] =	vst v63  }
0x136: {  	_ =	swait.ge [sflag:s15], $0x80  }
0x137: {  	[sflag:s15] =	ssyncset.done $0x0  }
0x138: {  	[sflag:s15] =	ssyncadd.s32 $0xFFFFFF80  }
0x139: {  	_ =	swait.ge [sflag:s31], $0x4000  }
0x13a: {  	[sflag:s31] =	ssyncset.done $0x0  }
0x13b: {  	[sflag:s31] =	ssyncadd.s32 $0xFFFFC000  }
0x13c: {  	[tilespmem:s16], [sflag:$0xA] =	stream.indirect.gather [hbm4b:s1+s10], $0x80, s10, s10, $0xb8;
	[tilespmem:$0x1C400] =	vst v63  }
0x13d: {  	_ =	swait.ge [sflag:s21], $0x4000  }
0x13e: {  	[sflag:s21] =	ssyncset.done $0x0  }
0x13f: {  	[sflag:s21] =	ssyncadd.s32 $0xFFFFC000  }
0x140: {  	_ =	swait.ge [sflag:s17], $0x80  }
0x141: {  	[sflag:s17] =	ssyncset.done $0x0  }
0x142: {  	[sflag:s17] =	ssyncadd.s32 $0xFFFFFF80  }
0x143: {  	[spmem:s2] =	stream.indirect.scatter.add.f32 [tilespmem:s4], [sflag:$0xB], $0x80, s9, s10, $0xb8;
	[tilespmem:$0x1C400] =	vst v63  }
0x144: {  	_ =	swait.ge [sflag:s26], $0x80  }
0x145: {  	[sflag:s26] =	ssyncset.done $0x0  }
0x146: {  	[sflag:s26] =	ssyncadd.s32 $0xFFFFFF80  }
0x147: {  	_ =	swait.ge [sflag:s28], $0x4000  }
0x148: {  	[sflag:s28] =	ssyncset.done $0x0  }
0x149: {  	[sflag:s28] =	ssyncadd.s32 $0xFFFFC000  }
0x14a: {  	[tilespmem:s4], [sflag:$0x9] =	stream.indirect.gather [hbm4b:s1+s10], $0x80, s12, s10, $0xb8;
	[tilespmem:$0x1C400] =	vst v63  }
0x14b: {  	_ =	swait.ge [sflag:s29], $0x4000  }
0x14c: {  	[sflag:s29] =	ssyncset.done $0x0  }
0x14d: {  	[sflag:s29] =	ssyncadd.s32 $0xFFFFC000  }
0x14e: {  	_ =	swait.ge [sflag:s30], $0x80  }
0x14f: {  	[sflag:s30] =	ssyncset.done $0x0  }
0x150: {  	[sflag:s30] =	ssyncadd.s32 $0xFFFFFF80  }
0x151: {  	[spmem:s2] =	stream.indirect.scatter.add.f32 [tilespmem:s16], [sflag:$0xC], $0x80, s11, s10, $0xb8;
	[tilespmem:$0x1C400] =	vst v63  }
0x152: {  	_ =	swait.ge [sflag:s31], $0x4000  }
0x153: {  	[sflag:s31] =	ssyncset.done $0x0  }
0x154: {  	[sflag:s31] =	ssyncadd.s32 $0xFFFFC000  }
0x155: {  	_ =	swait.ge [sflag:s21], $0x4000  }
0x156: {  	[sflag:s21] =	ssyncset.done $0x0  }
0x157: {  	[sflag:s21] =	ssyncadd.s32 $0xFFFFC000  }
0x158: {  	_ =	swait.ge [sflag:s0], $0x80  }
0x159: {  	[sflag:s0] =	ssyncset.done $0x0  }
0x15a: {  	[sflag:s0] =	ssyncadd.s32 $0xFFFFFF80  }
0x15b: {  	[spmem:s2] =	stream.indirect.scatter.add.f32 [tilespmem:s4], [sflag:$0xB], $0x80, s6, s10, $0xb8;
	[tilespmem:$0x1C400] =	vst v63  }
0x15c: {  	_ =	swait.ge [sflag:s28], $0x4000  }
0x15d: {  	[sflag:s28] =	ssyncset.done $0x0  }
0x15e: {  	[sflag:s28] =	ssyncadd.s32 $0xFFFFC000  }
0x15f: {  	s25 =	stileid.u32;
	[bflag:$0x0] =	sbarrier.arrive $0xFFFF  }
0x160: {  	s7 =	sshll.u32 s25, $0x6;
	s22 =	rddreg [dreg:$0xb]  }
0x161: {  	s7 =	sor.u32 $0x1C0D, s7;
	s23 =	rddreg [dreg:$0x18];
	s8 =	sshrl.u32 s22, $0x3  }
0x162: {  	[hbm:s23], [sflag:s7] =	dma.local [spmem:s8], $0x2800  }
0x163: {  	s8 =	simm.s32 $0xD  }
0x164: {  	_ =	swait.ge [sflag:s8], $0x2800  }
0x165: {  	s7 =	sld [smem:$0x7FA];
	_ =	sdelay $0x2  }
0x166: {  	s25 =	rddreg [dreg:$0x1b];
	s23 =	sadd.s32 $0x1, s7  }
0x167: {  	p0 =	sne.s32 s23, s25  }
.Ltmp2:
0x168: {  	_ = 	snop;
	(pc) =	sbr.rel @p0 .LBB2_1-.Ltmp2, $3  }
0x169: {  	_ =	sdelay $0x1  }
0x16a: {  	[sflag:s8] =	ssyncset.done $0x0  }
0x16b: {  	[sflag:s8] =	ssyncadd.s32 $0xFFFFD800  }
0x16c: {  	_ =	sfence.sel $0x180000  }
0x16d: {  	[bflag:$0x0] =	sbarrier.arrive $0xFFFF  }
0x16e: {  	_ =	strace $0x9000004A  }
0x16f: {  	s0 =	stileid.u32;
	[bflag:$0x2] =	sbarrier.arrive $0xFFFF  }
0x170: {  	p0 =	sne.s32 s0, $0x0;
	s0 =	rddreg [dreg:$0x3]  }
0x171: {  	s0 =	sadd.s32 @!p0 $0x100000, s0  }
0x172: {  	[sflag:s0] =	ssyncadd.tile.s32 @!p0 $0x1;
	_ =	shalt  }
.Lfunc_end2:
_tile_overlayer_lowered:
.L_overlay_start_2:
0x173: {  	(tag) =	ssettag $0x2  }
0x174: {  	s0 =	rddreg [dreg:$0x0];
	s2 =	stileid.u32  }
0x175: {  	s1 =	rddreg [dreg:$0x1];
	p0 =	sne.s32 s2, $0x0  }
0x176: {  	s3 =	rddreg [dreg:$0x2];
	[bflag:$0x3] =	sbarrier.arrive $0xFFFF;
	s2 =	simm.s32 @!p0 $0x1C0D  }
0x177: {  	[timem:s3], [sflag:s2] =	dma.local @!p0 [hbm:s0], s1  }
0x178: {  	s0 =	simm.s32 @!p0 $0xD  }
0x179: {  	_ =	swait.ge @!p0 [sflag:s0], s1  }
0x17a: {  	s1 =	ssub.s32 @!p0 $0x0, s1;
	[sflag:s0] =	ssyncset.done @!p0 $0x0  }
0x17b: {  	[sflag:s0] =	ssyncadd.s32 @!p0 s1  }
0x17c: {  	[bflag:$0x3] =	sbarrier.arrive $0xFFFF  }
0x17d: {  	_ =	shalt  }

// kernel: kernel.7.cloned.1.call-start
scs
__scs_entry_jumppad:
0x0: {  	(pc) =	sbr.rel $0x88, $3  }
0x1: {  	(tag) =	ssettag $0x0;
	lr =	simm.s32 $0x1  }
0x2: {  	[smem:$0x3F9D] =	sst lr;
	_ =	strace $0xD0000000  }
0x3: {  	_ = 	snop  }
0x4: {  	_ = 	snop  }
0x5: {  	_ = 	snop  }
0x6: {  	_ = 	snop  }
0x7: {  	_ = 	snop  }
__scs_overlays_trampoline_lowered:
0x8: {  	[smem:$0x3FAC] =	sst s0  }
0x9: {  	[smem:$0x3FAD] =	sst s1  }
0xa: {  	[smem:$0x3FAE] =	sst s2  }
0xb: {  	[smem:$0x3FAF] =	sst s3  }
0xc: {  	[smem:$0x3FB0] =	sst s4  }
0xd: {  	[smem:$0x3FB1] =	sst s5  }
0xe: {  	[smem:$0x3FB2] =	sst s6  }
0xf: {  	[smem:$0x3FB3] =	sst s7  }
0x10: {  	[smem:$0x3FB4] =	sst s8  }
0x11: {  	[smem:$0x3FB5] =	sst s9;
	s0 =	simm.s32 @!p0 $0x0  }
0x12: {  	s1 =	sld [smem:$0x3F9B];
	s0 =	simm.s32 @p0 $0x1  }
0x13: {  	[smem:$0x3FB6] =	sst s0;
	s0 =	simm.s32 @!p1 $0x0  }
0x14: {  	s2 =	sld [smem:$0x3F9A];
	s0 =	simm.s32 @p1 $0x1  }
0x15: {  	[smem:$0x3FB7] =	sst s0;
	s0 =	simm.s32 @!p2 $0x0  }
0x16: {  	s3 =	sld [smem:$0x3FDB];
	s0 =	simm.s32 @p2 $0x1  }
0x17: {  	s4 =	simm.s32 $0x1BF5;
	[smem:$0x3FB9] =	sst s0  }
0x18: {  	s0 =	sld [smem:$0x3F9C];
	_ =	swait.ge [sflag:s4], $0x0  }
0x19: {  	s7 =	sld [smem:$0x3F9D]  }
0x1a: {  	s8 =	sadd.s32 $0xFFFFE003, lr  }
0x1b: {  	s9 =	sadd.s32 $0xFFFFFEF7, lr;
	s5 =	simm.s32 $0xFFFFFFFF;
	p2 =	slt.u32 s8, $0xFFFFF086  }
0x1c: {  	p1 =	slt.u32 s9, $0xF7A;
	s5 =	simm.s32 @!p2 $0x0  }
0x1d: {  	s5 =	simm.s32 @p1 $0x1;
	p0 =	seq.s32 s7, s2  }
0x1e: {  	s7 =	smul.u32 @!p0 $0xF7A, s2;
	p2 =	seq.s32 @!p0 s5, $0x0  }
0x1f: {  	s9 =	smul.u32 $0xF7A, s1;
	s8 =	simm.s32 @!p0 $0x1BF5;
	p2 =	por !p2, p0  }
0x20: {  	[sflag:s8] =	ssyncset.s32 @!p0 $0xFFFFF086;
	s6 =	sadd.s32 @!p0 s3, s7;
	s7 =	simm.s32 @!p0 $0x108  }
0x21: {  	s3 =	sadd.s32 s3, s9;
	s6 =	sadd.s32 @!p0 $0x88, s6;
	s7 =	simm.s32 @p2 $0x1082  }
0x22: {  	[simem:s7], [sflag:s8] =	dma.local @!p0 [hbm:s6], $0xF7A  }
0x23: {  	s9 =	sor.u32 $0xD0000000, s2;
	s6 =	simm.s32 $0x108;
	_ =	swait.ge @!p0 [sflag:s8], $0x0  }
0x24: {  	s3 =	sadd.s32 $0x88, s3;
	s6 =	simm.s32 @!p1 $0x1082;
	[sflag:s4] =	ssyncset.s32 $0xFFFFF086  }
0x25: {  	[simem:s6], [sflag:s4] =	dma.local [hbm:s3], $0xF7A  }
0x26: {  	[smem:$0x3F9D] =	sst s1;
	(tag) =	ssettag s2;
	_ =	strace s9  }
0x27: {  	s1 =	sld [smem:$0x3FAD]  }
0x28: {  	s2 =	sld [smem:$0x3FAE]  }
0x29: {  	s4 =	sld [smem:$0x3FB0]  }
0x2a: {  	p0 =	seq.s32 s5, $0x0;
	s5 =	sld [smem:$0x3FB1]  }
0x2b: {  	s6 =	sld [smem:$0x3FB2]  }
0x2c: {  	s7 =	sld [smem:$0x3FB3]  }
0x2d: {  	s3 =	simm.s32 $0x108;
	s8 =	sld [smem:$0x3FB4]  }
0x2e: {  	s3 =	simm.s32 @!p0 $0x1082;
	s9 =	sld [smem:$0x3FB5]  }
0x2f: {  	lr =	sadd.s32 s0, s3;
	s0 =	sld [smem:$0x3FAC]  }
0x30: {  	s3 =	sld [smem:$0x3FAF]  }
0x31: {  	[smem:$0x3FB8] =	sst s10  }
0x32: {  	s10 =	sld [smem:$0x3FB6];
	_ =	sdelay $0x3  }
0x33: {  	p0 =	seq.s32 s10, $0x1;
	s10 =	sld [smem:$0x3FB8];
	_ =	sdelay $0x3  }
0x34: {  	[smem:$0x3FB8] =	sst s10  }
0x35: {  	s10 =	sld [smem:$0x3FB7];
	_ =	sdelay $0x3  }
0x36: {  	p1 =	seq.s32 s10, $0x1;
	s10 =	sld [smem:$0x3FB8];
	_ =	sdelay $0x3  }
0x37: {  	[smem:$0x3FB8] =	sst s10  }
0x38: {  	s10 =	sld [smem:$0x3FB9]  }
0x39: {  	_ = 	snop;
	(pc) =	sbr.ind lr, $3  }
0x3a: {  	_ = 	snop  }
0x3b: {  	_ = 	snop  }
0x3c: {  	p2 =	seq.s32 s10, $0x1;
	s10 =	sld [smem:$0x3FB8]  }
0x3d: {  	_ =	shalt  }
0x3e: {  	_ =	shalt  }
0x3f: {  	_ =	shalt  }
0x40: {  	_ =	shalt  }
0x41: {  	_ =	shalt  }
0x42: {  	_ =	shalt  }
0x43: {  	_ =	shalt  }
0x44: {  	_ =	shalt  }
0x45: {  	_ =	shalt  }
0x46: {  	_ =	shalt  }
0x47: {  	_ =	shalt  }
0x48: {  	_ =	shalt  }
0x49: {  	_ =	shalt  }
0x4a: {  	_ =	shalt  }
0x4b: {  	_ =	shalt  }
0x4c: {  	_ =	shalt  }
0x4d: {  	_ =	shalt  }
0x4e: {  	_ =	shalt  }
0x4f: {  	_ =	shalt  }
0x50: {  	_ =	shalt  }
0x51: {  	_ =	shalt  }
0x52: {  	_ =	shalt  }
0x53: {  	_ =	shalt  }
0x54: {  	_ =	shalt  }
0x55: {  	_ =	shalt  }
0x56: {  	_ =	shalt  }
0x57: {  	_ =	shalt  }
0x58: {  	_ =	shalt  }
0x59: {  	_ =	shalt  }
0x5a: {  	_ =	shalt  }
0x5b: {  	_ =	shalt  }
0x5c: {  	_ =	shalt  }
0x5d: {  	_ =	shalt  }
0x5e: {  	_ =	shalt  }
0x5f: {  	_ =	shalt  }
0x60: {  	_ =	shalt  }
0x61: {  	_ =	shalt  }
0x62: {  	_ =	shalt  }
0x63: {  	_ =	shalt  }
0x64: {  	_ =	shalt  }
0x65: {  	_ =	shalt  }
0x66: {  	_ =	shalt  }
0x67: {  	_ =	shalt  }
0x68: {  	_ =	shalt  }
0x69: {  	_ =	shalt  }
0x6a: {  	_ =	shalt  }
0x6b: {  	_ =	shalt  }
0x6c: {  	_ =	shalt  }
0x6d: {  	_ =	shalt  }
0x6e: {  	_ =	shalt  }
0x6f: {  	_ =	shalt  }
0x70: {  	_ =	shalt  }
0x71: {  	_ =	shalt  }
0x72: {  	_ =	shalt  }
0x73: {  	_ =	shalt  }
0x74: {  	_ =	shalt  }
0x75: {  	_ =	shalt  }
0x76: {  	_ =	shalt  }
0x77: {  	_ =	shalt  }
0x78: {  	_ =	shalt  }
0x79: {  	_ =	shalt  }
0x7a: {  	_ =	shalt  }
0x7b: {  	_ =	shalt  }
0x7c: {  	_ =	shalt  }
0x7d: {  	_ =	shalt  }
0x7e: {  	_ =	shalt  }
0x7f: {  	_ =	shalt  }
0x80: {  	_ =	shalt  }
0x81: {  	_ =	shalt  }
0x82: {  	_ =	shalt  }
0x83: {  	_ =	shalt  }
0x84: {  	_ =	shalt  }
0x85: {  	_ =	shalt  }
0x86: {  	_ =	shalt  }
0x87: {  	_ =	shalt  }
.Lfunc_end0:
.L_simem_size_0:
called_computation_lowered:
.L_overlay_start_0:
0x88: {  	s2 =	sld [smem:$0x3FD9]  }
0x89: {  	s3 =	sld [smem:$0x3FFE];
	_ =	sdelay $0x1  }
0x8a: {  	s1 =	srdreg.scid  }
0x8b: {  	s0 =	sand.u32 $0x1, s1  }
0x8c: {  	s17 =	sshll.u32 s0, $0xA;
	s2 =	sadd.s32 s3, s2  }
0x8d: {  	s2 =	sadd.s32 s2, s17  }
0x8e: {  	[smem:$0x3FC4] =	sst s2  }
0x8f: {  	_ = 	snop  }
0x90: {  	s2 =	sld [smem:$0x3FD0];
	(tm) =	ssettm $0x1  }
0x91: {  	s18 =	sld [smem:$0x3FFB];
	_ =	sdelay $0x3  }
0x92: {  	_ =	strace s18  }
0x93: {  	s3 =	sld [smem:$0x3FFC];
	_ =	sdelay $0x3  }
0x94: {  	_ =	strace s3  }
0x95: {  	s3 =	sld [smem:$0x3FFD];
	_ =	sdelay $0x3  }
0x96: {  	_ =	strace s3  }
0x97: {  	_ =	strace $0x8FFFFFFF  }
0x98: {  	s19 =	sld [smem:$0x3FDB];
	_ =	sdelay $0x1  }
0x99: {  	s4 =	simm.s32 $_scs_section_size  }
0x9a: {  	s5 =	simm.s32 $_size__tile_overlayer_lowered;
	s6 =	simm.s32 $_tile_overlayer_lowered  }
0x9b: {  	s22 =	simm.s32 $0x1BFF;
	s21 =	sshll.u32 s6, $0x1;
	s3 =	sadd.s32 s4, s19  }
0x9c: {  	s7 =	simm.s32 $0x0;
	s20 =	sshll.u32 s5, $0x1;
	s5 =	sadd.s32 s21, s3  }
0x9d: {  	[timem:s7], [sflag:s22] =	dma.local [hbm:s5], s20  }
0x9e: {  	_ =	swait.ge [sflag:s22], s20  }
0x9f: {  	s4 =	ssub.s32 $0x0, s20;
	[sflag:s22] =	ssyncset.done $0x0  }
0xa0: {  	[sflag:s22] =	ssyncadd.s32 s4;
	_ =	sdelay $0x1  }
0xa1: {  	s23 =	simm.s32 $0x1B8B  }
0xa2: {  	_ =	swait.ge [sflag:s23], $0x1  }
0xa3: {  	[sflag:s23] =	ssyncset.done $0x0  }
0xa4: {  	s25 =	simm.s32 $0x1B8E;
	s24 =	sld [smem:$0x3FFE];
	[sflag:s23] =	ssyncadd.s32 $0xFFFFFFFF  }
0xa5: {  	s26 =	simm.s32 $execute0_lowered;
	[smem:$0x3FD2] =	sst s25  }
0xa6: {  	s5 =	sshll.u32 s26, $0x1;
	_ =	strace $0x80000046;
	[dreg:$0x1] =	wrdreg $0xFFFFFFFF  }
0xa7: {  	s28 =	simm.s32 $_size_execute0_lowered;
	s3 =	sadd.s32 s3, s5;
	[dreg:$0x0] =	wrdreg $0x0  }
0xa8: {  	s5 =	sshll.u32 s28, $0x1;
	[dreg:$0x2] =	wrdreg s3  }
0xa9: {  	[dreg:$0x3] =	wrdreg s5  }
0xaa: {  	[dreg:$0x4] =	wrdreg $0xC0  }
0xab: {  	_ =	task [dreg:s7], $0x5FFFF  }
0xac: {  	[dreg:$0x1] =	wrdreg $0xFFFFFFFF  }
0xad: {  	[dreg:$0x0] =	wrdreg $0x60  }
0xae: {  	[dreg:$0x2] =	wrdreg s2  }
0xaf: {  	[dreg:$0x3] =	wrdreg s24  }
0xb0: {  	[dreg:$0x4] =	wrdreg $0x2B000  }
0xb1: {  	[dreg:$0x5] =	wrdreg $0x9  }
0xb2: {  	_ =	task.clear_ibuf [dreg:s7], $0x6FFFF;
	_ =	strace $0x90000046  }
0xb3: {  	s29 =	simm.s32 $0x9;
	_ =	strace $0x80000048  }
0xb4: {  	_ =	swait.ge [sflag:s29], $0x1  }
0xb5: {  	[sflag:s29] =	ssyncadd.s32 $0xFFFFFFFF  }
0xb6: {  	_ =	strace $0x90000048  }
0xb7: {  	_ =	sfence  }
0xb8: {  	s30 =	sld [smem:$0x0];
	_ =	sdelay $0x2  }
0xb9: {  	s31 =	sshll.u32 s1, $0xD;
	s1 =	sshrl.u32 s1, $0x2  }
0xba: {  	s3 =	sand.u32 $0x4000, s31;
	s1 =	sadd.s32 s1, s30  }
0xbb: {  	s0 =	sor.u32 s3, s0;
	s1 =	sshll.u32 s1, $0x11  }
0xbc: {  	s0 =	sor.u32 s1, s0  }
0xbd: {  	s0 =	sadd.s32 $0x8F2B, s0  }
0xbe: {  	[sflag:s0] =	ssyncadd.remote.s32 $0x1  }
0xbf: {  	_ =	sfence.sel $0xFFFF  }
0xc0: {  	[dreg:$0x0] =	wrdreg $0xFFFFFFFF;
	(pc) =	sbr.abs _section_cstart, $3  }
0xc1: {  	[dreg:$0x1] =	wrdreg $0xFFFFFFFF  }
0xc2: {  	_ =	task.clear_ibuf [dreg:s7], $0x2FFFF;
	_ =	strace $0x9FFFFFFF  }
0xc3: {  	(tm) =	ssettm $0x7FFFFFFF  }
tec
execute0_lowered:
.L_overlay_start_1:
0x0: {  	(tag) =	ssettag $0x1  }
0x1: {  	s4 =	rddreg [dreg:$0x0]  }
0x2: {  	s6 =	rddreg [dreg:$0x1]  }
0x3: {  	s2 =	rddreg [dreg:$0x2]  }
0x4: {  	s0 =	srdreg.scid;
	s1 =	rddreg [dreg:$0x3]  }
0x5: {  	s3 =	simm.s32 $0x0;
	s10 =	simm.s32 $0x2780;
	s14 =	simm.s32 $0x20  }
0x6: {  	s15 =	simm.s32 $0x10;
	s16 =	simm.s32 $0x0;
	s5 =	sand.u32 $0x1, s0  }
0x7: {  	s0 =	stileid.u32;
	[smem:$0x7FF] =	sst s3;
	s7 =	sshll.u32 s5, $0x4  }
0x8: {  	s5 =	ssub.s32 $0x2, s5;
	s9 =	smul.u32 $0xA00, s0;
	_ =	strace $0x80000047  }
0x9: {  	s12 =	smul.u32 $0xA0, s0;
	s13 =	sshll.u32 s0, $0x6;
	s8 =	sor.u32 s0, s7  }
0xa: {  	s6 =	sadd.s32 s7, s6;
	s30 =	sshrl.u32 s5, $0x1;
	s8 =	smul.u32 $0x4F0, s8  }
0xb: {  	s7 =	ssub.s32 s5, s30;
	s31 =	sshrl.u32 s9, $0x2;
	s11 =	sadd.s32 $0x1C00, s6  }
0xc: {  	s9 =	simm.s32 $0x80;
	s5 =	sadd.s32 s31, s2;
	s6 =	smax.u32 s7, $0x1  }
0xd: {  	s7 =	simm.s32 $0x1;
	s11 =	sadd.s32 s12, s11;
	s12 =	sor.u32 $0x1C01, s13  }
0xe: {  	v0 =	vimm.f32 $1.000000000e+00;
	v1 =	vimm.f32 $0.0e+00;
	s4 =	sadd.s32 s4, s8;
	s8 =	simm.s32 $0x2880;
	s13 =	sshrl.u32 s5, $0x3  }
.LBB2_1:
0xf: {  	[tilespmem:s3], [sflag:$0x1] =	stream.linear.gather [hbm4b:s4+s3], $0x2780, $0x38;
	[tilespmem:$0x2D80] =	vst v63  }
0x10: {  	_ =	swait.ge [sflag:s7], $0x2780  }
0x11: {  	[sflag:s7] =	ssyncset.done $0x0  }
0x12: {  	[sflag:s7] =	ssyncadd.s32 $0xFFFFD880  }
0x13: {  	[tilespmem:$0x2780] =	vst v0  }
0x14: {  	[tilespmem:$0x2790] =	vst v0  }
0x15: {  	[tilespmem:$0x27A0] =	vst v0  }
0x16: {  	[tilespmem:$0x27B0] =	vst v0  }
0x17: {  	[tilespmem:$0x27C0] =	vst v0  }
0x18: {  	[tilespmem:$0x27D0] =	vst v0  }
0x19: {  	[tilespmem:$0x27E0] =	vst v0  }
0x1a: {  	[tilespmem:$0x27F0] =	vst v0  }
0x1b: {  	[tilespmem:$0x2800] =	vst v0  }
0x1c: {  	[tilespmem:$0x2880] =	vst v1  }
0x1d: {  	[tilespmem:$0x2890] =	vst v1  }
0x1e: {  	[tilespmem:$0x28A0] =	vst v1  }
0x1f: {  	[tilespmem:$0x28B0] =	vst v1  }
0x20: {  	[tilespmem:$0x28C0] =	vst v1  }
0x21: {  	[tilespmem:$0x28D0] =	vst v1  }
0x22: {  	[tilespmem:$0x28E0] =	vst v1  }
0x23: {  	[tilespmem:$0x28F0] =	vst v1  }
0x24: {  	[tilespmem:$0x2900] =	vst v1  }
0x25: {  	[tilespmem:$0x2910] =	vst v1  }
0x26: {  	[tilespmem:$0x2920] =	vst v1  }
0x27: {  	[tilespmem:$0x2930] =	vst v1  }
0x28: {  	[tilespmem:$0x2940] =	vst v1  }
0x29: {  	[tilespmem:$0x2950] =	vst v1  }
0x2a: {  	[tilespmem:$0x2960] =	vst v1  }
0x2b: {  	[tilespmem:$0x2970] =	vst v1  }
0x2c: {  	[tilespmem:$0x2980] =	vst v1  }
0x2d: {  	[tilespmem:$0x2990] =	vst v1  }
0x2e: {  	[tilespmem:$0x29A0] =	vst v1  }
0x2f: {  	[tilespmem:$0x29B0] =	vst v1  }
0x30: {  	[tilespmem:$0x29C0] =	vst v1  }
0x31: {  	[tilespmem:$0x29D0] =	vst v1  }
0x32: {  	[tilespmem:$0x29E0] =	vst v1  }
0x33: {  	[tilespmem:$0x29F0] =	vst v1  }
0x34: {  	[tilespmem:$0x2A00] =	vst v1  }
0x35: {  	[tilespmem:$0x2A10] =	vst v1  }
0x36: {  	[tilespmem:$0x2A20] =	vst v1  }
0x37: {  	[tilespmem:$0x2A30] =	vst v1  }
0x38: {  	[tilespmem:$0x2A40] =	vst v1  }
0x39: {  	[tilespmem:$0x2A50] =	vst v1  }
0x3a: {  	[tilespmem:$0x2A60] =	vst v1  }
0x3b: {  	[tilespmem:$0x2A70] =	vst v1  }
0x3c: {  	[tilespmem:$0x2A80] =	vst v1  }
0x3d: {  	[tilespmem:$0x2A90] =	vst v1  }
0x3e: {  	[tilespmem:$0x2AA0] =	vst v1  }
0x3f: {  	[tilespmem:$0x2AB0] =	vst v1  }
0x40: {  	[tilespmem:$0x2AC0] =	vst v1  }
0x41: {  	[tilespmem:$0x2AD0] =	vst v1  }
0x42: {  	[tilespmem:$0x2AE0] =	vst v1  }
0x43: {  	[tilespmem:$0x2AF0] =	vst v1  }
0x44: {  	[spmem:s5] =	stream.linear.scatter [tilespmem:s8], [sflag:$0x1], $0x280, $0x38;
	[tilespmem:$0x2D80] =	vst v63  }
0x45: {  	_ =	swait.ge [sflag:s7], $0x280  }
0x46: {  	[sflag:s7] =	ssyncset.done $0x0  }
0x47: {  	[sflag:s7] =	ssyncadd.s32 $0xFFFFFD80  }
0x48: {  	s17 =	simm.s32 $0x0;
	[bflag:$0x0] =	sbarrier.arrive $0xFFFF  }
0x49: {  	[spmem:s2] =	stream.indirect.scatter.add.f32 [tilespmem:s10], [sflag:$0x1], $0x1, s17, s9, $0xb8;
	[tilespmem:$0x2D80] =	vst v63  }
0x4a: {  	_ =	swait.ge [sflag:s7], $0x80  }
0x4b: {  	s17 =	simm.s32 $0x200;
	[sflag:s7] =	ssyncset.done $0x0  }
.LBB2_2:
0x4c: {  	s18 =	sshra.s32 s17, $0x2;
	[sflag:s7] =	ssyncadd.s32 $0xFFFFFF80;
	p0 =	sne.s32 s17, $0x9C00  }
0x4d: {  	[spmem:s2] =	stream.indirect.scatter.add.f32 [tilespmem:s10], [sflag:$0x1], $0x1, s18, s9, $0xb8;
	[tilespmem:$0x2D80] =	vst v63  }
.Ltmp0:
0x4e: {  	_ = 	snop;
	(pc) =	sbr.rel @p0 .LBB2_2-.Ltmp0, $4  }
0x4f: {  	_ = 	snop  }
0x50: {  	s17 =	sadd.s32 $0x200, s17  }
0x51: {  	_ =	swait.ge [sflag:s7], $0x80  }
0x52: {  	[sflag:s7] =	ssyncset.done $0x0  }
0x53: {  	s16 =	sadd.s32 $0x1, s16  }
0x54: {  	[sflag:s7] =	ssyncadd.s32 $0xFFFFFF80;
	p0 =	sne.s32 s16, s6  }
.Ltmp1:
0x55: {  	[bflag:$0x0] =	sbarrier.arrive $0xFFFF;
	(pc) =	sbr.rel @p0 .LBB2_1-.Ltmp1, $4  }
0x56: {  	[hbm:s11@s14], [sflag:s12] =	dma.strided [spmem:s13@s15], $0x50, s7, $0x10   }
0x57: {  	_ =	swait.ge [sflag:s7], $0x50  }
0x58: {  	[sflag:s7] =	ssyncset.done $0x0  }
0x59: {  	[sflag:s7] =	ssyncadd.s32 $0xFFFFFFB0  }
0x5a: {  	_ =	sfence.sel $0x180000  }
0x5b: {  	[bflag:$0x0] =	sbarrier.arrive $0xFFFF  }
0x5c: {  	p0 =	sne.s32 s0, $0x0;
	_ =	strace $0x90000047  }
0x5d: {  	s0 =	sadd.s32 @!p0 $0x100000, s1;
	[bflag:$0x2] =	sbarrier.arrive $0xFFFF  }
0x5e: {  	[sflag:s0] =	ssyncadd.tile.s32 @!p0 $0x1;
	_ =	shalt  }
.Lfunc_end2:
_tile_overlayer_lowered:
.L_overlay_start_2:
0x5f: {  	(tag) =	ssettag $0x2  }
0x60: {  	s0 =	rddreg [dreg:$0x0];
	s2 =	stileid.u32  }
0x61: {  	s1 =	rddreg [dreg:$0x1];
	p0 =	sne.s32 s2, $0x0  }
0x62: {  	s3 =	rddreg [dreg:$0x2];
	[bflag:$0x3] =	sbarrier.arrive $0xFFFF;
	s2 =	simm.s32 @!p0 $0x1C01  }
0x63: {  	[timem:s3], [sflag:s2] =	dma.local @!p0 [hbm:s0], s1  }
0x64: {  	s0 =	simm.s32 @!p0 $0x1  }
0x65: {  	_ =	swait.ge @!p0 [sflag:s0], s1  }
0x66: {  	s1 =	ssub.s32 @!p0 $0x0, s1;
	[sflag:s0] =	ssyncset.done @!p0 $0x0  }
0x67: {  	[sflag:s0] =	ssyncadd.s32 @!p0 s1  }
0x68: {  	[bflag:$0x3] =	sbarrier.arrive $0xFFFF  }
0x69: {  	_ =	shalt  }

</sc_bundles>
